<compile_context>
chip_gen: v7x
topology: tpu7x:2x2x1
jax: 0.10.2.dev20260603
libtpu: 0.0.44.dev20260713+nightly
codegen_flags: <defaults>
</compile_context>

<pallas_src>
import functools

import jax
import jax.numpy as jnp
from jax import lax
from jax.experimental import pallas as pl
from jax.experimental.pallas import tpu as pltpu
from jax.experimental.pallas import tpu_sc as plsc

B = 4
NV = 50000
NO = 2000
E1 = 100000
E2 = 2000
H = 512
NA = 8
EA = E1 + NO
EP = 102400
NE = B * EP
NB = 2048
NW = 32
PER = NE // NW
CH = 3200
EBLK = 512
NBLK = NE // EBLK


def _leaky(x):
    return jnp.where(x > 0, x, 0.2 * x)


def _tc0_body(cat_ref, w_ref, b0_ref, att_ref, out_ref):
    outs = []
    for b in range(B):
        z = jnp.dot(cat_ref[b], w_ref[...],
                    preferred_element_type=jnp.float32) + b0_ref[...]
        c = jnp.dot(_leaky(z), att_ref[...],
                    preferred_element_type=jnp.float32)
        outs.append(c.reshape(1, NO))
    out_ref[...] = jnp.concatenate(outs, axis=0)


def _sc1_body(src_tab, dst_tab, sidx, didx, gs_out, gd_out,
              sbuf_i, dbuf_i, sbuf_r, dbuf_r, sem1, sem2):
    wid = lax.axis_index("s") * 2 + lax.axis_index("c")
    base = wid * PER
    for k in range(PER // CH):
        off = base + k * CH
        pltpu.sync_copy(sidx.at[pl.ds(off, CH)], sbuf_i)
        pltpu.sync_copy(didx.at[pl.ds(off, CH)], dbuf_i)
        cp1 = pltpu.async_copy(src_tab.at[sbuf_i], sbuf_r, sem1)
        cp2 = pltpu.async_copy(dst_tab.at[dbuf_i], dbuf_r, sem2)
        cp1.wait()
        cp2.wait()
        pltpu.sync_copy(sbuf_r, gs_out.at[pl.ds(off, CH)])
        pltpu.sync_copy(dbuf_r, gd_out.at[pl.ds(off, CH)])


def _tc1_body(gs_ref, gd_ref, sr_ref, dr_ref, ws_ref, wd_ref, b0_ref,
              att_ref, out_ref):
    i = pl.program_id(0)
    gs = gs_ref[...]
    gd = gd_ref[...]
    z = (jnp.dot(gs, ws_ref[...], preferred_element_type=jnp.float32)
         + jnp.dot(gd, wd_ref[...], preferred_element_type=jnp.float32)
         + b0_ref[...])
    e = jnp.dot(_leaky(z), att_ref[...],
                preferred_element_type=jnp.float32)
    srcv = sr_ref[...].reshape(EBLK, 1)
    dstv = dr_ref[...].reshape(EBLK, 1)
    pos = ((i % (EP // EBLK)) * EBLK
           + lax.broadcasted_iota(jnp.int32, (EBLK, 1), 0))
    bad = ((pos < E1) & (srcv == dstv)) | (pos >= EA)
    e = jnp.where(bad, -1e30, e)
    ex = jnp.exp(jnp.minimum(e - gd[:, 2:3], 70.0))
    out_ref[...] = jnp.concatenate(
        [ex, ex * gs[:, 0:4], jnp.zeros((EBLK, 3), jnp.float32)], axis=1)


def _sc2_body(p_in, didx2, zeros_in, out, ibuf, pbuf, tbl):
    cid = lax.axis_index("c")
    sid = lax.axis_index("s")
    wid = sid * 2 + cid

    @pl.when(sid == 0)
    def _():
        pltpu.sync_copy(zeros_in, tbl)

    plsc.subcore_barrier()
    rows128 = PER // 128
    pltpu.sync_copy(didx2.at[pl.ds(wid * rows128, rows128)], ibuf)
    pltpu.sync_copy(p_in.at[pl.ds(wid * PER, PER)], pbuf)

    def body(j):
        pltpu.sync_copy(pbuf.at[pl.ds(j * 128, 128)], tbl.at[ibuf.at[j]],
                        add=True)

    pl.loop(0, rows128)(body)
    plsc.subcore_barrier()
    rows = (B * NB) // 16
    pltpu.sync_copy(tbl.at[pl.ds(sid * rows, rows)],
                    out.at[cid, pl.ds(sid * rows, rows)])


def _tc2_body(bins_ref, src2_ref, head_ref, wl_ref, blb_ref, wl2_ref,
              bl2_ref, wr2_ref, br2_ref, att2_ref, ob_ref, vfw_ref,
              vfb_ref, out_ref):
    vals = []
    for b in range(B):
        rows = (bins_ref[0, pl.ds(b * NB, NO), :]
                + bins_ref[1, pl.ds(b * NB, NO), :])
        denom = rows[:, 0:1]
        agg4 = rows[:, 1:5]
        h_obj = jax.nn.relu(
            jnp.dot(agg4 / denom, wl_ref[...],
                    preferred_element_type=jnp.float32) + blb_ref[...])
        hl2 = jnp.dot(h_obj, wl2_ref[...],
                      preferred_element_type=jnp.float32) + bl2_ref[...]
        hr2 = jnp.dot(head_ref[pl.ds(b, 1), :], wr2_ref[...],
                      preferred_element_type=jnp.float32) + br2_ref[...]
        en = jnp.dot(_leaky(hl2 + hr2), att2_ref[...],
                     preferred_element_type=jnp.float32)
        ex2 = jnp.exp(jnp.minimum(en - en[0:1, :], 70.0))
        src2 = src2_ref[b].reshape(E2, 1)
        parts = []
        for j in range(NB // 128):
            band = lax.broadcasted_iota(jnp.int32, (1, 128), 1) + j * 128
            parts.append(jnp.sum((src2 == band).astype(jnp.float32),
                                 axis=0, keepdims=True))
        cnt = jnp.concatenate(parts, axis=1)[:, :NO]
        cnt_t = jnp.transpose(cnt)
        iota_n = lax.broadcasted_iota(jnp.int32, (NO, 1), 0)
        w = jnp.where(iota_n == 0, 1.0, cnt_t * ex2)
        denom2 = jnp.sum(w)
        out_vec = jnp.dot(jnp.transpose(w / denom2), hl2,
                          preferred_element_type=jnp.float32)
        h_head = jax.nn.relu(out_vec + ob_ref[...])
        vals.append(jnp.dot(h_head, vfw_ref[...],
                            preferred_element_type=jnp.float32)
                    + vfb_ref[...])
    out_ref[...] = jnp.concatenate(vals, axis=0)


def kernel(head_node, objective_nodes, value_nodes, ei_vo_src, ei_vo_dst,
           ei_oh_src, ei_oh_dst, opponent_encoding, vo_Wl, vo_bl, vo_Wr,
           vo_br, vo_att, vo_b, oh_Wl, oh_bl, oh_Wr, oh_br, oh_att, oh_b,
           vf_W, vf_b):
    f32 = jnp.float32
    w16s = jnp.concatenate([vo_Wl, jnp.zeros((12, H), f32)], axis=0)
    w16d = jnp.concatenate([vo_Wr, jnp.zeros((14, H), f32)], axis=0)
    b0 = (vo_bl + vo_br).reshape(1, H)
    att = vo_att.reshape(H, 1)
    w16c = jnp.concatenate([vo_Wl, vo_Wr, jnp.zeros((10, H), f32)], axis=0)

    cat0 = jnp.concatenate(
        [value_nodes[:, :NO, :], objective_nodes,
         jnp.zeros((B, NO, 10), f32)], axis=-1)

    c = pl.pallas_call(
        _tc0_body,
        out_shape=jax.ShapeDtypeStruct((B, NO), f32),
    )(cat0, w16c, b0, att)

    src_tab = jnp.concatenate(
        [value_nodes, jnp.zeros((B, NV, 12), f32)], axis=-1
    ).reshape(B * NV, 16)
    dst_tab = jnp.zeros((B, NB, 16), f32)
    dst_tab = dst_tab.at[:, :NO, 0:2].set(objective_nodes)
    dst_tab = dst_tab.at[:, :NO, 2].set(c)
    dst_tab = dst_tab.reshape(B * NB, 16)

    loop = jnp.broadcast_to(jnp.arange(NO, dtype=jnp.int32), (B, NO))
    padz = jnp.zeros((B, EP - EA), jnp.int32)
    src_raw = jnp.concatenate([ei_vo_src, loop, padz], axis=1)
    dst_raw = jnp.concatenate([ei_vo_dst, loop, padz], axis=1)
    boff = jnp.arange(B, dtype=jnp.int32)[:, None]
    src_adj = (src_raw + boff * NV).reshape(NE)
    dst_adj = (dst_raw + boff * NB).reshape(NE)

    mesh = plsc.VectorSubcoreMesh(core_axis_name="c", subcore_axis_name="s")
    sc_params = pltpu.CompilerParams(use_tc_tiling_on_sc=False)
    gs, gd = pl.kernel(
        _sc1_body,
        mesh=mesh,
        compiler_params=sc_params,
        out_type=[jax.ShapeDtypeStruct((NE, 16), f32),
                  jax.ShapeDtypeStruct((NE, 16), f32)],
        scratch_types=[pltpu.VMEM((CH,), jnp.int32),
                       pltpu.VMEM((CH,), jnp.int32),
                       pltpu.VMEM((CH, 16), f32),
                       pltpu.VMEM((CH, 16), f32),
                       pltpu.SemaphoreType.DMA,
                       pltpu.SemaphoreType.DMA],
    )(src_tab, dst_tab, src_adj, dst_adj)

    sr3 = src_raw.reshape(NBLK, 1, EBLK)
    dr3 = dst_raw.reshape(NBLK, 1, EBLK)
    payload = pl.pallas_call(
        _tc1_body,
        grid=(NBLK,),
        in_specs=[
            pl.BlockSpec((EBLK, 16), lambda i: (i, 0)),
            pl.BlockSpec((EBLK, 16), lambda i: (i, 0)),
            pl.BlockSpec((1, 1, EBLK), lambda i: (i, 0, 0)),
            pl.BlockSpec((1, 1, EBLK), lambda i: (i, 0, 0)),
            pl.BlockSpec((16, H), lambda i: (0, 0)),
            pl.BlockSpec((16, H), lambda i: (0, 0)),
            pl.BlockSpec((1, H), lambda i: (0, 0)),
            pl.BlockSpec((H, 1), lambda i: (0, 0)),
        ],
        out_specs=pl.BlockSpec((EBLK, 8), lambda i: (i, 0)),
        out_shape=jax.ShapeDtypeStruct((NE, 8), f32),
    )(gs, gd, sr3, dr3, w16s, w16d, b0, att)

    bins = pl.kernel(
        _sc2_body,
        mesh=mesh,
        compiler_params=sc_params,
        out_type=jax.ShapeDtypeStruct((2, B * NB, 8), f32),
        scratch_types=[pltpu.VMEM((PER // 128, 128), jnp.int32),
                       pltpu.VMEM((PER, 8), f32),
                       pltpu.VMEM_SHARED((B * NB, 8), f32)],
    )(payload, dst_adj.reshape(NE // 128, 128), jnp.zeros((B * NB, 8), f32))

    onehot = jax.nn.one_hot(opponent_encoding[:, 0], NA, dtype=f32)
    head10 = jnp.concatenate([head_node[:, 0, :], onehot], axis=1)

    out2d = pl.pallas_call(
        _tc2_body,
        out_shape=jax.ShapeDtypeStruct((B, 1), f32),
    )(bins, ei_oh_src, head10, vo_Wl, (vo_bl + vo_b).reshape(1, H),
      oh_Wl, oh_bl.reshape(1, H), oh_Wr, oh_br.reshape(1, H),
      oh_att.reshape(H, 1),
      oh_b.reshape(1, H), vf_W, vf_b.reshape(1, 1))
    return out2d[:, 0]

# --- scband reference (transcript-rebuilt; emitter-appended) ---
"""Pipeline reference for scband-attention-graph-to-graph3-17841294148104 (READ-ONLY COPY).

The authoritative reference and input builder live on the scoring server;
editing this copy changes nothing except your own understanding.
"""

import jax, jax.numpy as jnp
import numpy as np

B = 4
NV = 50000
NO = 2000
E1 = 100000
E2 = 2000
H = 512
NA = 8


def _leaky(x):
    return jnp.where(x > 0, x, 0.2 * x)


def _gatv2(x_src, x_dst, src, dst, Wl, bl, Wr, br, att, bias):
    # Faithful PyG GATv2Conv (heads=1, concat=True, negative_slope=0.2, add_self_loops=True)
    Nsrc = x_src.shape[0]
    Ndst = x_dst.shape[0]
    hl = x_src @ Wl + bl
    hr = x_dst @ Wr + br
    n_loop = min(Nsrc, Ndst)
    loop = jnp.arange(n_loop, dtype=src.dtype)
    src_all = jnp.concatenate([src, loop])
    dst_all = jnp.concatenate([dst, loop])
    e = _leaky(hl[src_all] + hr[dst_all]) @ att
    # PyG remove_self_loops: mask out pre-existing src==dst edges before softmax
    rm = jnp.concatenate([src == dst, jnp.zeros((n_loop,), dtype=bool)])
    e = jnp.where(rm, -1e30, e)
    emax = jnp.full((Ndst,), -jnp.inf, dtype=e.dtype).at[dst_all].max(e)
    emax = jax.lax.stop_gradient(emax)
    ex = jnp.exp(e - emax[dst_all])
    denom = jnp.zeros((Ndst,), dtype=e.dtype).at[dst_all].add(ex)
    alpha = ex / denom[dst_all]
    out = jnp.zeros((Ndst, hl.shape[1]), dtype=hl.dtype).at[dst_all].add(alpha[:, None] * hl[src_all])
    return out + bias


def setup_inputs(seed: int = 0):
    key = jax.random.key(seed)
    ks = jax.random.split(key, 24)
    inp = {}
    inp['head_node'] = jax.random.normal(ks[0], (B, 1, 2), jnp.float32)
    inp['objective_nodes'] = jax.random.normal(ks[1], (B, NO, 2), jnp.float32)
    inp['value_nodes'] = jax.random.normal(ks[2], (B, NV, 4), jnp.float32)
    inp['ei_vo_src'] = jax.random.randint(ks[3], (B, E1), 0, NV, dtype=jnp.int32)
    inp['ei_vo_dst'] = jax.random.randint(ks[4], (B, E1), 0, NO, dtype=jnp.int32)
    inp['ei_oh_src'] = jax.random.randint(ks[5], (B, E2), 0, NO, dtype=jnp.int32)
    inp['ei_oh_dst'] = jnp.zeros((B, E2), dtype=jnp.int32)
    inp['opponent_encoding'] = jax.random.randint(ks[6], (B, 1), 0, NA, dtype=jnp.int32)
    # GATv2 val_obj: in (4, 2) -> H
    inp['vo_Wl'] = jax.random.normal(ks[7], (4, H), jnp.float32) * 0.5
    inp['vo_bl'] = jnp.zeros((H,), jnp.float32)
    inp['vo_Wr'] = jax.random.normal(ks[8], (2, H), jnp.float32) * 0.5
    inp['vo_br'] = jnp.zeros((H,), jnp.float32)
    inp['vo_att'] = jax.random.normal(ks[9], (H,), jnp.float32) * (1.0 / np.sqrt(H))
    inp['vo_b'] = jnp.zeros((H,), jnp.float32)
    # GATv2 obj_head: in (H, 2+NA) -> H
    inp['oh_Wl'] = jax.random.normal(ks[10], (H, H), jnp.float32) * (1.0 / np.sqrt(H))
    inp['oh_bl'] = jnp.zeros((H,), jnp.float32)
    inp['oh_Wr'] = jax.random.normal(ks[11], (2 + NA, H), jnp.float32) * 0.3
    inp['oh_br'] = jnp.zeros((H,), jnp.float32)
    inp['oh_att'] = jax.random.normal(ks[12], (H,), jnp.float32) * (1.0 / np.sqrt(H))
    inp['oh_b'] = jnp.zeros((H,), jnp.float32)
    # value head
    inp['vf_W'] = jax.random.normal(ks[13], (H, 1), jnp.float32) * (1.0 / np.sqrt(H))
    inp['vf_b'] = jnp.zeros((1,), jnp.float32)
    return inp


def reference(head_node, objective_nodes, value_nodes, ei_vo_src, ei_vo_dst, ei_oh_src, ei_oh_dst, opponent_encoding, vo_Wl, vo_bl, vo_Wr, vo_br, vo_att, vo_b, oh_Wl, oh_bl, oh_Wr, oh_br, oh_att, oh_b, vf_W, vf_b):
    # AttentionGraphToGraph3.get_value with use_opponent_encoding=True
    onehot = jax.nn.one_hot(opponent_encoding[:, 0], NA, dtype=head_node.dtype)[:, None, :]
    hn = jnp.concatenate([head_node, onehot], axis=-1)
    outs = []
    for b in range(B):
        h_obj = jax.nn.relu(_gatv2(value_nodes[b], objective_nodes[b], ei_vo_src[b], ei_vo_dst[b], vo_Wl, vo_bl, vo_Wr, vo_br, vo_att, vo_b))
        h_head = jax.nn.relu(_gatv2(h_obj, hn[b], ei_oh_src[b], ei_oh_dst[b], oh_Wl, oh_bl, oh_Wr, oh_br, oh_att, oh_b))
        outs.append(h_head)
    h = jnp.concatenate(outs, axis=0)
    vf_out = (h @ vf_W + vf_b)[:, 0]
    return vf_out

if __name__ == "__main__":
    import jax
    _d = setup_inputs()
    print(jax.jit(kernel)(*tuple(_d.values())))

</pallas_src>

<mosaic_0001>
#map = affine_map<(d0, d1) -> (0, 0)>
#map1 = affine_map<(d0, d1) -> (0, 0, 0)>
module attributes {stable_mosaic.version = 14 : i64} {
  func.func @_sc2_body(%arg0: i32, %arg1: i32, %arg2: memref<409600x8xf32, #tpu.memory_space<hbm>>, %arg3: memref<3200x128xi32, #tpu.memory_space<hbm>>, %arg4: memref<8192x8xf32, #tpu.memory_space<hbm>>, %arg5: memref<2x8192x8xf32, #tpu.memory_space<hbm>>, %arg6: memref<100x128xi32, #tpu.memory_space<vmem>>, %arg7: memref<12800x8xf32, #tpu.memory_space<vmem>>, %arg8: memref<8192x8xf32, #tpu.memory_space<vmem_shared>>) attributes {dimension_semantics = [#tpu.dimension_semantics<core_parallel>, #tpu.dimension_semantics<subcore_parallel>], iteration_bounds = array<i64: 2, 16>, scalar_prefetch = 0 : i64, scratch_operands = 3 : i64, tpu.core_type = #tpu.core_type<sc_vector_subcore>, window_params = [{transform_indices = #map}, {transform_indices = #map}, {transform_indices = #map}, {transform_indices = #map1}]} {
    %mul3A = arith.constant 2 : i32
    %mul3A_0 = arith.muli %arg1, %mul3A : i32
    %add3A = arith.addi %mul3A_0, %arg0 : i32
    %eq3A = arith.constant 0 : i32
    %eq3A_1 = arith.cmpi eq, %arg1, %eq3A : i32
    %convert_element_type3A = arith.extui %eq3A_1 : i1 to i32
    %cond3A = arith.constant 0 : i32
    %cond3A_2 = arith.cmpi ne, %convert_element_type3A, %cond3A : i32
    scf.if %cond3A_2 {
      "tpu.region"() ({
        %run_scoped3A = tpu.sem_alloc : memref<!tpu.dma_semaphore, #tpu.memory_space<semaphore_mem>>
        tpu.enqueue_dma source(%arg4 : memref<8192x8xf32, #tpu.memory_space<hbm>>) target(%arg8 : memref<8192x8xf32, #tpu.memory_space<vmem_shared>>) target_semaphore(%run_scoped3A : memref<!tpu.dma_semaphore, #tpu.memory_space<semaphore_mem>>)
        tpu.wait_dma2 semaphore(%run_scoped3A : memref<!tpu.dma_semaphore, #tpu.memory_space<semaphore_mem>>) src(%arg4 : memref<8192x8xf32, #tpu.memory_space<hbm>>) dst(%arg8 : memref<8192x8xf32, #tpu.memory_space<vmem_shared>>)
        tpu.yield
      }) : () -> ()
    } else {
    }
    %barrier3A = arith.constant 0 : index
    tpu.barrier barrier_id(%barrier3A)
    %mul3A_3 = arith.constant 100 : i32
    %mul3A_4 = arith.muli %add3A, %mul3A_3 : i32
    "tpu.region"() ({
      %run_scoped3A = tpu.sem_alloc : memref<!tpu.dma_semaphore, #tpu.memory_space<semaphore_mem>>
      %dma_start3A = arith.constant 0 : i32
      %dma_start3A_16 = tpu.memref_slice %arg3[%mul3A_4, %dma_start3A] : memref<3200x128xi32, #tpu.memory_space<hbm>> -> memref<100x128xi32, #tpu.memory_space<hbm>>
      %dma_start3A_17 = arith.constant 0 : i32
      %dma_start3A_18 = tpu.memref_slice %arg3[%mul3A_4, %dma_start3A_17] : memref<3200x128xi32, #tpu.memory_space<hbm>> -> memref<100x128xi32, #tpu.memory_space<hbm>>
      tpu.enqueue_dma source(%dma_start3A_18 : memref<100x128xi32, #tpu.memory_space<hbm>>) target(%arg6 : memref<100x128xi32, #tpu.memory_space<vmem>>) target_semaphore(%run_scoped3A : memref<!tpu.dma_semaphore, #tpu.memory_space<semaphore_mem>>)
      %dma_wait3A = arith.constant 0 : i32
      %dma_wait3A_19 = tpu.memref_slice %arg3[%mul3A_4, %dma_wait3A] : memref<3200x128xi32, #tpu.memory_space<hbm>> -> memref<100x128xi32, #tpu.memory_space<hbm>>
      %dma_wait3A_20 = arith.constant 0 : i32
      %dma_wait3A_21 = tpu.memref_slice %arg3[%mul3A_4, %dma_wait3A_20] : memref<3200x128xi32, #tpu.memory_space<hbm>> -> memref<100x128xi32, #tpu.memory_space<hbm>>
      tpu.wait_dma2 semaphore(%run_scoped3A : memref<!tpu.dma_semaphore, #tpu.memory_space<semaphore_mem>>) src(%dma_wait3A_21 : memref<100x128xi32, #tpu.memory_space<hbm>>) dst(%arg6 : memref<100x128xi32, #tpu.memory_space<vmem>>)
      tpu.yield
    }) : () -> ()
    %mul3A_5 = arith.constant 12800 : i32
    %mul3A_6 = arith.muli %add3A, %mul3A_5 : i32
    "tpu.region"() ({
      %run_scoped3A = tpu.sem_alloc : memref<!tpu.dma_semaphore, #tpu.memory_space<semaphore_mem>>
      %dma_start3A = arith.constant 0 : i32
      %dma_start3A_16 = tpu.memref_slice %arg2[%mul3A_6, %dma_start3A] : memref<409600x8xf32, #tpu.memory_space<hbm>> -> memref<12800x8xf32, #tpu.memory_space<hbm>>
      %dma_start3A_17 = arith.constant 0 : i32
      %dma_start3A_18 = tpu.memref_slice %arg2[%mul3A_6, %dma_start3A_17] : memref<409600x8xf32, #tpu.memory_space<hbm>> -> memref<12800x8xf32, #tpu.memory_space<hbm>>
      tpu.enqueue_dma source(%dma_start3A_18 : memref<12800x8xf32, #tpu.memory_space<hbm>>) target(%arg7 : memref<12800x8xf32, #tpu.memory_space<vmem>>) target_semaphore(%run_scoped3A : memref<!tpu.dma_semaphore, #tpu.memory_space<semaphore_mem>>)
      %dma_wait3A = arith.constant 0 : i32
      %dma_wait3A_19 = tpu.memref_slice %arg2[%mul3A_6, %dma_wait3A] : memref<409600x8xf32, #tpu.memory_space<hbm>> -> memref<12800x8xf32, #tpu.memory_space<hbm>>
      %dma_wait3A_20 = arith.constant 0 : i32
      %dma_wait3A_21 = tpu.memref_slice %arg2[%mul3A_6, %dma_wait3A_20] : memref<409600x8xf32, #tpu.memory_space<hbm>> -> memref<12800x8xf32, #tpu.memory_space<hbm>>
      tpu.wait_dma2 semaphore(%run_scoped3A : memref<!tpu.dma_semaphore, #tpu.memory_space<semaphore_mem>>) src(%dma_wait3A_21 : memref<12800x8xf32, #tpu.memory_space<hbm>>) dst(%arg7 : memref<12800x8xf32, #tpu.memory_space<vmem>>)
      tpu.yield
    }) : () -> ()
    %scan3A = arith.constant 0 : i32
    %scan3A_7 = arith.constant 100 : i32
    %scan3A_8 = arith.addi %scan3A, %scan3A_7 : i32
    %scan3A_9 = arith.constant 1 : i32
    scf.for %scan3A_16 = %scan3A to %scan3A_8 step %scan3A_9  : i32 {
      %mul3A_17 = arith.constant 1 : i32
      %mul3A_18 = arith.muli %scan3A_16, %mul3A_17 : i32
      %add3A_19 = arith.constant 0 : i32
      %add3A_20 = arith.addi %add3A_19, %mul3A_18 : i32
      %mul3A_21 = arith.constant 128 : i32
      %mul3A_22 = arith.muli %add3A_20, %mul3A_21 : i32
      "tpu.region"() ({
        %run_scoped3A = tpu.sem_alloc : memref<!tpu.dma_semaphore, #tpu.memory_space<semaphore_mem>>
        %dma_start3A = arith.constant 0 : i32
        %dma_start3A_23 = tpu.memref_slice %arg7[%mul3A_22, %dma_start3A] : memref<12800x8xf32, #tpu.memory_space<vmem>> -> memref<128x8xf32, #tpu.memory_space<vmem>>
        %dma_start3A_24 = arith.constant 0 : i32
        %dma_start3A_25 = tpu.memref_slice %arg6[%add3A_20, %dma_start3A_24] : memref<100x128xi32, #tpu.memory_space<vmem>> -> memref<1x128xi32, #tpu.memory_space<vmem>>
        %dma_start3A_26 = tpu.memref_squeeze %dma_start3A_25 : memref<1x128xi32, #tpu.memory_space<vmem>> -> memref<128xi32, #tpu.memory_space<vmem>>
        %dma_start3A_27 = arith.constant 0 : i32
        %dma_start3A_28 = arith.constant 0 : i32
        %dma_start3A_29 = tpu.memref_slice %arg8[%dma_start3A_27, %dma_start3A_28] : memref<8192x8xf32, #tpu.memory_space<vmem_shared>> -> memref<8192x8xf32, #tpu.memory_space<vmem_shared>>
        tpu.enqueue_indirect_dma source(%dma_start3A_23 : memref<128x8xf32, #tpu.memory_space<vmem>>) target(%dma_start3A_29 : memref<8192x8xf32, #tpu.memory_space<vmem_shared>>) offsets(%dma_start3A_26 : memref<128xi32, #tpu.memory_space<vmem>>) semaphore(%run_scoped3A : memref<!tpu.dma_semaphore, #tpu.memory_space<semaphore_mem>>) {add = true}
        %dma_wait3A = arith.constant 0 : i32
        %dma_wait3A_30 = tpu.memref_slice %arg7[%mul3A_22, %dma_wait3A] : memref<12800x8xf32, #tpu.memory_space<vmem>> -> memref<128x8xf32, #tpu.memory_space<vmem>>
        %dma_wait3A_31 = arith.constant 0 : i32
        %dma_wait3A_32 = tpu.memref_slice %arg6[%add3A_20, %dma_wait3A_31] : memref<100x128xi32, #tpu.memory_space<vmem>> -> memref<1x128xi32, #tpu.memory_space<vmem>>
        %dma_wait3A_33 = tpu.memref_squeeze %dma_wait3A_32 : memref<1x128xi32, #tpu.memory_space<vmem>> -> memref<128xi32, #tpu.memory_space<vmem>>
        %dma_wait3A_34 = arith.constant 0 : i32
        %dma_wait3A_35 = arith.constant 0 : i32
        %dma_wait3A_36 = tpu.memref_slice %arg8[%dma_wait3A_34, %dma_wait3A_35] : memref<8192x8xf32, #tpu.memory_space<vmem_shared>> -> memref<8192x8xf32, #tpu.memory_space<vmem_shared>>
        tpu.wait_indirect_dma semaphore(%run_scoped3A : memref<!tpu.dma_semaphore, #tpu.memory_space<semaphore_mem>>) src(%dma_wait3A_30 : memref<128x8xf32, #tpu.memory_space<vmem>>) dst(%dma_wait3A_36 : memref<8192x8xf32, #tpu.memory_space<vmem_shared>>)
        tpu.yield
      }) : () -> ()
    }
    %scan3A_10 = arith.constant 100 : i32
    %barrier3A_11 = arith.constant 0 : index
    tpu.barrier barrier_id(%barrier3A_11)
    %mul3A_12 = arith.constant 512 : i32
    %mul3A_13 = arith.muli %arg1, %mul3A_12 : i32
    %mul3A_14 = arith.constant 512 : i32
    %mul3A_15 = arith.muli %arg1, %mul3A_14 : i32
    "tpu.region"() ({
      %run_scoped3A = tpu.sem_alloc : memref<!tpu.dma_semaphore, #tpu.memory_space<semaphore_mem>>
      %dma_start3A = arith.constant 0 : i32
      %dma_start3A_16 = tpu.memref_slice %arg5[%arg0, %mul3A_15, %dma_start3A] : memref<2x8192x8xf32, #tpu.memory_space<hbm>> -> memref<1x512x8xf32, #tpu.memory_space<hbm>>
      %dma_start3A_17 = tpu.memref_squeeze %dma_start3A_16 : memref<1x512x8xf32, #tpu.memory_space<hbm>> -> memref<512x8xf32, #tpu.memory_space<hbm>>
      %dma_start3A_18 = arith.constant 0 : i32
      %dma_start3A_19 = tpu.memref_slice %arg8[%mul3A_13, %dma_start3A_18] : memref<8192x8xf32, #tpu.memory_space<vmem_shared>> -> memref<512x8xf32, #tpu.memory_space<vmem_shared>>
      tpu.enqueue_dma source(%dma_start3A_19 : memref<512x8xf32, #tpu.memory_space<vmem_shared>>) target(%dma_start3A_17 : memref<512x8xf32, #tpu.memory_space<hbm>>) target_semaphore(%run_scoped3A : memref<!tpu.dma_semaphore, #tpu.memory_space<semaphore_mem>>)
      %dma_wait3A = arith.constant 0 : i32
      %dma_wait3A_20 = tpu.memref_slice %arg5[%arg0, %mul3A_15, %dma_wait3A] : memref<2x8192x8xf32, #tpu.memory_space<hbm>> -> memref<1x512x8xf32, #tpu.memory_space<hbm>>
      %dma_wait3A_21 = tpu.memref_squeeze %dma_wait3A_20 : memref<1x512x8xf32, #tpu.memory_space<hbm>> -> memref<512x8xf32, #tpu.memory_space<hbm>>
      %dma_wait3A_22 = arith.constant 0 : i32
      %dma_wait3A_23 = tpu.memref_slice %arg8[%mul3A_13, %dma_wait3A_22] : memref<8192x8xf32, #tpu.memory_space<vmem_shared>> -> memref<512x8xf32, #tpu.memory_space<vmem_shared>>
      tpu.wait_dma2 semaphore(%run_scoped3A : memref<!tpu.dma_semaphore, #tpu.memory_space<semaphore_mem>>) src(%dma_wait3A_23 : memref<512x8xf32, #tpu.memory_space<vmem_shared>>) dst(%dma_wait3A_21 : memref<512x8xf32, #tpu.memory_space<hbm>>)
      tpu.yield
    }) : () -> ()
    return
  }
}

#map = affine_map<(d0, d1) -> (0, 0)>
#map1 = affine_map<(d0, d1) -> (0)>
module attributes {stable_mosaic.version = 14 : i64} {
  func.func @_sc1_body(%arg0: i32, %arg1: i32, %arg2: memref<200000x16xf32, #tpu.memory_space<hbm>>, %arg3: memref<8192x16xf32, #tpu.memory_space<hbm>>, %arg4: memref<409600xi32, #tpu.memory_space<hbm>>, %arg5: memref<409600xi32, #tpu.memory_space<hbm>>, %arg6: memref<409600x16xf32, #tpu.memory_space<hbm>>, %arg7: memref<409600x16xf32, #tpu.memory_space<hbm>>, %arg8: memref<3200xi32, #tpu.memory_space<vmem>>, %arg9: memref<3200xi32, #tpu.memory_space<vmem>>, %arg10: memref<3200x16xf32, #tpu.memory_space<vmem>>, %arg11: memref<3200x16xf32, #tpu.memory_space<vmem>>, %arg12: memref<!tpu.dma_semaphore, #tpu.memory_space<semaphore_mem>>, %arg13: memref<!tpu.dma_semaphore, #tpu.memory_space<semaphore_mem>>) attributes {dimension_semantics = [#tpu.dimension_semantics<core_parallel>, #tpu.dimension_semantics<subcore_parallel>], iteration_bounds = array<i64: 2, 16>, scalar_prefetch = 0 : i64, scratch_operands = 6 : i64, tpu.core_type = #tpu.core_type<sc_vector_subcore>, window_params = [{transform_indices = #map}, {transform_indices = #map}, {transform_indices = #map1}, {transform_indices = #map1}, {transform_indices = #map}, {transform_indices = #map}]} {
    %mul3A = arith.constant 2 : i32
    %mul3A_0 = arith.muli %arg1, %mul3A : i32
    %add3A = arith.addi %mul3A_0, %arg0 : i32
    %mul3A_1 = arith.constant 12800 : i32
    %mul3A_2 = arith.muli %add3A, %mul3A_1 : i32
    %add3A_3 = arith.constant 0 : i32
    %add3A_4 = arith.addi %mul3A_2, %add3A_3 : i32
    "tpu.region"() ({
      %run_scoped3A = tpu.sem_alloc : memref<!tpu.dma_semaphore, #tpu.memory_space<semaphore_mem>>
      %dma_start3A_57 = tpu.memref_slice %arg4[%add3A_4] : memref<409600xi32, #tpu.memory_space<hbm>> -> memref<3200xi32, #tpu.memory_space<hbm>>
      %dma_start3A_58 = tpu.memref_slice %arg4[%add3A_4] : memref<409600xi32, #tpu.memory_space<hbm>> -> memref<3200xi32, #tpu.memory_space<hbm>>
      tpu.enqueue_dma source(%dma_start3A_58 : memref<3200xi32, #tpu.memory_space<hbm>>) target(%arg8 : memref<3200xi32, #tpu.memory_space<vmem>>) target_semaphore(%run_scoped3A : memref<!tpu.dma_semaphore, #tpu.memory_space<semaphore_mem>>)
      %dma_wait3A_59 = tpu.memref_slice %arg4[%add3A_4] : memref<409600xi32, #tpu.memory_space<hbm>> -> memref<3200xi32, #tpu.memory_space<hbm>>
      %dma_wait3A_60 = tpu.memref_slice %arg4[%add3A_4] : memref<409600xi32, #tpu.memory_space<hbm>> -> memref<3200xi32, #tpu.memory_space<hbm>>
      tpu.wait_dma2 semaphore(%run_scoped3A : memref<!tpu.dma_semaphore, #tpu.memory_space<semaphore_mem>>) src(%dma_wait3A_60 : memref<3200xi32, #tpu.memory_space<hbm>>) dst(%arg8 : memref<3200xi32, #tpu.memory_space<vmem>>)
      tpu.yield
    }) : () -> ()
    "tpu.region"() ({
      %run_scoped3A = tpu.sem_alloc : memref<!tpu.dma_semaphore, #tpu.memory_space<semaphore_mem>>
      %dma_start3A_57 = tpu.memref_slice %arg5[%add3A_4] : memref<409600xi32, #tpu.memory_space<hbm>> -> memref<3200xi32, #tpu.memory_space<hbm>>
      %dma_start3A_58 = tpu.memref_slice %arg5[%add3A_4] : memref<409600xi32, #tpu.memory_space<hbm>> -> memref<3200xi32, #tpu.memory_space<hbm>>
      tpu.enqueue_dma source(%dma_start3A_58 : memref<3200xi32, #tpu.memory_space<hbm>>) target(%arg9 : memref<3200xi32, #tpu.memory_space<vmem>>) target_semaphore(%run_scoped3A : memref<!tpu.dma_semaphore, #tpu.memory_space<semaphore_mem>>)
      %dma_wait3A_59 = tpu.memref_slice %arg5[%add3A_4] : memref<409600xi32, #tpu.memory_space<hbm>> -> memref<3200xi32, #tpu.memory_space<hbm>>
      %dma_wait3A_60 = tpu.memref_slice %arg5[%add3A_4] : memref<409600xi32, #tpu.memory_space<hbm>> -> memref<3200xi32, #tpu.memory_space<hbm>>
      tpu.wait_dma2 semaphore(%run_scoped3A : memref<!tpu.dma_semaphore, #tpu.memory_space<semaphore_mem>>) src(%dma_wait3A_60 : memref<3200xi32, #tpu.memory_space<hbm>>) dst(%arg9 : memref<3200xi32, #tpu.memory_space<vmem>>)
      tpu.yield
    }) : () -> ()
    %dma_start3A = arith.constant 0 : i32
    %dma_start3A_5 = arith.constant 0 : i32
    %dma_start3A_6 = tpu.memref_slice %arg2[%dma_start3A, %dma_start3A_5] : memref<200000x16xf32, #tpu.memory_space<hbm>> -> memref<200000x16xf32, #tpu.memory_space<hbm>>
    tpu.enqueue_indirect_dma source(%dma_start3A_6 : memref<200000x16xf32, #tpu.memory_space<hbm>>) target(%arg10 : memref<3200x16xf32, #tpu.memory_space<vmem>>) offsets(%arg8 : memref<3200xi32, #tpu.memory_space<vmem>>) semaphore(%arg12 : memref<!tpu.dma_semaphore, #tpu.memory_space<semaphore_mem>>)
    %dma_start3A_7 = arith.constant 0 : i32
    %dma_start3A_8 = arith.constant 0 : i32
    %dma_start3A_9 = tpu.memref_slice %arg3[%dma_start3A_7, %dma_start3A_8] : memref<8192x16xf32, #tpu.memory_space<hbm>> -> memref<8192x16xf32, #tpu.memory_space<hbm>>
    tpu.enqueue_indirect_dma source(%dma_start3A_9 : memref<8192x16xf32, #tpu.memory_space<hbm>>) target(%arg11 : memref<3200x16xf32, #tpu.memory_space<vmem>>) offsets(%arg9 : memref<3200xi32, #tpu.memory_space<vmem>>) semaphore(%arg13 : memref<!tpu.dma_semaphore, #tpu.memory_space<semaphore_mem>>)
    %dma_wait3A = arith.constant 0 : i32
    %dma_wait3A_10 = arith.constant 0 : i32
    %dma_wait3A_11 = tpu.memref_slice %arg2[%dma_wait3A, %dma_wait3A_10] : memref<200000x16xf32, #tpu.memory_space<hbm>> -> memref<200000x16xf32, #tpu.memory_space<hbm>>
    tpu.wait_indirect_dma semaphore(%arg12 : memref<!tpu.dma_semaphore, #tpu.memory_space<semaphore_mem>>) src(%dma_wait3A_11 : memref<200000x16xf32, #tpu.memory_space<hbm>>) dst(%arg10 : memref<3200x16xf32, #tpu.memory_space<vmem>>)
    %dma_wait3A_12 = arith.constant 0 : i32
    %dma_wait3A_13 = arith.constant 0 : i32
    %dma_wait3A_14 = tpu.memref_slice %arg3[%dma_wait3A_12, %dma_wait3A_13] : memref<8192x16xf32, #tpu.memory_space<hbm>> -> memref<8192x16xf32, #tpu.memory_space<hbm>>
    tpu.wait_indirect_dma semaphore(%arg13 : memref<!tpu.dma_semaphore, #tpu.memory_space<semaphore_mem>>) src(%dma_wait3A_14 : memref<8192x16xf32, #tpu.memory_space<hbm>>) dst(%arg11 : memref<3200x16xf32, #tpu.memory_space<vmem>>)
    "tpu.region"() ({
      %run_scoped3A = tpu.sem_alloc : memref<!tpu.dma_semaphore, #tpu.memory_space<semaphore_mem>>
      %dma_start3A_57 = arith.constant 0 : i32
      %dma_start3A_58 = tpu.memref_slice %arg6[%add3A_4, %dma_start3A_57] : memref<409600x16xf32, #tpu.memory_space<hbm>> -> memref<3200x16xf32, #tpu.memory_space<hbm>>
      %dma_start3A_59 = arith.constant 0 : i32
      %dma_start3A_60 = tpu.memref_slice %arg6[%add3A_4, %dma_start3A_59] : memref<409600x16xf32, #tpu.memory_space<hbm>> -> memref<3200x16xf32, #tpu.memory_space<hbm>>
      tpu.enqueue_dma source(%arg10 : memref<3200x16xf32, #tpu.memory_space<vmem>>) target(%dma_start3A_60 : memref<3200x16xf32, #tpu.memory_space<hbm>>) target_semaphore(%run_scoped3A : memref<!tpu.dma_semaphore, #tpu.memory_space<semaphore_mem>>)
      %dma_wait3A_61 = arith.constant 0 : i32
      %dma_wait3A_62 = tpu.memref_slice %arg6[%add3A_4, %dma_wait3A_61] : memref<409600x16xf32, #tpu.memory_space<hbm>> -> memref<3200x16xf32, #tpu.memory_space<hbm>>
      %dma_wait3A_63 = arith.constant 0 : i32
      %dma_wait3A_64 = tpu.memref_slice %arg6[%add3A_4, %dma_wait3A_63] : memref<409600x16xf32, #tpu.memory_space<hbm>> -> memref<3200x16xf32, #tpu.memory_space<hbm>>
      tpu.wait_dma2 semaphore(%run_scoped3A : memref<!tpu.dma_semaphore, #tpu.memory_space<semaphore_mem>>) src(%arg10 : memref<3200x16xf32, #tpu.memory_space<vmem>>) dst(%dma_wait3A_64 : memref<3200x16xf32, #tpu.memory_space<hbm>>)
      tpu.yield
    }) : () -> ()
    "tpu.region"() ({
      %run_scoped3A = tpu.sem_alloc : memref<!tpu.dma_semaphore, #tpu.memory_space<semaphore_mem>>
      %dma_start3A_57 = arith.constant 0 : i32
      %dma_start3A_58 = tpu.memref_slice %arg7[%add3A_4, %dma_start3A_57] : memref<409600x16xf32, #tpu.memory_space<hbm>> -> memref<3200x16xf32, #tpu.memory_space<hbm>>
      %dma_start3A_59 = arith.constant 0 : i32
      %dma_start3A_60 = tpu.memref_slice %arg7[%add3A_4, %dma_start3A_59] : memref<409600x16xf32, #tpu.memory_space<hbm>> -> memref<3200x16xf32, #tpu.memory_space<hbm>>
      tpu.enqueue_dma source(%arg11 : memref<3200x16xf32, #tpu.memory_space<vmem>>) target(%dma_start3A_60 : memref<3200x16xf32, #tpu.memory_space<hbm>>) target_semaphore(%run_scoped3A : memref<!tpu.dma_semaphore, #tpu.memory_space<semaphore_mem>>)
      %dma_wait3A_61 = arith.constant 0 : i32
      %dma_wait3A_62 = tpu.memref_slice %arg7[%add3A_4, %dma_wait3A_61] : memref<409600x16xf32, #tpu.memory_space<hbm>> -> memref<3200x16xf32, #tpu.memory_space<hbm>>
      %dma_wait3A_63 = arith.constant 0 : i32
      %dma_wait3A_64 = tpu.memref_slice %arg7[%add3A_4, %dma_wait3A_63] : memref<409600x16xf32, #tpu.memory_space<hbm>> -> memref<3200x16xf32, #tpu.memory_space<hbm>>
      tpu.wait_dma2 semaphore(%run_scoped3A : memref<!tpu.dma_semaphore, #tpu.memory_space<semaphore_mem>>) src(%arg11 : memref<3200x16xf32, #tpu.memory_space<vmem>>) dst(%dma_wait3A_64 : memref<3200x16xf32, #tpu.memory_space<hbm>>)
      tpu.yield
    }) : () -> ()
    %add3A_15 = arith.constant 3200 : i32
    %add3A_16 = arith.addi %mul3A_2, %add3A_15 : i32
    "tpu.region"() ({
      %run_scoped3A = tpu.sem_alloc : memref<!tpu.dma_semaphore, #tpu.memory_space<semaphore_mem>>
      %dma_start3A_57 = tpu.memref_slice %arg4[%add3A_16] : memref<409600xi32, #tpu.memory_space<hbm>> -> memref<3200xi32, #tpu.memory_space<hbm>>
      %dma_start3A_58 = tpu.memref_slice %arg4[%add3A_16] : memref<409600xi32, #tpu.memory_space<hbm>> -> memref<3200xi32, #tpu.memory_space<hbm>>
      tpu.enqueue_dma source(%dma_start3A_58 : memref<3200xi32, #tpu.memory_space<hbm>>) target(%arg8 : memref<3200xi32, #tpu.memory_space<vmem>>) target_semaphore(%run_scoped3A : memref<!tpu.dma_semaphore, #tpu.memory_space<semaphore_mem>>)
      %dma_wait3A_59 = tpu.memref_slice %arg4[%add3A_16] : memref<409600xi32, #tpu.memory_space<hbm>> -> memref<3200xi32, #tpu.memory_space<hbm>>
      %dma_wait3A_60 = tpu.memref_slice %arg4[%add3A_16] : memref<409600xi32, #tpu.memory_space<hbm>> -> memref<3200xi32, #tpu.memory_space<hbm>>
      tpu.wait_dma2 semaphore(%run_scoped3A : memref<!tpu.dma_semaphore, #tpu.memory_space<semaphore_mem>>) src(%dma_wait3A_60 : memref<3200xi32, #tpu.memory_space<hbm>>) dst(%arg8 : memref<3200xi32, #tpu.memory_space<vmem>>)
      tpu.yield
    }) : () -> ()
    "tpu.region"() ({
      %run_scoped3A = tpu.sem_alloc : memref<!tpu.dma_semaphore, #tpu.memory_space<semaphore_mem>>
      %dma_start3A_57 = tpu.memref_slice %arg5[%add3A_16] : memref<409600xi32, #tpu.memory_space<hbm>> -> memref<3200xi32, #tpu.memory_space<hbm>>
      %dma_start3A_58 = tpu.memref_slice %arg5[%add3A_16] : memref<409600xi32, #tpu.memory_space<hbm>> -> memref<3200xi32, #tpu.memory_space<hbm>>
      tpu.enqueue_dma source(%dma_start3A_58 : memref<3200xi32, #tpu.memory_space<hbm>>) target(%arg9 : memref<3200xi32, #tpu.memory_space<vmem>>) target_semaphore(%run_scoped3A : memref<!tpu.dma_semaphore, #tpu.memory_space<semaphore_mem>>)
      %dma_wait3A_59 = tpu.memref_slice %arg5[%add3A_16] : memref<409600xi32, #tpu.memory_space<hbm>> -> memref<3200xi32, #tpu.memory_space<hbm>>
      %dma_wait3A_60 = tpu.memref_slice %arg5[%add3A_16] : memref<409600xi32, #tpu.memory_space<hbm>> -> memref<3200xi32, #tpu.memory_space<hbm>>
      tpu.wait_dma2 semaphore(%run_scoped3A : memref<!tpu.dma_semaphore, #tpu.memory_space<semaphore_mem>>) src(%dma_wait3A_60 : memref<3200xi32, #tpu.memory_space<hbm>>) dst(%arg9 : memref<3200xi32, #tpu.memory_space<vmem>>)
      tpu.yield
    }) : () -> ()
    %dma_start3A_17 = arith.constant 0 : i32
    %dma_start3A_18 = arith.constant 0 : i32
    %dma_start3A_19 = tpu.memref_slice %arg2[%dma_start3A_17, %dma_start3A_18] : memref<200000x16xf32, #tpu.memory_space<hbm>> -> memref<200000x16xf32, #tpu.memory_space<hbm>>
    tpu.enqueue_indirect_dma source(%dma_start3A_19 : memref<200000x16xf32, #tpu.memory_space<hbm>>) target(%arg10 : memref<3200x16xf32, #tpu.memory_space<vmem>>) offsets(%arg8 : memref<3200xi32, #tpu.memory_space<vmem>>) semaphore(%arg12 : memref<!tpu.dma_semaphore, #tpu.memory_space<semaphore_mem>>)
    %dma_start3A_20 = arith.constant 0 : i32
    %dma_start3A_21 = arith.constant 0 : i32
    %dma_start3A_22 = tpu.memref_slice %arg3[%dma_start3A_20, %dma_start3A_21] : memref<8192x16xf32, #tpu.memory_space<hbm>> -> memref<8192x16xf32, #tpu.memory_space<hbm>>
    tpu.enqueue_indirect_dma source(%dma_start3A_22 : memref<8192x16xf32, #tpu.memory_space<hbm>>) target(%arg11 : memref<3200x16xf32, #tpu.memory_space<vmem>>) offsets(%arg9 : memref<3200xi32, #tpu.memory_space<vmem>>) semaphore(%arg13 : memref<!tpu.dma_semaphore, #tpu.memory_space<semaphore_mem>>)
    %dma_wait3A_23 = arith.constant 0 : i32
    %dma_wait3A_24 = arith.constant 0 : i32
    %dma_wait3A_25 = tpu.memref_slice %arg2[%dma_wait3A_23, %dma_wait3A_24] : memref<200000x16xf32, #tpu.memory_space<hbm>> -> memref<200000x16xf32, #tpu.memory_space<hbm>>
    tpu.wait_indirect_dma semaphore(%arg12 : memref<!tpu.dma_semaphore, #tpu.memory_space<semaphore_mem>>) src(%dma_wait3A_25 : memref<200000x16xf32, #tpu.memory_space<hbm>>) dst(%arg10 : memref<3200x16xf32, #tpu.memory_space<vmem>>)
    %dma_wait3A_26 = arith.constant 0 : i32
    %dma_wait3A_27 = arith.constant 0 : i32
    %dma_wait3A_28 = tpu.memref_slice %arg3[%dma_wait3A_26, %dma_wait3A_27] : memref<8192x16xf32, #tpu.memory_space<hbm>> -> memref<8192x16xf32, #tpu.memory_space<hbm>>
    tpu.wait_indirect_dma semaphore(%arg13 : memref<!tpu.dma_semaphore, #tpu.memory_space<semaphore_mem>>) src(%dma_wait3A_28 : memref<8192x16xf32, #tpu.memory_space<hbm>>) dst(%arg11 : memref<3200x16xf32, #tpu.memory_space<vmem>>)
    "tpu.region"() ({
      %run_scoped3A = tpu.sem_alloc : memref<!tpu.dma_semaphore, #tpu.memory_space<semaphore_mem>>
      %dma_start3A_57 = arith.constant 0 : i32
      %dma_start3A_58 = tpu.memref_slice %arg6[%add3A_16, %dma_start3A_57] : memref<409600x16xf32, #tpu.memory_space<hbm>> -> memref<3200x16xf32, #tpu.memory_space<hbm>>
      %dma_start3A_59 = arith.constant 0 : i32
      %dma_start3A_60 = tpu.memref_slice %arg6[%add3A_16, %dma_start3A_59] : memref<409600x16xf32, #tpu.memory_space<hbm>> -> memref<3200x16xf32, #tpu.memory_space<hbm>>
      tpu.enqueue_dma source(%arg10 : memref<3200x16xf32, #tpu.memory_space<vmem>>) target(%dma_start3A_60 : memref<3200x16xf32, #tpu.memory_space<hbm>>) target_semaphore(%run_scoped3A : memref<!tpu.dma_semaphore, #tpu.memory_space<semaphore_mem>>)
      %dma_wait3A_61 = arith.constant 0 : i32
      %dma_wait3A_62 = tpu.memref_slice %arg6[%add3A_16, %dma_wait3A_61] : memref<409600x16xf32, #tpu.memory_space<hbm>> -> memref<3200x16xf32, #tpu.memory_space<hbm>>
      %dma_wait3A_63 = arith.constant 0 : i32
      %dma_wait3A_64 = tpu.memref_slice %arg6[%add3A_16, %dma_wait3A_63] : memref<409600x16xf32, #tpu.memory_space<hbm>> -> memref<3200x16xf32, #tpu.memory_space<hbm>>
      tpu.wait_dma2 semaphore(%run_scoped3A : memref<!tpu.dma_semaphore, #tpu.memory_space<semaphore_mem>>) src(%arg10 : memref<3200x16xf32, #tpu.memory_space<vmem>>) dst(%dma_wait3A_64 : memref<3200x16xf32, #tpu.memory_space<hbm>>)
      tpu.yield
    }) : () -> ()
    "tpu.region"() ({
      %run_scoped3A = tpu.sem_alloc : memref<!tpu.dma_semaphore, #tpu.memory_space<semaphore_mem>>
      %dma_start3A_57 = arith.constant 0 : i32
      %dma_start3A_58 = tpu.memref_slice %arg7[%add3A_16, %dma_start3A_57] : memref<409600x16xf32, #tpu.memory_space<hbm>> -> memref<3200x16xf32, #tpu.memory_space<hbm>>
      %dma_start3A_59 = arith.constant 0 : i32
      %dma_start3A_60 = tpu.memref_slice %arg7[%add3A_16, %dma_start3A_59] : memref<409600x16xf32, #tpu.memory_space<hbm>> -> memref<3200x16xf32, #tpu.memory_space<hbm>>
      tpu.enqueue_dma source(%arg11 : memref<3200x16xf32, #tpu.memory_space<vmem>>) target(%dma_start3A_60 : memref<3200x16xf32, #tpu.memory_space<hbm>>) target_semaphore(%run_scoped3A : memref<!tpu.dma_semaphore, #tpu.memory_space<semaphore_mem>>)
      %dma_wait3A_61 = arith.constant 0 : i32
      %dma_wait3A_62 = tpu.memref_slice %arg7[%add3A_16, %dma_wait3A_61] : memref<409600x16xf32, #tpu.memory_space<hbm>> -> memref<3200x16xf32, #tpu.memory_space<hbm>>
      %dma_wait3A_63 = arith.constant 0 : i32
      %dma_wait3A_64 = tpu.memref_slice %arg7[%add3A_16, %dma_wait3A_63] : memref<409600x16xf32, #tpu.memory_space<hbm>> -> memref<3200x16xf32, #tpu.memory_space<hbm>>
      tpu.wait_dma2 semaphore(%run_scoped3A : memref<!tpu.dma_semaphore, #tpu.memory_space<semaphore_mem>>) src(%arg11 : memref<3200x16xf32, #tpu.memory_space<vmem>>) dst(%dma_wait3A_64 : memref<3200x16xf32, #tpu.memory_space<hbm>>)
      tpu.yield
    }) : () -> ()
    %add3A_29 = arith.constant 6400 : i32
    %add3A_30 = arith.addi %mul3A_2, %add3A_29 : i32
    "tpu.region"() ({
      %run_scoped3A = tpu.sem_alloc : memref<!tpu.dma_semaphore, #tpu.memory_space<semaphore_mem>>
      %dma_start3A_57 = tpu.memref_slice %arg4[%add3A_30] : memref<409600xi32, #tpu.memory_space<hbm>> -> memref<3200xi32, #tpu.memory_space<hbm>>
      %dma_start3A_58 = tpu.memref_slice %arg4[%add3A_30] : memref<409600xi32, #tpu.memory_space<hbm>> -> memref<3200xi32, #tpu.memory_space<hbm>>
      tpu.enqueue_dma source(%dma_start3A_58 : memref<3200xi32, #tpu.memory_space<hbm>>) target(%arg8 : memref<3200xi32, #tpu.memory_space<vmem>>) target_semaphore(%run_scoped3A : memref<!tpu.dma_semaphore, #tpu.memory_space<semaphore_mem>>)
      %dma_wait3A_59 = tpu.memref_slice %arg4[%add3A_30] : memref<409600xi32, #tpu.memory_space<hbm>> -> memref<3200xi32, #tpu.memory_space<hbm>>
      %dma_wait3A_60 = tpu.memref_slice %arg4[%add3A_30] : memref<409600xi32, #tpu.memory_space<hbm>> -> memref<3200xi32, #tpu.memory_space<hbm>>
      tpu.wait_dma2 semaphore(%run_scoped3A : memref<!tpu.dma_semaphore, #tpu.memory_space<semaphore_mem>>) src(%dma_wait3A_60 : memref<3200xi32, #tpu.memory_space<hbm>>) dst(%arg8 : memref<3200xi32, #tpu.memory_space<vmem>>)
      tpu.yield
    }) : () -> ()
    "tpu.region"() ({
      %run_scoped3A = tpu.sem_alloc : memref<!tpu.dma_semaphore, #tpu.memory_space<semaphore_mem>>
      %dma_start3A_57 = tpu.memref_slice %arg5[%add3A_30] : memref<409600xi32, #tpu.memory_space<hbm>> -> memref<3200xi32, #tpu.memory_space<hbm>>
      %dma_start3A_58 = tpu.memref_slice %arg5[%add3A_30] : memref<409600xi32, #tpu.memory_space<hbm>> -> memref<3200xi32, #tpu.memory_space<hbm>>
      tpu.enqueue_dma source(%dma_start3A_58 : memref<3200xi32, #tpu.memory_space<hbm>>) target(%arg9 : memref<3200xi32, #tpu.memory_space<vmem>>) target_semaphore(%run_scoped3A : memref<!tpu.dma_semaphore, #tpu.memory_space<semaphore_mem>>)
      %dma_wait3A_59 = tpu.memref_slice %arg5[%add3A_30] : memref<409600xi32, #tpu.memory_space<hbm>> -> memref<3200xi32, #tpu.memory_space<hbm>>
      %dma_wait3A_60 = tpu.memref_slice %arg5[%add3A_30] : memref<409600xi32, #tpu.memory_space<hbm>> -> memref<3200xi32, #tpu.memory_space<hbm>>
      tpu.wait_dma2 semaphore(%run_scoped3A : memref<!tpu.dma_semaphore, #tpu.memory_space<semaphore_mem>>) src(%dma_wait3A_60 : memref<3200xi32, #tpu.memory_space<hbm>>) dst(%arg9 : memref<3200xi32, #tpu.memory_space<vmem>>)
      tpu.yield
    }) : () -> ()
    %dma_start3A_31 = arith.constant 0 : i32
    %dma_start3A_32 = arith.constant 0 : i32
    %dma_start3A_33 = tpu.memref_slice %arg2[%dma_start3A_31, %dma_start3A_32] : memref<200000x16xf32, #tpu.memory_space<hbm>> -> memref<200000x16xf32, #tpu.memory_space<hbm>>
    tpu.enqueue_indirect_dma source(%dma_start3A_33 : memref<200000x16xf32, #tpu.memory_space<hbm>>) target(%arg10 : memref<3200x16xf32, #tpu.memory_space<vmem>>) offsets(%arg8 : memref<3200xi32, #tpu.memory_space<vmem>>) semaphore(%arg12 : memref<!tpu.dma_semaphore, #tpu.memory_space<semaphore_mem>>)
    %dma_start3A_34 = arith.constant 0 : i32
    %dma_start3A_35 = arith.constant 0 : i32
    %dma_start3A_36 = tpu.memref_slice %arg3[%dma_start3A_34, %dma_start3A_35] : memref<8192x16xf32, #tpu.memory_space<hbm>> -> memref<8192x16xf32, #tpu.memory_space<hbm>>
    tpu.enqueue_indirect_dma source(%dma_start3A_36 : memref<8192x16xf32, #tpu.memory_space<hbm>>) target(%arg11 : memref<3200x16xf32, #tpu.memory_space<vmem>>) offsets(%arg9 : memref<3200xi32, #tpu.memory_space<vmem>>) semaphore(%arg13 : memref<!tpu.dma_semaphore, #tpu.memory_space<semaphore_mem>>)
    %dma_wait3A_37 = arith.constant 0 : i32
    %dma_wait3A_38 = arith.constant 0 : i32
    %dma_wait3A_39 = tpu.memref_slice %arg2[%dma_wait3A_37, %dma_wait3A_38] : memref<200000x16xf32, #tpu.memory_space<hbm>> -> memref<200000x16xf32, #tpu.memory_space<hbm>>
    tpu.wait_indirect_dma semaphore(%arg12 : memref<!tpu.dma_semaphore, #tpu.memory_space<semaphore_mem>>) src(%dma_wait3A_39 : memref<200000x16xf32, #tpu.memory_space<hbm>>) dst(%arg10 : memref<3200x16xf32, #tpu.memory_space<vmem>>)
    %dma_wait3A_40 = arith.constant 0 : i32
    %dma_wait3A_41 = arith.constant 0 : i32
    %dma_wait3A_42 = tpu.memref_slice %arg3[%dma_wait3A_40, %dma_wait3A_41] : memref<8192x16xf32, #tpu.memory_space<hbm>> -> memref<8192x16xf32, #tpu.memory_space<hbm>>
    tpu.wait_indirect_dma semaphore(%arg13 : memref<!tpu.dma_semaphore, #tpu.memory_space<semaphore_mem>>) src(%dma_wait3A_42 : memref<8192x16xf32, #tpu.memory_space<hbm>>) dst(%arg11 : memref<3200x16xf32, #tpu.memory_space<vmem>>)
    "tpu.region"() ({
      %run_scoped3A = tpu.sem_alloc : memref<!tpu.dma_semaphore, #tpu.memory_space<semaphore_mem>>
      %dma_start3A_57 = arith.constant 0 : i32
      %dma_start3A_58 = tpu.memref_slice %arg6[%add3A_30, %dma_start3A_57] : memref<409600x16xf32, #tpu.memory_space<hbm>> -> memref<3200x16xf32, #tpu.memory_space<hbm>>
      %dma_start3A_59 = arith.constant 0 : i32
      %dma_start3A_60 = tpu.memref_slice %arg6[%add3A_30, %dma_start3A_59] : memref<409600x16xf32, #tpu.memory_space<hbm>> -> memref<3200x16xf32, #tpu.memory_space<hbm>>
      tpu.enqueue_dma source(%arg10 : memref<3200x16xf32, #tpu.memory_space<vmem>>) target(%dma_start3A_60 : memref<3200x16xf32, #tpu.memory_space<hbm>>) target_semaphore(%run_scoped3A : memref<!tpu.dma_semaphore, #tpu.memory_space<semaphore_mem>>)
      %dma_wait3A_61 = arith.constant 0 : i32
      %dma_wait3A_62 = tpu.memref_slice %arg6[%add3A_30, %dma_wait3A_61] : memref<409600x16xf32, #tpu.memory_space<hbm>> -> memref<3200x16xf32, #tpu.memory_space<hbm>>
      %dma_wait3A_63 = arith.constant 0 : i32
      %dma_wait3A_64 = tpu.memref_slice %arg6[%add3A_30, %dma_wait3A_63] : memref<409600x16xf32, #tpu.memory_space<hbm>> -> memref<3200x16xf32, #tpu.memory_space<hbm>>
      tpu.wait_dma2 semaphore(%run_scoped3A : memref<!tpu.dma_semaphore, #tpu.memory_space<semaphore_mem>>) src(%arg10 : memref<3200x16xf32, #tpu.memory_space<vmem>>) dst(%dma_wait3A_64 : memref<3200x16xf32, #tpu.memory_space<hbm>>)
      tpu.yield
    }) : () -> ()
    "tpu.region"() ({
      %run_scoped3A = tpu.sem_alloc : memref<!tpu.dma_semaphore, #tpu.memory_space<semaphore_mem>>
      %dma_start3A_57 = arith.constant 0 : i32
      %dma_start3A_58 = tpu.memref_slice %arg7[%add3A_30, %dma_start3A_57] : memref<409600x16xf32, #tpu.memory_space<hbm>> -> memref<3200x16xf32, #tpu.memory_space<hbm>>
      %dma_start3A_59 = arith.constant 0 : i32
      %dma_start3A_60 = tpu.memref_slice %arg7[%add3A_30, %dma_start3A_59] : memref<409600x16xf32, #tpu.memory_space<hbm>> -> memref<3200x16xf32, #tpu.memory_space<hbm>>
      tpu.enqueue_dma source(%arg11 : memref<3200x16xf32, #tpu.memory_space<vmem>>) target(%dma_start3A_60 : memref<3200x16xf32, #tpu.memory_space<hbm>>) target_semaphore(%run_scoped3A : memref<!tpu.dma_semaphore, #tpu.memory_space<semaphore_mem>>)
      %dma_wait3A_61 = arith.constant 0 : i32
      %dma_wait3A_62 = tpu.memref_slice %arg7[%add3A_30, %dma_wait3A_61] : memref<409600x16xf32, #tpu.memory_space<hbm>> -> memref<3200x16xf32, #tpu.memory_space<hbm>>
      %dma_wait3A_63 = arith.constant 0 : i32
      %dma_wait3A_64 = tpu.memref_slice %arg7[%add3A_30, %dma_wait3A_63] : memref<409600x16xf32, #tpu.memory_space<hbm>> -> memref<3200x16xf32, #tpu.memory_space<hbm>>
      tpu.wait_dma2 semaphore(%run_scoped3A : memref<!tpu.dma_semaphore, #tpu.memory_space<semaphore_mem>>) src(%arg11 : memref<3200x16xf32, #tpu.memory_space<vmem>>) dst(%dma_wait3A_64 : memref<3200x16xf32, #tpu.memory_space<hbm>>)
      tpu.yield
    }) : () -> ()
    %add3A_43 = arith.constant 9600 : i32
    %add3A_44 = arith.addi %mul3A_2, %add3A_43 : i32
    "tpu.region"() ({
      %run_scoped3A = tpu.sem_alloc : memref<!tpu.dma_semaphore, #tpu.memory_space<semaphore_mem>>
      %dma_start3A_57 = tpu.memref_slice %arg4[%add3A_44] : memref<409600xi32, #tpu.memory_space<hbm>> -> memref<3200xi32, #tpu.memory_space<hbm>>
      %dma_start3A_58 = tpu.memref_slice %arg4[%add3A_44] : memref<409600xi32, #tpu.memory_space<hbm>> -> memref<3200xi32, #tpu.memory_space<hbm>>
      tpu.enqueue_dma source(%dma_start3A_58 : memref<3200xi32, #tpu.memory_space<hbm>>) target(%arg8 : memref<3200xi32, #tpu.memory_space<vmem>>) target_semaphore(%run_scoped3A : memref<!tpu.dma_semaphore, #tpu.memory_space<semaphore_mem>>)
      %dma_wait3A_59 = tpu.memref_slice %arg4[%add3A_44] : memref<409600xi32, #tpu.memory_space<hbm>> -> memref<3200xi32, #tpu.memory_space<hbm>>
      %dma_wait3A_60 = tpu.memref_slice %arg4[%add3A_44] : memref<409600xi32, #tpu.memory_space<hbm>> -> memref<3200xi32, #tpu.memory_space<hbm>>
      tpu.wait_dma2 semaphore(%run_scoped3A : memref<!tpu.dma_semaphore, #tpu.memory_space<semaphore_mem>>) src(%dma_wait3A_60 : memref<3200xi32, #tpu.memory_space<hbm>>) dst(%arg8 : memref<3200xi32, #tpu.memory_space<vmem>>)
      tpu.yield
    }) : () -> ()
    "tpu.region"() ({
      %run_scoped3A = tpu.sem_alloc : memref<!tpu.dma_semaphore, #tpu.memory_space<semaphore_mem>>
      %dma_start3A_57 = tpu.memref_slice %arg5[%add3A_44] : memref<409600xi32, #tpu.memory_space<hbm>> -> memref<3200xi32, #tpu.memory_space<hbm>>
      %dma_start3A_58 = tpu.memref_slice %arg5[%add3A_44] : memref<409600xi32, #tpu.memory_space<hbm>> -> memref<3200xi32, #tpu.memory_space<hbm>>
      tpu.enqueue_dma source(%dma_start3A_58 : memref<3200xi32, #tpu.memory_space<hbm>>) target(%arg9 : memref<3200xi32, #tpu.memory_space<vmem>>) target_semaphore(%run_scoped3A : memref<!tpu.dma_semaphore, #tpu.memory_space<semaphore_mem>>)
      %dma_wait3A_59 = tpu.memref_slice %arg5[%add3A_44] : memref<409600xi32, #tpu.memory_space<hbm>> -> memref<3200xi32, #tpu.memory_space<hbm>>
      %dma_wait3A_60 = tpu.memref_slice %arg5[%add3A_44] : memref<409600xi32, #tpu.memory_space<hbm>> -> memref<3200xi32, #tpu.memory_space<hbm>>
      tpu.wait_dma2 semaphore(%run_scoped3A : memref<!tpu.dma_semaphore, #tpu.memory_space<semaphore_mem>>) src(%dma_wait3A_60 : memref<3200xi32, #tpu.memory_space<hbm>>) dst(%arg9 : memref<3200xi32, #tpu.memory_space<vmem>>)
      tpu.yield
    }) : () -> ()
    %dma_start3A_45 = arith.constant 0 : i32
    %dma_start3A_46 = arith.constant 0 : i32
    %dma_start3A_47 = tpu.memref_slice %arg2[%dma_start3A_45, %dma_start3A_46] : memref<200000x16xf32, #tpu.memory_space<hbm>> -> memref<200000x16xf32, #tpu.memory_space<hbm>>
    tpu.enqueue_indirect_dma source(%dma_start3A_47 : memref<200000x16xf32, #tpu.memory_space<hbm>>) target(%arg10 : memref<3200x16xf32, #tpu.memory_space<vmem>>) offsets(%arg8 : memref<3200xi32, #tpu.memory_space<vmem>>) semaphore(%arg12 : memref<!tpu.dma_semaphore, #tpu.memory_space<semaphore_mem>>)
    %dma_start3A_48 = arith.constant 0 : i32
    %dma_start3A_49 = arith.constant 0 : i32
    %dma_start3A_50 = tpu.memref_slice %arg3[%dma_start3A_48, %dma_start3A_49] : memref<8192x16xf32, #tpu.memory_space<hbm>> -> memref<8192x16xf32, #tpu.memory_space<hbm>>
    tpu.enqueue_indirect_dma source(%dma_start3A_50 : memref<8192x16xf32, #tpu.memory_space<hbm>>) target(%arg11 : memref<3200x16xf32, #tpu.memory_space<vmem>>) offsets(%arg9 : memref<3200xi32, #tpu.memory_space<vmem>>) semaphore(%arg13 : memref<!tpu.dma_semaphore, #tpu.memory_space<semaphore_mem>>)
    %dma_wait3A_51 = arith.constant 0 : i32
    %dma_wait3A_52 = arith.constant 0 : i32
    %dma_wait3A_53 = tpu.memref_slice %arg2[%dma_wait3A_51, %dma_wait3A_52] : memref<200000x16xf32, #tpu.memory_space<hbm>> -> memref<200000x16xf32, #tpu.memory_space<hbm>>
    tpu.wait_indirect_dma semaphore(%arg12 : memref<!tpu.dma_semaphore, #tpu.memory_space<semaphore_mem>>) src(%dma_wait3A_53 : memref<200000x16xf32, #tpu.memory_space<hbm>>) dst(%arg10 : memref<3200x16xf32, #tpu.memory_space<vmem>>)
    %dma_wait3A_54 = arith.constant 0 : i32
    %dma_wait3A_55 = arith.constant 0 : i32
    %dma_wait3A_56 = tpu.memref_slice %arg3[%dma_wait3A_54, %dma_wait3A_55] : memref<8192x16xf32, #tpu.memory_space<hbm>> -> memref<8192x16xf32, #tpu.memory_space<hbm>>
    tpu.wait_indirect_dma semaphore(%arg13 : memref<!tpu.dma_semaphore, #tpu.memory_space<semaphore_mem>>) src(%dma_wait3A_56 : memref<8192x16xf32, #tpu.memory_space<hbm>>) dst(%arg11 : memref<3200x16xf32, #tpu.memory_space<vmem>>)
    "tpu.region"() ({
      %run_scoped3A = tpu.sem_alloc : memref<!tpu.dma_semaphore, #tpu.memory_space<semaphore_mem>>
      %dma_start3A_57 = arith.constant 0 : i32
      %dma_start3A_58 = tpu.memref_slice %arg6[%add3A_44, %dma_start3A_57] : memref<409600x16xf32, #tpu.memory_space<hbm>> -> memref<3200x16xf32, #tpu.memory_space<hbm>>
      %dma_start3A_59 = arith.constant 0 : i32
      %dma_start3A_60 = tpu.memref_slice %arg6[%add3A_44, %dma_start3A_59] : memref<409600x16xf32, #tpu.memory_space<hbm>> -> memref<3200x16xf32, #tpu.memory_space<hbm>>
      tpu.enqueue_dma source(%arg10 : memref<3200x16xf32, #tpu.memory_space<vmem>>) target(%dma_start3A_60 : memref<3200x16xf32, #tpu.memory_space<hbm>>) target_semaphore(%run_scoped3A : memref<!tpu.dma_semaphore, #tpu.memory_space<semaphore_mem>>)
      %dma_wait3A_61 = arith.constant 0 : i32
      %dma_wait3A_62 = tpu.memref_slice %arg6[%add3A_44, %dma_wait3A_61] : memref<409600x16xf32, #tpu.memory_space<hbm>> -> memref<3200x16xf32, #tpu.memory_space<hbm>>
      %dma_wait3A_63 = arith.constant 0 : i32
      %dma_wait3A_64 = tpu.memref_slice %arg6[%add3A_44, %dma_wait3A_63] : memref<409600x16xf32, #tpu.memory_space<hbm>> -> memref<3200x16xf32, #tpu.memory_space<hbm>>
      tpu.wait_dma2 semaphore(%run_scoped3A : memref<!tpu.dma_semaphore, #tpu.memory_space<semaphore_mem>>) src(%arg10 : memref<3200x16xf32, #tpu.memory_space<vmem>>) dst(%dma_wait3A_64 : memref<3200x16xf32, #tpu.memory_space<hbm>>)
      tpu.yield
    }) : () -> ()
    "tpu.region"() ({
      %run_scoped3A = tpu.sem_alloc : memref<!tpu.dma_semaphore, #tpu.memory_space<semaphore_mem>>
      %dma_start3A_57 = arith.constant 0 : i32
      %dma_start3A_58 = tpu.memref_slice %arg7[%add3A_44, %dma_start3A_57] : memref<409600x16xf32, #tpu.memory_space<hbm>> -> memref<3200x16xf32, #tpu.memory_space<hbm>>
      %dma_start3A_59 = arith.constant 0 : i32
      %dma_start3A_60 = tpu.memref_slice %arg7[%add3A_44, %dma_start3A_59] : memref<409600x16xf32, #tpu.memory_space<hbm>> -> memref<3200x16xf32, #tpu.memory_space<hbm>>
      tpu.enqueue_dma source(%arg11 : memref<3200x16xf32, #tpu.memory_space<vmem>>) target(%dma_start3A_60 : memref<3200x16xf32, #tpu.memory_space<hbm>>) target_semaphore(%run_scoped3A : memref<!tpu.dma_semaphore, #tpu.memory_space<semaphore_mem>>)
      %dma_wait3A_61 = arith.constant 0 : i32
      %dma_wait3A_62 = tpu.memref_slice %arg7[%add3A_44, %dma_wait3A_61] : memref<409600x16xf32, #tpu.memory_space<hbm>> -> memref<3200x16xf32, #tpu.memory_space<hbm>>
      %dma_wait3A_63 = arith.constant 0 : i32
      %dma_wait3A_64 = tpu.memref_slice %arg7[%add3A_44, %dma_wait3A_63] : memref<409600x16xf32, #tpu.memory_space<hbm>> -> memref<3200x16xf32, #tpu.memory_space<hbm>>
      tpu.wait_dma2 semaphore(%run_scoped3A : memref<!tpu.dma_semaphore, #tpu.memory_space<semaphore_mem>>) src(%arg11 : memref<3200x16xf32, #tpu.memory_space<vmem>>) dst(%dma_wait3A_64 : memref<3200x16xf32, #tpu.memory_space<hbm>>)
      tpu.yield
    }) : () -> ()
    return
  }
}

module attributes {stable_mosaic.version = 14 : i64} {
  func.func @_tc0_body(%arg0: memref<4x2000x16xf32, #tpu.memory_space<vmem>>, %arg1: memref<16x512xf32, #tpu.memory_space<vmem>>, %arg2: memref<1x512xf32, #tpu.memory_space<vmem>>, %arg3: memref<512x1xf32, #tpu.memory_space<vmem>>, %arg4: memref<4x2000xf32, #tpu.memory_space<vmem>>) attributes {dimension_semantics = [], scalar_prefetch = 0 : i64, scratch_operands = 0 : i64, tpu.core_type = #tpu.core_type<tc>} {
    %get3A = arith.constant 0 : index
    %get3A_0 = arith.constant 0 : index
    %get3A_1 = arith.constant 0 : index
    %get3A_2 = vector.load %arg0[%get3A, %get3A_0, %get3A_1] : memref<4x2000x16xf32, #tpu.memory_space<vmem>>, vector<1x2000x16xf32>
    %get3A_3 = vector.shape_cast %get3A_2 : vector<1x2000x16xf32> to vector<2000x16xf32>
    %get3A_4 = arith.constant 0 : index
    %get3A_5 = arith.constant 0 : index
    %get3A_6 = vector.load %arg1[%get3A_4, %get3A_5] : memref<16x512xf32, #tpu.memory_space<vmem>>, vector<16x512xf32>
    %dot_general3A = arith.constant dense<0.000000e+00> : vector<2000x512xf32>
    %dot_general3A_7 = tpu.matmul %get3A_3, %get3A_6, %dot_general3A {dimension_numbers = #tpu.dot_dimension_numbers<[1], [0], [0], [1], [0, 0, 1, 1], [], []>, transpose_lhs_hint = false} : vector<2000x16xf32>, vector<16x512xf32>, vector<2000x512xf32> -> vector<2000x512xf32>
    %get3A_8 = arith.constant 0 : index
    %get3A_9 = arith.constant 0 : index
    %get3A_10 = vector.load %arg2[%get3A_8, %get3A_9] : memref<1x512xf32, #tpu.memory_space<vmem>>, vector<1x512xf32>
    %add3A = vector.broadcast %get3A_10 : vector<1x512xf32> to vector<2000x512xf32>
    %add3A_11 = arith.addf %dot_general3A_7, %add3A : vector<2000x512xf32>
    %gt3A = arith.constant 0.000000e+00 : f32
    %gt3A_12 = vector.broadcast %gt3A : f32 to vector<2000x512xf32>
    %gt3A_13 = arith.cmpf ogt, %add3A_11, %gt3A_12 : vector<2000x512xf32>
    %mul3A = arith.constant 2.000000e-01 : f32
    %mul3A_14 = vector.broadcast %mul3A : f32 to vector<2000x512xf32>
    %mul3A_15 = arith.mulf %mul3A_14, %add3A_11 : vector<2000x512xf32>
    %select_n3A = arith.select %gt3A_13, %add3A_11, %mul3A_15 : vector<2000x512xi1>, vector<2000x512xf32>
    %get3A_16 = arith.constant 0 : index
    %get3A_17 = arith.constant 0 : index
    %get3A_18 = vector.load %arg3[%get3A_16, %get3A_17] : memref<512x1xf32, #tpu.memory_space<vmem>>, vector<512x1xf32>
    %dot_general3A_19 = arith.constant dense<0.000000e+00> : vector<2000x1xf32>
    %dot_general3A_20 = tpu.matmul %select_n3A, %get3A_18, %dot_general3A_19 {dimension_numbers = #tpu.dot_dimension_numbers<[1], [0], [0], [1], [0, 0, 1, 1], [], []>, transpose_lhs_hint = false} : vector<2000x512xf32>, vector<512x1xf32>, vector<2000x1xf32> -> vector<2000x1xf32>
    %reshape3A = vector.shape_cast %dot_general3A_20 : vector<2000x1xf32> to vector<1x2000xf32>
    %get3A_21 = arith.constant 1 : index
    %get3A_22 = arith.constant 0 : index
    %get3A_23 = arith.constant 0 : index
    %get3A_24 = vector.load %arg0[%get3A_21, %get3A_22, %get3A_23] : memref<4x2000x16xf32, #tpu.memory_space<vmem>>, vector<1x2000x16xf32>
    %get3A_25 = vector.shape_cast %get3A_24 : vector<1x2000x16xf32> to vector<2000x16xf32>
    %get3A_26 = arith.constant 0 : index
    %get3A_27 = arith.constant 0 : index
    %get3A_28 = vector.load %arg1[%get3A_26, %get3A_27] : memref<16x512xf32, #tpu.memory_space<vmem>>, vector<16x512xf32>
    %dot_general3A_29 = arith.constant dense<0.000000e+00> : vector<2000x512xf32>
    %dot_general3A_30 = tpu.matmul %get3A_25, %get3A_28, %dot_general3A_29 {dimension_numbers = #tpu.dot_dimension_numbers<[1], [0], [0], [1], [0, 0, 1, 1], [], []>, transpose_lhs_hint = false} : vector<2000x16xf32>, vector<16x512xf32>, vector<2000x512xf32> -> vector<2000x512xf32>
    %get3A_31 = arith.constant 0 : index
    %get3A_32 = arith.constant 0 : index
    %get3A_33 = vector.load %arg2[%get3A_31, %get3A_32] : memref<1x512xf32, #tpu.memory_space<vmem>>, vector<1x512xf32>
    %add3A_34 = vector.broadcast %get3A_33 : vector<1x512xf32> to vector<2000x512xf32>
    %add3A_35 = arith.addf %dot_general3A_30, %add3A_34 : vector<2000x512xf32>
    %gt3A_36 = arith.constant 0.000000e+00 : f32
    %gt3A_37 = vector.broadcast %gt3A_36 : f32 to vector<2000x512xf32>
    %gt3A_38 = arith.cmpf ogt, %add3A_35, %gt3A_37 : vector<2000x512xf32>
    %mul3A_39 = arith.constant 2.000000e-01 : f32
    %mul3A_40 = vector.broadcast %mul3A_39 : f32 to vector<2000x512xf32>
    %mul3A_41 = arith.mulf %mul3A_40, %add3A_35 : vector<2000x512xf32>
    %select_n3A_42 = arith.select %gt3A_38, %add3A_35, %mul3A_41 : vector<2000x512xi1>, vector<2000x512xf32>
    %get3A_43 = arith.constant 0 : index
    %get3A_44 = arith.constant 0 : index
    %get3A_45 = vector.load %arg3[%get3A_43, %get3A_44] : memref<512x1xf32, #tpu.memory_space<vmem>>, vector<512x1xf32>
    %dot_general3A_46 = arith.constant dense<0.000000e+00> : vector<2000x1xf32>
    %dot_general3A_47 = tpu.matmul %select_n3A_42, %get3A_45, %dot_general3A_46 {dimension_numbers = #tpu.dot_dimension_numbers<[1], [0], [0], [1], [0, 0, 1, 1], [], []>, transpose_lhs_hint = false} : vector<2000x512xf32>, vector<512x1xf32>, vector<2000x1xf32> -> vector<2000x1xf32>
    %reshape3A_48 = vector.shape_cast %dot_general3A_47 : vector<2000x1xf32> to vector<1x2000xf32>
    %get3A_49 = arith.constant 2 : index
    %get3A_50 = arith.constant 0 : index
    %get3A_51 = arith.constant 0 : index
    %get3A_52 = vector.load %arg0[%get3A_49, %get3A_50, %get3A_51] : memref<4x2000x16xf32, #tpu.memory_space<vmem>>, vector<1x2000x16xf32>
    %get3A_53 = vector.shape_cast %get3A_52 : vector<1x2000x16xf32> to vector<2000x16xf32>
    %get3A_54 = arith.constant 0 : index
    %get3A_55 = arith.constant 0 : index
    %get3A_56 = vector.load %arg1[%get3A_54, %get3A_55] : memref<16x512xf32, #tpu.memory_space<vmem>>, vector<16x512xf32>
    %dot_general3A_57 = arith.constant dense<0.000000e+00> : vector<2000x512xf32>
    %dot_general3A_58 = tpu.matmul %get3A_53, %get3A_56, %dot_general3A_57 {dimension_numbers = #tpu.dot_dimension_numbers<[1], [0], [0], [1], [0, 0, 1, 1], [], []>, transpose_lhs_hint = false} : vector<2000x16xf32>, vector<16x512xf32>, vector<2000x512xf32> -> vector<2000x512xf32>
    %get3A_59 = arith.constant 0 : index
    %get3A_60 = arith.constant 0 : index
    %get3A_61 = vector.load %arg2[%get3A_59, %get3A_60] : memref<1x512xf32, #tpu.memory_space<vmem>>, vector<1x512xf32>
    %add3A_62 = vector.broadcast %get3A_61 : vector<1x512xf32> to vector<2000x512xf32>
    %add3A_63 = arith.addf %dot_general3A_58, %add3A_62 : vector<2000x512xf32>
    %gt3A_64 = arith.constant 0.000000e+00 : f32
    %gt3A_65 = vector.broadcast %gt3A_64 : f32 to vector<2000x512xf32>
    %gt3A_66 = arith.cmpf ogt, %add3A_63, %gt3A_65 : vector<2000x512xf32>
    %mul3A_67 = arith.constant 2.000000e-01 : f32
    %mul3A_68 = vector.broadcast %mul3A_67 : f32 to vector<2000x512xf32>
    %mul3A_69 = arith.mulf %mul3A_68, %add3A_63 : vector<2000x512xf32>
    %select_n3A_70 = arith.select %gt3A_66, %add3A_63, %mul3A_69 : vector<2000x512xi1>, vector<2000x512xf32>
    %get3A_71 = arith.constant 0 : index
    %get3A_72 = arith.constant 0 : index
    %get3A_73 = vector.load %arg3[%get3A_71, %get3A_72] : memref<512x1xf32, #tpu.memory_space<vmem>>, vector<512x1xf32>
    %dot_general3A_74 = arith.constant dense<0.000000e+00> : vector<2000x1xf32>
    %dot_general3A_75 = tpu.matmul %select_n3A_70, %get3A_73, %dot_general3A_74 {dimension_numbers = #tpu.dot_dimension_numbers<[1], [0], [0], [1], [0, 0, 1, 1], [], []>, transpose_lhs_hint = false} : vector<2000x512xf32>, vector<512x1xf32>, vector<2000x1xf32> -> vector<2000x1xf32>
    %reshape3A_76 = vector.shape_cast %dot_general3A_75 : vector<2000x1xf32> to vector<1x2000xf32>
    %get3A_77 = arith.constant 3 : index
    %get3A_78 = arith.constant 0 : index
    %get3A_79 = arith.constant 0 : index
    %get3A_80 = vector.load %arg0[%get3A_77, %get3A_78, %get3A_79] : memref<4x2000x16xf32, #tpu.memory_space<vmem>>, vector<1x2000x16xf32>
    %get3A_81 = vector.shape_cast %get3A_80 : vector<1x2000x16xf32> to vector<2000x16xf32>
    %get3A_82 = arith.constant 0 : index
    %get3A_83 = arith.constant 0 : index
    %get3A_84 = vector.load %arg1[%get3A_82, %get3A_83] : memref<16x512xf32, #tpu.memory_space<vmem>>, vector<16x512xf32>
    %dot_general3A_85 = arith.constant dense<0.000000e+00> : vector<2000x512xf32>
    %dot_general3A_86 = tpu.matmul %get3A_81, %get3A_84, %dot_general3A_85 {dimension_numbers = #tpu.dot_dimension_numbers<[1], [0], [0], [1], [0, 0, 1, 1], [], []>, transpose_lhs_hint = false} : vector<2000x16xf32>, vector<16x512xf32>, vector<2000x512xf32> -> vector<2000x512xf32>
    %get3A_87 = arith.constant 0 : index
    %get3A_88 = arith.constant 0 : index
    %get3A_89 = vector.load %arg2[%get3A_87, %get3A_88] : memref<1x512xf32, #tpu.memory_space<vmem>>, vector<1x512xf32>
    %add3A_90 = vector.broadcast %get3A_89 : vector<1x512xf32> to vector<2000x512xf32>
    %add3A_91 = arith.addf %dot_general3A_86, %add3A_90 : vector<2000x512xf32>
    %gt3A_92 = arith.constant 0.000000e+00 : f32
    %gt3A_93 = vector.broadcast %gt3A_92 : f32 to vector<2000x512xf32>
    %gt3A_94 = arith.cmpf ogt, %add3A_91, %gt3A_93 : vector<2000x512xf32>
    %mul3A_95 = arith.constant 2.000000e-01 : f32
    %mul3A_96 = vector.broadcast %mul3A_95 : f32 to vector<2000x512xf32>
    %mul3A_97 = arith.mulf %mul3A_96, %add3A_91 : vector<2000x512xf32>
    %select_n3A_98 = arith.select %gt3A_94, %add3A_91, %mul3A_97 : vector<2000x512xi1>, vector<2000x512xf32>
    %get3A_99 = arith.constant 0 : index
    %get3A_100 = arith.constant 0 : index
    %get3A_101 = vector.load %arg3[%get3A_99, %get3A_100] : memref<512x1xf32, #tpu.memory_space<vmem>>, vector<512x1xf32>
    %dot_general3A_102 = arith.constant dense<0.000000e+00> : vector<2000x1xf32>
    %dot_general3A_103 = tpu.matmul %select_n3A_98, %get3A_101, %dot_general3A_102 {dimension_numbers = #tpu.dot_dimension_numbers<[1], [0], [0], [1], [0, 0, 1, 1], [], []>, transpose_lhs_hint = false} : vector<2000x512xf32>, vector<512x1xf32>, vector<2000x1xf32> -> vector<2000x1xf32>
    %reshape3A_104 = vector.shape_cast %dot_general3A_103 : vector<2000x1xf32> to vector<1x2000xf32>
    %concatenate3A = tpu.concatenate %reshape3A, %reshape3A_48, %reshape3A_76, %reshape3A_104 in 0 : vector<1x2000xf32>, vector<1x2000xf32>, vector<1x2000xf32>, vector<1x2000xf32> -> vector<4x2000xf32>
    %swap3A = arith.constant 0 : index
    %swap3A_105 = arith.constant 0 : index
    %swap3A_106 = vector.load %arg4[%swap3A, %swap3A_105] : memref<4x2000xf32, #tpu.memory_space<vmem>>, vector<4x2000xf32>
    tpu.vector_store %arg4[%swap3A, %swap3A_105], %concatenate3A {strides = array<i32>} : memref<4x2000xf32, #tpu.memory_space<vmem>>, vector<4x2000xf32>,
    return
  }
}

module attributes {stable_mosaic.version = 14 : i64} {
  func.func @_tc1_body(%arg0: i32, %arg1: memref<512x16xf32, #tpu.memory_space<vmem>>, %arg2: memref<512x16xf32, #tpu.memory_space<vmem>>, %arg3: memref<1x1x512xi32, #tpu.memory_space<vmem>>, %arg4: memref<1x1x512xi32, #tpu.memory_space<vmem>>, %arg5: memref<16x512xf32, #tpu.memory_space<vmem>>, %arg6: memref<16x512xf32, #tpu.memory_space<vmem>>, %arg7: memref<1x512xf32, #tpu.memory_space<vmem>>, %arg8: memref<512x1xf32, #tpu.memory_space<vmem>>, %arg9: memref<512x8xf32, #tpu.memory_space<vmem>>) attributes {dimension_semantics = [#tpu.dimension_semantics<arbitrary>], iteration_bounds = array<i64: 800>, scalar_prefetch = 0 : i64, scratch_operands = 0 : i64, tpu.core_type = #tpu.core_type<tc>, window_params = [{transform_indices = @transform_0, window_bounds = array<i64: 512, 16>}, {transform_indices = @transform_1, window_bounds = array<i64: 512, 16>}, {transform_indices = @transform_2, window_bounds = array<i64: 1, 1, 512>}, {transform_indices = @transform_3, window_bounds = array<i64: 1, 1, 512>}, {pipeline_mode = #tpu.pipeline_mode<synchronous>, transform_indices = @transform_4, window_bounds = array<i64: 16, 512>}, {pipeline_mode = #tpu.pipeline_mode<synchronous>, transform_indices = @transform_5, window_bounds = array<i64: 16, 512>}, {pipeline_mode = #tpu.pipeline_mode<synchronous>, transform_indices = @transform_6, window_bounds = array<i64: 1, 512>}, {pipeline_mode = #tpu.pipeline_mode<synchronous>, transform_indices = @transform_7, window_bounds = array<i64: 512, 1>}, {transform_indices = @transform_8, window_bounds = array<i64: 512, 8>}]} {
    %get3A = arith.constant 0 : index
    %get3A_0 = arith.constant 0 : index
    %get3A_1 = vector.load %arg1[%get3A, %get3A_0] : memref<512x16xf32, #tpu.memory_space<vmem>>, vector<512x16xf32>
    %get3A_2 = arith.constant 0 : index
    %get3A_3 = arith.constant 0 : index
    %get3A_4 = vector.load %arg2[%get3A_2, %get3A_3] : memref<512x16xf32, #tpu.memory_space<vmem>>, vector<512x16xf32>
    %get3A_5 = arith.constant 0 : index
    %get3A_6 = arith.constant 0 : index
    %get3A_7 = vector.load %arg5[%get3A_5, %get3A_6] : memref<16x512xf32, #tpu.memory_space<vmem>>, vector<16x512xf32>
    %dot_general3A = arith.constant dense<0.000000e+00> : vector<512x512xf32>
    %dot_general3A_8 = tpu.matmul %get3A_1, %get3A_7, %dot_general3A {dimension_numbers = #tpu.dot_dimension_numbers<[1], [0], [0], [1], [0, 0, 1, 1], [], []>, transpose_lhs_hint = false} : vector<512x16xf32>, vector<16x512xf32>, vector<512x512xf32> -> vector<512x512xf32>
    %get3A_9 = arith.constant 0 : index
    %get3A_10 = arith.constant 0 : index
    %get3A_11 = vector.load %arg6[%get3A_9, %get3A_10] : memref<16x512xf32, #tpu.memory_space<vmem>>, vector<16x512xf32>
    %dot_general3A_12 = arith.constant dense<0.000000e+00> : vector<512x512xf32>
    %dot_general3A_13 = tpu.matmul %get3A_4, %get3A_11, %dot_general3A_12 {dimension_numbers = #tpu.dot_dimension_numbers<[1], [0], [0], [1], [0, 0, 1, 1], [], []>, transpose_lhs_hint = false} : vector<512x16xf32>, vector<16x512xf32>, vector<512x512xf32> -> vector<512x512xf32>
    %add3A = arith.addf %dot_general3A_8, %dot_general3A_13 : vector<512x512xf32>
    %get3A_14 = arith.constant 0 : index
    %get3A_15 = arith.constant 0 : index
    %get3A_16 = vector.load %arg7[%get3A_14, %get3A_15] : memref<1x512xf32, #tpu.memory_space<vmem>>, vector<1x512xf32>
    %add3A_17 = vector.broadcast %get3A_16 : vector<1x512xf32> to vector<512x512xf32>
    %add3A_18 = arith.addf %add3A, %add3A_17 : vector<512x512xf32>
    %gt3A = arith.constant 0.000000e+00 : f32
    %gt3A_19 = vector.broadcast %gt3A : f32 to vector<512x512xf32>
    %gt3A_20 = arith.cmpf ogt, %add3A_18, %gt3A_19 : vector<512x512xf32>
    %mul3A = arith.constant 2.000000e-01 : f32
    %mul3A_21 = vector.broadcast %mul3A : f32 to vector<512x512xf32>
    %mul3A_22 = arith.mulf %mul3A_21, %add3A_18 : vector<512x512xf32>
    %select_n3A = arith.select %gt3A_20, %add3A_18, %mul3A_22 : vector<512x512xi1>, vector<512x512xf32>
    %get3A_23 = arith.constant 0 : index
    %get3A_24 = arith.constant 0 : index
    %get3A_25 = vector.load %arg8[%get3A_23, %get3A_24] : memref<512x1xf32, #tpu.memory_space<vmem>>, vector<512x1xf32>
    %dot_general3A_26 = arith.constant dense<0.000000e+00> : vector<512x1xf32>
    %dot_general3A_27 = tpu.matmul %select_n3A, %get3A_25, %dot_general3A_26 {dimension_numbers = #tpu.dot_dimension_numbers<[1], [0], [0], [1], [0, 0, 1, 1], [], []>, transpose_lhs_hint = false} : vector<512x512xf32>, vector<512x1xf32>, vector<512x1xf32> -> vector<512x1xf32>
    %get3A_28 = arith.constant 0 : index
    %get3A_29 = arith.constant 0 : index
    %get3A_30 = arith.constant 0 : index
    %get3A_31 = vector.load %arg3[%get3A_28, %get3A_29, %get3A_30] : memref<1x1x512xi32, #tpu.memory_space<vmem>>, vector<1x1x512xi32>
    %reshape3A = vector.shape_cast %get3A_31 : vector<1x1x512xi32> to vector<512x1xi32>
    %get3A_32 = arith.constant 0 : index
    %get3A_33 = arith.constant 0 : index
    %get3A_34 = arith.constant 0 : index
    %get3A_35 = vector.load %arg4[%get3A_32, %get3A_33, %get3A_34] : memref<1x1x512xi32, #tpu.memory_space<vmem>>, vector<1x1x512xi32>
    %reshape3A_36 = vector.shape_cast %get3A_35 : vector<1x1x512xi32> to vector<512x1xi32>
    %jit3A = arith.constant 200 : i32
    %eq3A = arith.constant 0 : i32
    %eq3A_37 = arith.cmpi eq, %jit3A, %eq3A : i32
    %jit3A_38 = arith.constant 1 : i32
    %select_n3A_39 = arith.select %eq3A_37, %jit3A_38, %jit3A : i32
    %rem3A = arith.remsi %arg0, %select_n3A_39 : i32
    %ne3A = arith.constant 0 : i32
    %ne3A_40 = arith.cmpi ne, %rem3A, %ne3A : i32
    %lt3A = arith.constant 0 : i32
    %lt3A_41 = arith.cmpi slt, %rem3A, %lt3A : i32
    %lt3A_42 = arith.constant 0 : i32
    %lt3A_43 = arith.cmpi slt, %select_n3A_39, %lt3A_42 : i32
    %ne3A_44 = arith.xori %lt3A_41, %lt3A_43 : i1
    %and3A = arith.andi %ne3A_44, %ne3A_40 : i1
    %add3A_45 = arith.addi %rem3A, %select_n3A_39 : i32
    %select_n3A_46 = arith.select %and3A, %add3A_45, %rem3A : i32
    %mul3A_47 = arith.constant 512 : i32
    %mul3A_48 = arith.muli %select_n3A_46, %mul3A_47 : i32
    %iota3A = tpu.iota {dimensions = array<i32: 0>} : vector<512x1xi32>
    %add3A_49 = vector.broadcast %mul3A_48 : i32 to vector<512x1xi32>
    %add3A_50 = arith.addi %add3A_49, %iota3A : vector<512x1xi32>
    %lt3A_51 = arith.constant 100000 : i32
    %lt3A_52 = vector.broadcast %lt3A_51 : i32 to vector<512x1xi32>
    %lt3A_53 = arith.cmpi slt, %add3A_50, %lt3A_52 : vector<512x1xi32>
    %eq3A_54 = arith.cmpi eq, %reshape3A, %reshape3A_36 : vector<512x1xi32>
    %and3A_55 = arith.andi %lt3A_53, %eq3A_54 : vector<512x1xi1>
    %ge3A = arith.constant 102000 : i32
    %ge3A_56 = vector.broadcast %ge3A : i32 to vector<512x1xi32>
    %ge3A_57 = arith.cmpi sge, %add3A_50, %ge3A_56 : vector<512x1xi32>
    %or3A = arith.ori %and3A_55, %ge3A_57 : vector<512x1xi1>
    %jit3A_58 = arith.constant -1.000000e+30 : f32
    %broadcast_in_dim3A = vector.broadcast %jit3A_58 : f32 to vector<512x1xf32>
    %select_n3A_59 = arith.select %or3A, %broadcast_in_dim3A, %dot_general3A_27 : vector<512x1xi1>, vector<512x1xf32>
    %slice3A = vector.extract_strided_slice %get3A_4 {offsets = [0, 2], sizes = [512, 1], strides = [1, 1]} : vector<512x16xf32> to vector<512x1xf32>
    %sub3A = arith.subf %select_n3A_59, %slice3A : vector<512x1xf32>
    %min3A = arith.constant 7.000000e+01 : f32
    %min3A_60 = vector.broadcast %min3A : f32 to vector<512x1xf32>
    %min3A_61 = arith.minimumf %sub3A, %min3A_60 : vector<512x1xf32>
    %exp3A = math.exp %min3A_61 : vector<512x1xf32>
    %slice3A_62 = vector.extract_strided_slice %get3A_1 {offsets = [0, 0], sizes = [512, 4], strides = [1, 1]} : vector<512x16xf32> to vector<512x4xf32>
    %mul3A_63 = vector.broadcast %exp3A : vector<512x1xf32> to vector<512x4xf32>
    %mul3A_64 = arith.mulf %mul3A_63, %slice3A_62 : vector<512x4xf32>
    %broadcast_in_dim3A_65 = arith.constant 0.000000e+00 : f32
    %broadcast_in_dim3A_66 = vector.broadcast %broadcast_in_dim3A_65 : f32 to vector<512x3xf32>
    %concatenate3A = tpu.concatenate %exp3A, %mul3A_64, %broadcast_in_dim3A_66 in 1 : vector<512x1xf32>, vector<512x4xf32>, vector<512x3xf32> -> vector<512x8xf32>
    %swap3A = arith.constant 0 : index
    %swap3A_67 = arith.constant 0 : index
    %swap3A_68 = vector.load %arg9[%swap3A, %swap3A_67] : memref<512x8xf32, #tpu.memory_space<vmem>>, vector<512x8xf32>
    tpu.vector_store %arg9[%swap3A, %swap3A_67], %concatenate3A {strides = array<i32>} : memref<512x8xf32, #tpu.memory_space<vmem>>, vector<512x8xf32>,
    return
  }
  func.func @transform_0(%arg0: i32) -> (i32, i32) {
    %c0_i32 = arith.constant 0 : i32
    %c0_i32_0 = arith.constant 0 : i32
    return %arg0, %c0_i32 : i32, i32
  }
  func.func @transform_1(%arg0: i32) -> (i32, i32) {
    %c0_i32 = arith.constant 0 : i32
    %c0_i32_0 = arith.constant 0 : i32
    return %arg0, %c0_i32 : i32, i32
  }
  func.func @transform_2(%arg0: i32) -> (i32, i32, i32) {
    %c0_i32 = arith.constant 0 : i32
    %c0_i32_0 = arith.constant 0 : i32
    %c0_i32_1 = arith.constant 0 : i32
    return %arg0, %c0_i32, %c0_i32_0 : i32, i32, i32
  }
  func.func @transform_3(%arg0: i32) -> (i32, i32, i32) {
    %c0_i32 = arith.constant 0 : i32
    %c0_i32_0 = arith.constant 0 : i32
    %c0_i32_1 = arith.constant 0 : i32
    return %arg0, %c0_i32, %c0_i32_0 : i32, i32, i32
  }
  func.func @transform_4(%arg0: i32) -> (i32, i32) {
    %c0_i32 = arith.constant 0 : i32
    %c0_i32_0 = arith.constant 0 : i32
    %c0_i32_1 = arith.constant 0 : i32
    return %c0_i32, %c0_i32_0 : i32, i32
  }
  func.func @transform_5(%arg0: i32) -> (i32, i32) {
    %c0_i32 = arith.constant 0 : i32
    %c0_i32_0 = arith.constant 0 : i32
    %c0_i32_1 = arith.constant 0 : i32
    return %c0_i32, %c0_i32_0 : i32, i32
  }
  func.func @transform_6(%arg0: i32) -> (i32, i32) {
    %c0_i32 = arith.constant 0 : i32
    %c0_i32_0 = arith.constant 0 : i32
    %c0_i32_1 = arith.constant 0 : i32
    return %c0_i32, %c0_i32_0 : i32, i32
  }
  func.func @transform_7(%arg0: i32) -> (i32, i32) {
    %c0_i32 = arith.constant 0 : i32
    %c0_i32_0 = arith.constant 0 : i32
    %c0_i32_1 = arith.constant 0 : i32
    return %c0_i32, %c0_i32_0 : i32, i32
  }
  func.func @transform_8(%arg0: i32) -> (i32, i32) {
    %c0_i32 = arith.constant 0 : i32
    %c0_i32_0 = arith.constant 0 : i32
    return %arg0, %c0_i32 : i32, i32
  }
}

module attributes {stable_mosaic.version = 14 : i64} {
  func.func @_tc2_body(%arg0: memref<2x8192x8xf32, #tpu.memory_space<vmem>>, %arg1: memref<4x2000xi32, #tpu.memory_space<vmem>>, %arg2: memref<4x10xf32, #tpu.memory_space<vmem>>, %arg3: memref<4x512xf32, #tpu.memory_space<vmem>>, %arg4: memref<1x512xf32, #tpu.memory_space<vmem>>, %arg5: memref<512x512xf32, #tpu.memory_space<vmem>>, %arg6: memref<1x512xf32, #tpu.memory_space<vmem>>, %arg7: memref<10x512xf32, #tpu.memory_space<vmem>>, %arg8: memref<1x512xf32, #tpu.memory_space<vmem>>, %arg9: memref<512x1xf32, #tpu.memory_space<vmem>>, %arg10: memref<1x512xf32, #tpu.memory_space<vmem>>, %arg11: memref<512x1xf32, #tpu.memory_space<vmem>>, %arg12: memref<1x1xf32, #tpu.memory_space<vmem>>, %arg13: memref<4x1xf32, #tpu.memory_space<vmem>>) attributes {dimension_semantics = [], scalar_prefetch = 0 : i64, scratch_operands = 0 : i64, tpu.core_type = #tpu.core_type<tc>} {
    %get3A = arith.constant 0 : index
    %get3A_0 = arith.constant 0 : index
    %get3A_1 = arith.constant 0 : index
    %get3A_2 = vector.load %arg0[%get3A, %get3A_0, %get3A_1] : memref<2x8192x8xf32, #tpu.memory_space<vmem>>, vector<1x2000x8xf32>
    %get3A_3 = vector.shape_cast %get3A_2 : vector<1x2000x8xf32> to vector<2000x8xf32>
    %get3A_4 = arith.constant 1 : index
    %get3A_5 = arith.constant 0 : index
    %get3A_6 = arith.constant 0 : index
    %get3A_7 = vector.load %arg0[%get3A_4, %get3A_5, %get3A_6] : memref<2x8192x8xf32, #tpu.memory_space<vmem>>, vector<1x2000x8xf32>
    %get3A_8 = vector.shape_cast %get3A_7 : vector<1x2000x8xf32> to vector<2000x8xf32>
    %add3A = arith.addf %get3A_3, %get3A_8 : vector<2000x8xf32>
    %slice3A = vector.extract_strided_slice %add3A {offsets = [0, 0], sizes = [2000, 1], strides = [1, 1]} : vector<2000x8xf32> to vector<2000x1xf32>
    %slice3A_9 = vector.extract_strided_slice %add3A {offsets = [0, 1], sizes = [2000, 4], strides = [1, 1]} : vector<2000x8xf32> to vector<2000x4xf32>
    %div3A = vector.broadcast %slice3A : vector<2000x1xf32> to vector<2000x4xf32>
    %div3A_10 = arith.divf %slice3A_9, %div3A : vector<2000x4xf32>
    %get3A_11 = arith.constant 0 : index
    %get3A_12 = arith.constant 0 : index
    %get3A_13 = vector.load %arg3[%get3A_11, %get3A_12] : memref<4x512xf32, #tpu.memory_space<vmem>>, vector<4x512xf32>
    %dot_general3A = arith.constant dense<0.000000e+00> : vector<2000x512xf32>
    %dot_general3A_14 = tpu.matmul %div3A_10, %get3A_13, %dot_general3A {dimension_numbers = #tpu.dot_dimension_numbers<[1], [0], [0], [1], [0, 0, 1, 1], [], []>, transpose_lhs_hint = false} : vector<2000x4xf32>, vector<4x512xf32>, vector<2000x512xf32> -> vector<2000x512xf32>
    %get3A_15 = arith.constant 0 : index
    %get3A_16 = arith.constant 0 : index
    %get3A_17 = vector.load %arg4[%get3A_15, %get3A_16] : memref<1x512xf32, #tpu.memory_space<vmem>>, vector<1x512xf32>
    %add3A_18 = vector.broadcast %get3A_17 : vector<1x512xf32> to vector<2000x512xf32>
    %add3A_19 = arith.addf %dot_general3A_14, %add3A_18 : vector<2000x512xf32>
    %max3A = arith.constant 0.000000e+00 : f32
    %max3A_20 = vector.broadcast %max3A : f32 to vector<2000x512xf32>
    %max3A_21 = arith.maximumf %add3A_19, %max3A_20 : vector<2000x512xf32>
    %get3A_22 = arith.constant 0 : index
    %get3A_23 = arith.constant 0 : index
    %get3A_24 = vector.load %arg5[%get3A_22, %get3A_23] : memref<512x512xf32, #tpu.memory_space<vmem>>, vector<512x512xf32>
    %dot_general3A_25 = arith.constant dense<0.000000e+00> : vector<2000x512xf32>
    %dot_general3A_26 = tpu.matmul %max3A_21, %get3A_24, %dot_general3A_25 {dimension_numbers = #tpu.dot_dimension_numbers<[1], [0], [0], [1], [0, 0, 1, 1], [], []>, transpose_lhs_hint = false} : vector<2000x512xf32>, vector<512x512xf32>, vector<2000x512xf32> -> vector<2000x512xf32>
    %get3A_27 = arith.constant 0 : index
    %get3A_28 = arith.constant 0 : index
    %get3A_29 = vector.load %arg6[%get3A_27, %get3A_28] : memref<1x512xf32, #tpu.memory_space<vmem>>, vector<1x512xf32>
    %add3A_30 = vector.broadcast %get3A_29 : vector<1x512xf32> to vector<2000x512xf32>
    %add3A_31 = arith.addf %dot_general3A_26, %add3A_30 : vector<2000x512xf32>
    %get3A_32 = arith.constant 0 : index
    %get3A_33 = arith.constant 0 : index
    %get3A_34 = vector.load %arg2[%get3A_32, %get3A_33] : memref<4x10xf32, #tpu.memory_space<vmem>>, vector<1x10xf32>
    %get3A_35 = arith.constant 0 : index
    %get3A_36 = arith.constant 0 : index
    %get3A_37 = vector.load %arg7[%get3A_35, %get3A_36] : memref<10x512xf32, #tpu.memory_space<vmem>>, vector<10x512xf32>
    %dot_general3A_38 = arith.constant dense<0.000000e+00> : vector<1x512xf32>
    %dot_general3A_39 = tpu.matmul %get3A_34, %get3A_37, %dot_general3A_38 {dimension_numbers = #tpu.dot_dimension_numbers<[1], [0], [0], [1], [0, 0, 1, 1], [], []>, transpose_lhs_hint = false} : vector<1x10xf32>, vector<10x512xf32>, vector<1x512xf32> -> vector<1x512xf32>
    %get3A_40 = arith.constant 0 : index
    %get3A_41 = arith.constant 0 : index
    %get3A_42 = vector.load %arg8[%get3A_40, %get3A_41] : memref<1x512xf32, #tpu.memory_space<vmem>>, vector<1x512xf32>
    %add3A_43 = arith.addf %dot_general3A_39, %get3A_42 : vector<1x512xf32>
    %add3A_44 = vector.broadcast %add3A_43 : vector<1x512xf32> to vector<2000x512xf32>
    %add3A_45 = arith.addf %add3A_31, %add3A_44 : vector<2000x512xf32>
    %gt3A = arith.constant 0.000000e+00 : f32
    %gt3A_46 = vector.broadcast %gt3A : f32 to vector<2000x512xf32>
    %gt3A_47 = arith.cmpf ogt, %add3A_45, %gt3A_46 : vector<2000x512xf32>
    %mul3A = arith.constant 2.000000e-01 : f32
    %mul3A_48 = vector.broadcast %mul3A : f32 to vector<2000x512xf32>
    %mul3A_49 = arith.mulf %mul3A_48, %add3A_45 : vector<2000x512xf32>
    %select_n3A = arith.select %gt3A_47, %add3A_45, %mul3A_49 : vector<2000x512xi1>, vector<2000x512xf32>
    %get3A_50 = arith.constant 0 : index
    %get3A_51 = arith.constant 0 : index
    %get3A_52 = vector.load %arg9[%get3A_50, %get3A_51] : memref<512x1xf32, #tpu.memory_space<vmem>>, vector<512x1xf32>
    %dot_general3A_53 = arith.constant dense<0.000000e+00> : vector<2000x1xf32>
    %dot_general3A_54 = tpu.matmul %select_n3A, %get3A_52, %dot_general3A_53 {dimension_numbers = #tpu.dot_dimension_numbers<[1], [0], [0], [1], [0, 0, 1, 1], [], []>, transpose_lhs_hint = false} : vector<2000x512xf32>, vector<512x1xf32>, vector<2000x1xf32> -> vector<2000x1xf32>
    %slice3A_55 = vector.extract_strided_slice %dot_general3A_54 {offsets = [0, 0], sizes = [1, 1], strides = [1, 1]} : vector<2000x1xf32> to vector<1x1xf32>
    %sub3A = vector.broadcast %slice3A_55 : vector<1x1xf32> to vector<2000x1xf32>
    %sub3A_56 = arith.subf %dot_general3A_54, %sub3A : vector<2000x1xf32>
    %min3A = arith.constant 7.000000e+01 : f32
    %min3A_57 = vector.broadcast %min3A : f32 to vector<2000x1xf32>
    %min3A_58 = arith.minimumf %sub3A_56, %min3A_57 : vector<2000x1xf32>
    %exp3A = math.exp %min3A_58 : vector<2000x1xf32>
    %get3A_59 = arith.constant 0 : index
    %get3A_60 = arith.constant 0 : index
    %get3A_61 = vector.load %arg1[%get3A_59, %get3A_60] : memref<4x2000xi32, #tpu.memory_space<vmem>>, vector<1x2000xi32>
    %get3A_62 = vector.shape_cast %get3A_61 : vector<1x2000xi32> to vector<2000xi32>
    %reshape3A = vector.shape_cast %get3A_62 : vector<2000xi32> to vector<2000x1xi32>
    %iota3A = tpu.iota {dimensions = array<i32: 1>} : vector<1x128xi32>
    %add3A_63 = arith.constant 0 : i32
    %add3A_64 = vector.broadcast %add3A_63 : i32 to vector<1x128xi32>
    %add3A_65 = arith.addi %iota3A, %add3A_64 : vector<1x128xi32>
    %eq3A = vector.broadcast %reshape3A : vector<2000x1xi32> to vector<2000x128xi32>
    %eq3A_66 = vector.broadcast %add3A_65 : vector<1x128xi32> to vector<2000x128xi32>
    %eq3A_67 = arith.cmpi eq, %eq3A, %eq3A_66 : vector<2000x128xi32>
    %convert_element_type3A = arith.extui %eq3A_67 : vector<2000x128xi1> to vector<2000x128xi32>
    %convert_element_type3A_68 = arith.sitofp %convert_element_type3A : vector<2000x128xi32> to vector<2000x128xf32>
    %reduce_sum3A = arith.constant dense<0.000000e+00> : vector<128xf32>
    %reduce_sum3A_69 = vector.multi_reduction <add>, %convert_element_type3A_68, %reduce_sum3A [0] : vector<2000x128xf32> to vector<128xf32>
    %broadcast_in_dim3A = vector.shape_cast %reduce_sum3A_69 : vector<128xf32> to vector<1x128xf32>
    %iota3A_70 = tpu.iota {dimensions = array<i32: 1>} : vector<1x128xi32>
    %add3A_71 = arith.constant 128 : i32
    %add3A_72 = vector.broadcast %add3A_71 : i32 to vector<1x128xi32>
    %add3A_73 = arith.addi %iota3A_70, %add3A_72 : vector<1x128xi32>
    %eq3A_74 = vector.broadcast %reshape3A : vector<2000x1xi32> to vector<2000x128xi32>
    %eq3A_75 = vector.broadcast %add3A_73 : vector<1x128xi32> to vector<2000x128xi32>
    %eq3A_76 = arith.cmpi eq, %eq3A_74, %eq3A_75 : vector<2000x128xi32>
    %convert_element_type3A_77 = arith.extui %eq3A_76 : vector<2000x128xi1> to vector<2000x128xi32>
    %convert_element_type3A_78 = arith.sitofp %convert_element_type3A_77 : vector<2000x128xi32> to vector<2000x128xf32>
    %reduce_sum3A_79 = arith.constant dense<0.000000e+00> : vector<128xf32>
    %reduce_sum3A_80 = vector.multi_reduction <add>, %convert_element_type3A_78, %reduce_sum3A_79 [0] : vector<2000x128xf32> to vector<128xf32>
    %broadcast_in_dim3A_81 = vector.shape_cast %reduce_sum3A_80 : vector<128xf32> to vector<1x128xf32>
    %iota3A_82 = tpu.iota {dimensions = array<i32: 1>} : vector<1x128xi32>
    %add3A_83 = arith.constant 256 : i32
    %add3A_84 = vector.broadcast %add3A_83 : i32 to vector<1x128xi32>
    %add3A_85 = arith.addi %iota3A_82, %add3A_84 : vector<1x128xi32>
    %eq3A_86 = vector.broadcast %reshape3A : vector<2000x1xi32> to vector<2000x128xi32>
    %eq3A_87 = vector.broadcast %add3A_85 : vector<1x128xi32> to vector<2000x128xi32>
    %eq3A_88 = arith.cmpi eq, %eq3A_86, %eq3A_87 : vector<2000x128xi32>
    %convert_element_type3A_89 = arith.extui %eq3A_88 : vector<2000x128xi1> to vector<2000x128xi32>
    %convert_element_type3A_90 = arith.sitofp %convert_element_type3A_89 : vector<2000x128xi32> to vector<2000x128xf32>
    %reduce_sum3A_91 = arith.constant dense<0.000000e+00> : vector<128xf32>
    %reduce_sum3A_92 = vector.multi_reduction <add>, %convert_element_type3A_90, %reduce_sum3A_91 [0] : vector<2000x128xf32> to vector<128xf32>
    %broadcast_in_dim3A_93 = vector.shape_cast %reduce_sum3A_92 : vector<128xf32> to vector<1x128xf32>
    %iota3A_94 = tpu.iota {dimensions = array<i32: 1>} : vector<1x128xi32>
    %add3A_95 = arith.constant 384 : i32
    %add3A_96 = vector.broadcast %add3A_95 : i32 to vector<1x128xi32>
    %add3A_97 = arith.addi %iota3A_94, %add3A_96 : vector<1x128xi32>
    %eq3A_98 = vector.broadcast %reshape3A : vector<2000x1xi32> to vector<2000x128xi32>
    %eq3A_99 = vector.broadcast %add3A_97 : vector<1x128xi32> to vector<2000x128xi32>
    %eq3A_100 = arith.cmpi eq, %eq3A_98, %eq3A_99 : vector<2000x128xi32>
    %convert_element_type3A_101 = arith.extui %eq3A_100 : vector<2000x128xi1> to vector<2000x128xi32>
    %convert_element_type3A_102 = arith.sitofp %convert_element_type3A_101 : vector<2000x128xi32> to vector<2000x128xf32>
    %reduce_sum3A_103 = arith.constant dense<0.000000e+00> : vector<128xf32>
    %reduce_sum3A_104 = vector.multi_reduction <add>, %convert_element_type3A_102, %reduce_sum3A_103 [0] : vector<2000x128xf32> to vector<128xf32>
    %broadcast_in_dim3A_105 = vector.shape_cast %reduce_sum3A_104 : vector<128xf32> to vector<1x128xf32>
    %iota3A_106 = tpu.iota {dimensions = array<i32: 1>} : vector<1x128xi32>
    %add3A_107 = arith.constant 512 : i32
    %add3A_108 = vector.broadcast %add3A_107 : i32 to vector<1x128xi32>
    %add3A_109 = arith.addi %iota3A_106, %add3A_108 : vector<1x128xi32>
    %eq3A_110 = vector.broadcast %reshape3A : vector<2000x1xi32> to vector<2000x128xi32>
    %eq3A_111 = vector.broadcast %add3A_109 : vector<1x128xi32> to vector<2000x128xi32>
    %eq3A_112 = arith.cmpi eq, %eq3A_110, %eq3A_111 : vector<2000x128xi32>
    %convert_element_type3A_113 = arith.extui %eq3A_112 : vector<2000x128xi1> to vector<2000x128xi32>
    %convert_element_type3A_114 = arith.sitofp %convert_element_type3A_113 : vector<2000x128xi32> to vector<2000x128xf32>
    %reduce_sum3A_115 = arith.constant dense<0.000000e+00> : vector<128xf32>
    %reduce_sum3A_116 = vector.multi_reduction <add>, %convert_element_type3A_114, %reduce_sum3A_115 [0] : vector<2000x128xf32> to vector<128xf32>
    %broadcast_in_dim3A_117 = vector.shape_cast %reduce_sum3A_116 : vector<128xf32> to vector<1x128xf32>
    %iota3A_118 = tpu.iota {dimensions = array<i32: 1>} : vector<1x128xi32>
    %add3A_119 = arith.constant 640 : i32
    %add3A_120 = vector.broadcast %add3A_119 : i32 to vector<1x128xi32>
    %add3A_121 = arith.addi %iota3A_118, %add3A_120 : vector<1x128xi32>
    %eq3A_122 = vector.broadcast %reshape3A : vector<2000x1xi32> to vector<2000x128xi32>
    %eq3A_123 = vector.broadcast %add3A_121 : vector<1x128xi32> to vector<2000x128xi32>
    %eq3A_124 = arith.cmpi eq, %eq3A_122, %eq3A_123 : vector<2000x128xi32>
    %convert_element_type3A_125 = arith.extui %eq3A_124 : vector<2000x128xi1> to vector<2000x128xi32>
    %convert_element_type3A_126 = arith.sitofp %convert_element_type3A_125 : vector<2000x128xi32> to vector<2000x128xf32>
    %reduce_sum3A_127 = arith.constant dense<0.000000e+00> : vector<128xf32>
    %reduce_sum3A_128 = vector.multi_reduction <add>, %convert_element_type3A_126, %reduce_sum3A_127 [0] : vector<2000x128xf32> to vector<128xf32>
    %broadcast_in_dim3A_129 = vector.shape_cast %reduce_sum3A_128 : vector<128xf32> to vector<1x128xf32>
    %iota3A_130 = tpu.iota {dimensions = array<i32: 1>} : vector<1x128xi32>
    %add3A_131 = arith.constant 768 : i32
    %add3A_132 = vector.broadcast %add3A_131 : i32 to vector<1x128xi32>
    %add3A_133 = arith.addi %iota3A_130, %add3A_132 : vector<1x128xi32>
    %eq3A_134 = vector.broadcast %reshape3A : vector<2000x1xi32> to vector<2000x128xi32>
    %eq3A_135 = vector.broadcast %add3A_133 : vector<1x128xi32> to vector<2000x128xi32>
    %eq3A_136 = arith.cmpi eq, %eq3A_134, %eq3A_135 : vector<2000x128xi32>
    %convert_element_type3A_137 = arith.extui %eq3A_136 : vector<2000x128xi1> to vector<2000x128xi32>
    %convert_element_type3A_138 = arith.sitofp %convert_element_type3A_137 : vector<2000x128xi32> to vector<2000x128xf32>
    %reduce_sum3A_139 = arith.constant dense<0.000000e+00> : vector<128xf32>
    %reduce_sum3A_140 = vector.multi_reduction <add>, %convert_element_type3A_138, %reduce_sum3A_139 [0] : vector<2000x128xf32> to vector<128xf32>
    %broadcast_in_dim3A_141 = vector.shape_cast %reduce_sum3A_140 : vector<128xf32> to vector<1x128xf32>
    %iota3A_142 = tpu.iota {dimensions = array<i32: 1>} : vector<1x128xi32>
    %add3A_143 = arith.constant 896 : i32
    %add3A_144 = vector.broadcast %add3A_143 : i32 to vector<1x128xi32>
    %add3A_145 = arith.addi %iota3A_142, %add3A_144 : vector<1x128xi32>
    %eq3A_146 = vector.broadcast %reshape3A : vector<2000x1xi32> to vector<2000x128xi32>
    %eq3A_147 = vector.broadcast %add3A_145 : vector<1x128xi32> to vector<2000x128xi32>
    %eq3A_148 = arith.cmpi eq, %eq3A_146, %eq3A_147 : vector<2000x128xi32>
    %convert_element_type3A_149 = arith.extui %eq3A_148 : vector<2000x128xi1> to vector<2000x128xi32>
    %convert_element_type3A_150 = arith.sitofp %convert_element_type3A_149 : vector<2000x128xi32> to vector<2000x128xf32>
    %reduce_sum3A_151 = arith.constant dense<0.000000e+00> : vector<128xf32>
    %reduce_sum3A_152 = vector.multi_reduction <add>, %convert_element_type3A_150, %reduce_sum3A_151 [0] : vector<2000x128xf32> to vector<128xf32>
    %broadcast_in_dim3A_153 = vector.shape_cast %reduce_sum3A_152 : vector<128xf32> to vector<1x128xf32>
    %iota3A_154 = tpu.iota {dimensions = array<i32: 1>} : vector<1x128xi32>
    %add3A_155 = arith.constant 1024 : i32
    %add3A_156 = vector.broadcast %add3A_155 : i32 to vector<1x128xi32>
    %add3A_157 = arith.addi %iota3A_154, %add3A_156 : vector<1x128xi32>
    %eq3A_158 = vector.broadcast %reshape3A : vector<2000x1xi32> to vector<2000x128xi32>
    %eq3A_159 = vector.broadcast %add3A_157 : vector<1x128xi32> to vector<2000x128xi32>
    %eq3A_160 = arith.cmpi eq, %eq3A_158, %eq3A_159 : vector<2000x128xi32>
    %convert_element_type3A_161 = arith.extui %eq3A_160 : vector<2000x128xi1> to vector<2000x128xi32>
    %convert_element_type3A_162 = arith.sitofp %convert_element_type3A_161 : vector<2000x128xi32> to vector<2000x128xf32>
    %reduce_sum3A_163 = arith.constant dense<0.000000e+00> : vector<128xf32>
    %reduce_sum3A_164 = vector.multi_reduction <add>, %convert_element_type3A_162, %reduce_sum3A_163 [0] : vector<2000x128xf32> to vector<128xf32>
    %broadcast_in_dim3A_165 = vector.shape_cast %reduce_sum3A_164 : vector<128xf32> to vector<1x128xf32>
    %iota3A_166 = tpu.iota {dimensions = array<i32: 1>} : vector<1x128xi32>
    %add3A_167 = arith.constant 1152 : i32
    %add3A_168 = vector.broadcast %add3A_167 : i32 to vector<1x128xi32>
    %add3A_169 = arith.addi %iota3A_166, %add3A_168 : vector<1x128xi32>
    %eq3A_170 = vector.broadcast %reshape3A : vector<2000x1xi32> to vector<2000x128xi32>
    %eq3A_171 = vector.broadcast %add3A_169 : vector<1x128xi32> to vector<2000x128xi32>
    %eq3A_172 = arith.cmpi eq, %eq3A_170, %eq3A_171 : vector<2000x128xi32>
    %convert_element_type3A_173 = arith.extui %eq3A_172 : vector<2000x128xi1> to vector<2000x128xi32>
    %convert_element_type3A_174 = arith.sitofp %convert_element_type3A_173 : vector<2000x128xi32> to vector<2000x128xf32>
    %reduce_sum3A_175 = arith.constant dense<0.000000e+00> : vector<128xf32>
    %reduce_sum3A_176 = vector.multi_reduction <add>, %convert_element_type3A_174, %reduce_sum3A_175 [0] : vector<2000x128xf32> to vector<128xf32>
    %broadcast_in_dim3A_177 = vector.shape_cast %reduce_sum3A_176 : vector<128xf32> to vector<1x128xf32>
    %iota3A_178 = tpu.iota {dimensions = array<i32: 1>} : vector<1x128xi32>
    %add3A_179 = arith.constant 1280 : i32
    %add3A_180 = vector.broadcast %add3A_179 : i32 to vector<1x128xi32>
    %add3A_181 = arith.addi %iota3A_178, %add3A_180 : vector<1x128xi32>
    %eq3A_182 = vector.broadcast %reshape3A : vector<2000x1xi32> to vector<2000x128xi32>
    %eq3A_183 = vector.broadcast %add3A_181 : vector<1x128xi32> to vector<2000x128xi32>
    %eq3A_184 = arith.cmpi eq, %eq3A_182, %eq3A_183 : vector<2000x128xi32>
    %convert_element_type3A_185 = arith.extui %eq3A_184 : vector<2000x128xi1> to vector<2000x128xi32>
    %convert_element_type3A_186 = arith.sitofp %convert_element_type3A_185 : vector<2000x128xi32> to vector<2000x128xf32>
    %reduce_sum3A_187 = arith.constant dense<0.000000e+00> : vector<128xf32>
    %reduce_sum3A_188 = vector.multi_reduction <add>, %convert_element_type3A_186, %reduce_sum3A_187 [0] : vector<2000x128xf32> to vector<128xf32>
    %broadcast_in_dim3A_189 = vector.shape_cast %reduce_sum3A_188 : vector<128xf32> to vector<1x128xf32>
    %iota3A_190 = tpu.iota {dimensions = array<i32: 1>} : vector<1x128xi32>
    %add3A_191 = arith.constant 1408 : i32
    %add3A_192 = vector.broadcast %add3A_191 : i32 to vector<1x128xi32>
    %add3A_193 = arith.addi %iota3A_190, %add3A_192 : vector<1x128xi32>
    %eq3A_194 = vector.broadcast %reshape3A : vector<2000x1xi32> to vector<2000x128xi32>
    %eq3A_195 = vector.broadcast %add3A_193 : vector<1x128xi32> to vector<2000x128xi32>
    %eq3A_196 = arith.cmpi eq, %eq3A_194, %eq3A_195 : vector<2000x128xi32>
    %convert_element_type3A_197 = arith.extui %eq3A_196 : vector<2000x128xi1> to vector<2000x128xi32>
    %convert_element_type3A_198 = arith.sitofp %convert_element_type3A_197 : vector<2000x128xi32> to vector<2000x128xf32>
    %reduce_sum3A_199 = arith.constant dense<0.000000e+00> : vector<128xf32>
    %reduce_sum3A_200 = vector.multi_reduction <add>, %convert_element_type3A_198, %reduce_sum3A_199 [0] : vector<2000x128xf32> to vector<128xf32>
    %broadcast_in_dim3A_201 = vector.shape_cast %reduce_sum3A_200 : vector<128xf32> to vector<1x128xf32>
    %iota3A_202 = tpu.iota {dimensions = array<i32: 1>} : vector<1x128xi32>
    %add3A_203 = arith.constant 1536 : i32
    %add3A_204 = vector.broadcast %add3A_203 : i32 to vector<1x128xi32>
    %add3A_205 = arith.addi %iota3A_202, %add3A_204 : vector<1x128xi32>
    %eq3A_206 = vector.broadcast %reshape3A : vector<2000x1xi32> to vector<2000x128xi32>
    %eq3A_207 = vector.broadcast %add3A_205 : vector<1x128xi32> to vector<2000x128xi32>
    %eq3A_208 = arith.cmpi eq, %eq3A_206, %eq3A_207 : vector<2000x128xi32>
    %convert_element_type3A_209 = arith.extui %eq3A_208 : vector<2000x128xi1> to vector<2000x128xi32>
    %convert_element_type3A_210 = arith.sitofp %convert_element_type3A_209 : vector<2000x128xi32> to vector<2000x128xf32>
    %reduce_sum3A_211 = arith.constant dense<0.000000e+00> : vector<128xf32>
    %reduce_sum3A_212 = vector.multi_reduction <add>, %convert_element_type3A_210, %reduce_sum3A_211 [0] : vector<2000x128xf32> to vector<128xf32>
    %broadcast_in_dim3A_213 = vector.shape_cast %reduce_sum3A_212 : vector<128xf32> to vector<1x128xf32>
    %iota3A_214 = tpu.iota {dimensions = array<i32: 1>} : vector<1x128xi32>
    %add3A_215 = arith.constant 1664 : i32
    %add3A_216 = vector.broadcast %add3A_215 : i32 to vector<1x128xi32>
    %add3A_217 = arith.addi %iota3A_214, %add3A_216 : vector<1x128xi32>
    %eq3A_218 = vector.broadcast %reshape3A : vector<2000x1xi32> to vector<2000x128xi32>
    %eq3A_219 = vector.broadcast %add3A_217 : vector<1x128xi32> to vector<2000x128xi32>
    %eq3A_220 = arith.cmpi eq, %eq3A_218, %eq3A_219 : vector<2000x128xi32>
    %convert_element_type3A_221 = arith.extui %eq3A_220 : vector<2000x128xi1> to vector<2000x128xi32>
    %convert_element_type3A_222 = arith.sitofp %convert_element_type3A_221 : vector<2000x128xi32> to vector<2000x128xf32>
    %reduce_sum3A_223 = arith.constant dense<0.000000e+00> : vector<128xf32>
    %reduce_sum3A_224 = vector.multi_reduction <add>, %convert_element_type3A_222, %reduce_sum3A_223 [0] : vector<2000x128xf32> to vector<128xf32>
    %broadcast_in_dim3A_225 = vector.shape_cast %reduce_sum3A_224 : vector<128xf32> to vector<1x128xf32>
    %iota3A_226 = tpu.iota {dimensions = array<i32: 1>} : vector<1x128xi32>
    %add3A_227 = arith.constant 1792 : i32
    %add3A_228 = vector.broadcast %add3A_227 : i32 to vector<1x128xi32>
    %add3A_229 = arith.addi %iota3A_226, %add3A_228 : vector<1x128xi32>
    %eq3A_230 = vector.broadcast %reshape3A : vector<2000x1xi32> to vector<2000x128xi32>
    %eq3A_231 = vector.broadcast %add3A_229 : vector<1x128xi32> to vector<2000x128xi32>
    %eq3A_232 = arith.cmpi eq, %eq3A_230, %eq3A_231 : vector<2000x128xi32>
    %convert_element_type3A_233 = arith.extui %eq3A_232 : vector<2000x128xi1> to vector<2000x128xi32>
    %convert_element_type3A_234 = arith.sitofp %convert_element_type3A_233 : vector<2000x128xi32> to vector<2000x128xf32>
    %reduce_sum3A_235 = arith.constant dense<0.000000e+00> : vector<128xf32>
    %reduce_sum3A_236 = vector.multi_reduction <add>, %convert_element_type3A_234, %reduce_sum3A_235 [0] : vector<2000x128xf32> to vector<128xf32>
    %broadcast_in_dim3A_237 = vector.shape_cast %reduce_sum3A_236 : vector<128xf32> to vector<1x128xf32>
    %iota3A_238 = tpu.iota {dimensions = array<i32: 1>} : vector<1x128xi32>
    %add3A_239 = arith.constant 1920 : i32
    %add3A_240 = vector.broadcast %add3A_239 : i32 to vector<1x128xi32>
    %add3A_241 = arith.addi %iota3A_238, %add3A_240 : vector<1x128xi32>
    %eq3A_242 = vector.broadcast %reshape3A : vector<2000x1xi32> to vector<2000x128xi32>
    %eq3A_243 = vector.broadcast %add3A_241 : vector<1x128xi32> to vector<2000x128xi32>
    %eq3A_244 = arith.cmpi eq, %eq3A_242, %eq3A_243 : vector<2000x128xi32>
    %convert_element_type3A_245 = arith.extui %eq3A_244 : vector<2000x128xi1> to vector<2000x128xi32>
    %convert_element_type3A_246 = arith.sitofp %convert_element_type3A_245 : vector<2000x128xi32> to vector<2000x128xf32>
    %reduce_sum3A_247 = arith.constant dense<0.000000e+00> : vector<128xf32>
    %reduce_sum3A_248 = vector.multi_reduction <add>, %convert_element_type3A_246, %reduce_sum3A_247 [0] : vector<2000x128xf32> to vector<128xf32>
    %broadcast_in_dim3A_249 = vector.shape_cast %reduce_sum3A_248 : vector<128xf32> to vector<1x128xf32>
    %concatenate3A = tpu.concatenate %broadcast_in_dim3A, %broadcast_in_dim3A_81, %broadcast_in_dim3A_93, %broadcast_in_dim3A_105, %broadcast_in_dim3A_117, %broadcast_in_dim3A_129, %broadcast_in_dim3A_141, %broadcast_in_dim3A_153, %broadcast_in_dim3A_165, %broadcast_in_dim3A_177, %broadcast_in_dim3A_189, %broadcast_in_dim3A_201, %broadcast_in_dim3A_213, %broadcast_in_dim3A_225, %broadcast_in_dim3A_237, %broadcast_in_dim3A_249 in 1 : vector<1x128xf32>, vector<1x128xf32>, vector<1x128xf32>, vector<1x128xf32>, vector<1x128xf32>, vector<1x128xf32>, vector<1x128xf32>, vector<1x128xf32>, vector<1x128xf32>, vector<1x128xf32>, vector<1x128xf32>, vector<1x128xf32>, vector<1x128xf32>, vector<1x128xf32>, vector<1x128xf32>, vector<1x128xf32> -> vector<1x2048xf32>
    %slice3A_250 = vector.extract_strided_slice %concatenate3A {offsets = [0, 0], sizes = [1, 2000], strides = [1, 1]} : vector<1x2048xf32> to vector<1x2000xf32>
    %transpose3A = tpu.transpose %slice3A_250, [1, 0] : vector<1x2000xf32> -> vector<2000x1xf32>
    %iota3A_251 = tpu.iota {dimensions = array<i32: 0>} : vector<2000x1xi32>
    %eq3A_252 = arith.constant 0 : i32
    %eq3A_253 = vector.broadcast %eq3A_252 : i32 to vector<2000x1xi32>
    %eq3A_254 = arith.cmpi eq, %iota3A_251, %eq3A_253 : vector<2000x1xi32>
    %mul3A_255 = arith.mulf %transpose3A, %exp3A : vector<2000x1xf32>
    %jit3A = arith.constant 1.000000e+00 : f32
    %broadcast_in_dim3A_256 = vector.broadcast %jit3A : f32 to vector<2000x1xf32>
    %select_n3A_257 = arith.select %eq3A_254, %broadcast_in_dim3A_256, %mul3A_255 : vector<2000x1xi1>, vector<2000x1xf32>
    %reduce_sum3A_258 = vector.shape_cast %select_n3A_257 : vector<2000x1xf32> to vector<1x2000x1xf32>
    %reduce_sum3A_259 = arith.constant dense<0.000000e+00> : vector<1xf32>
    %reduce_sum3A_260 = vector.multi_reduction <add>, %reduce_sum3A_258, %reduce_sum3A_259 [1, 2] : vector<1x2000x1xf32> to vector<1xf32>
    %reduce_sum3A_261 = vector.shape_cast %reduce_sum3A_260 : vector<1xf32> to vector<1x1x1xf32>
    %reduce_sum3A_262 = vector.extract %reduce_sum3A_261[0, 0, 0] : f32 from vector<1x1x1xf32>
    %div3A_263 = vector.broadcast %reduce_sum3A_262 : f32 to vector<2000x1xf32>
    %div3A_264 = arith.divf %select_n3A_257, %div3A_263 : vector<2000x1xf32>
    %transpose3A_265 = tpu.transpose %div3A_264, [1, 0] : vector<2000x1xf32> -> vector<1x2000xf32>
    %dot_general3A_266 = arith.constant dense<0.000000e+00> : vector<1x512xf32>
    %dot_general3A_267 = tpu.matmul %transpose3A_265, %add3A_31, %dot_general3A_266 {dimension_numbers = #tpu.dot_dimension_numbers<[1], [0], [0], [1], [0, 0, 1, 1], [], []>, transpose_lhs_hint = false} : vector<1x2000xf32>, vector<2000x512xf32>, vector<1x512xf32> -> vector<1x512xf32>
    %get3A_268 = arith.constant 0 : index
    %get3A_269 = arith.constant 0 : index
    %get3A_270 = vector.load %arg10[%get3A_268, %get3A_269] : memref<1x512xf32, #tpu.memory_space<vmem>>, vector<1x512xf32>
    %add3A_271 = arith.addf %dot_general3A_267, %get3A_270 : vector<1x512xf32>
    %max3A_272 = arith.constant 0.000000e+00 : f32
    %max3A_273 = vector.broadcast %max3A_272 : f32 to vector<1x512xf32>
    %max3A_274 = arith.maximumf %add3A_271, %max3A_273 : vector<1x512xf32>
    %get3A_275 = arith.constant 0 : index
    %get3A_276 = arith.constant 0 : index
    %get3A_277 = vector.load %arg11[%get3A_275, %get3A_276] : memref<512x1xf32, #tpu.memory_space<vmem>>, vector<512x1xf32>
    %dot_general3A_278 = arith.constant dense<0.000000e+00> : vector<1x1xf32>
    %dot_general3A_279 = tpu.matmul %max3A_274, %get3A_277, %dot_general3A_278 {dimension_numbers = #tpu.dot_dimension_numbers<[1], [0], [0], [1], [0, 0, 1, 1], [], []>, transpose_lhs_hint = false} : vector<1x512xf32>, vector<512x1xf32>, vector<1x1xf32> -> vector<1x1xf32>
    %get3A_280 = arith.constant 0 : index
    %get3A_281 = arith.constant 0 : index
    %get3A_282 = vector.load %arg12[%get3A_280, %get3A_281] : memref<1x1xf32, #tpu.memory_space<vmem>>, vector<1x1xf32>
    %add3A_283 = arith.addf %dot_general3A_279, %get3A_282 : vector<1x1xf32>
    %get3A_284 = arith.constant 0 : index
    %get3A_285 = arith.constant 2048 : index
    %get3A_286 = arith.constant 0 : index
    %get3A_287 = vector.load %arg0[%get3A_284, %get3A_285, %get3A_286] : memref<2x8192x8xf32, #tpu.memory_space<vmem>>, vector<1x2000x8xf32>
    %get3A_288 = vector.shape_cast %get3A_287 : vector<1x2000x8xf32> to vector<2000x8xf32>
    %get3A_289 = arith.constant 1 : index
    %get3A_290 = arith.constant 2048 : index
    %get3A_291 = arith.constant 0 : index
    %get3A_292 = vector.load %arg0[%get3A_289, %get3A_290, %get3A_291] : memref<2x8192x8xf32, #tpu.memory_space<vmem>>, vector<1x2000x8xf32>
    %get3A_293 = vector.shape_cast %get3A_292 : vector<1x2000x8xf32> to vector<2000x8xf32>
    %add3A_294 = arith.addf %get3A_288, %get3A_293 : vector<2000x8xf32>
    %slice3A_295 = vector.extract_strided_slice %add3A_294 {offsets = [0, 0], sizes = [2000, 1], strides = [1, 1]} : vector<2000x8xf32> to vector<2000x1xf32>
    %slice3A_296 = vector.extract_strided_slice %add3A_294 {offsets = [0, 1], sizes = [2000, 4], strides = [1, 1]} : vector<2000x8xf32> to vector<2000x4xf32>
    %div3A_297 = vector.broadcast %slice3A_295 : vector<2000x1xf32> to vector<2000x4xf32>
    %div3A_298 = arith.divf %slice3A_296, %div3A_297 : vector<2000x4xf32>
    %get3A_299 = arith.constant 0 : index
    %get3A_300 = arith.constant 0 : index
    %get3A_301 = vector.load %arg3[%get3A_299, %get3A_300] : memref<4x512xf32, #tpu.memory_space<vmem>>, vector<4x512xf32>
    %dot_general3A_302 = arith.constant dense<0.000000e+00> : vector<2000x512xf32>
    %dot_general3A_303 = tpu.matmul %div3A_298, %get3A_301, %dot_general3A_302 {dimension_numbers = #tpu.dot_dimension_numbers<[1], [0], [0], [1], [0, 0, 1, 1], [], []>, transpose_lhs_hint = false} : vector<2000x4xf32>, vector<4x512xf32>, vector<2000x512xf32> -> vector<2000x512xf32>
    %get3A_304 = arith.constant 0 : index
    %get3A_305 = arith.constant 0 : index
    %get3A_306 = vector.load %arg4[%get3A_304, %get3A_305] : memref<1x512xf32, #tpu.memory_space<vmem>>, vector<1x512xf32>
    %add3A_307 = vector.broadcast %get3A_306 : vector<1x512xf32> to vector<2000x512xf32>
    %add3A_308 = arith.addf %dot_general3A_303, %add3A_307 : vector<2000x512xf32>
    %max3A_309 = arith.constant 0.000000e+00 : f32
    %max3A_310 = vector.broadcast %max3A_309 : f32 to vector<2000x512xf32>
    %max3A_311 = arith.maximumf %add3A_308, %max3A_310 : vector<2000x512xf32>
    %get3A_312 = arith.constant 0 : index
    %get3A_313 = arith.constant 0 : index
    %get3A_314 = vector.load %arg5[%get3A_312, %get3A_313] : memref<512x512xf32, #tpu.memory_space<vmem>>, vector<512x512xf32>
    %dot_general3A_315 = arith.constant dense<0.000000e+00> : vector<2000x512xf32>
    %dot_general3A_316 = tpu.matmul %max3A_311, %get3A_314, %dot_general3A_315 {dimension_numbers = #tpu.dot_dimension_numbers<[1], [0], [0], [1], [0, 0, 1, 1], [], []>, transpose_lhs_hint = false} : vector<2000x512xf32>, vector<512x512xf32>, vector<2000x512xf32> -> vector<2000x512xf32>
    %get3A_317 = arith.constant 0 : index
    %get3A_318 = arith.constant 0 : index
    %get3A_319 = vector.load %arg6[%get3A_317, %get3A_318] : memref<1x512xf32, #tpu.memory_space<vmem>>, vector<1x512xf32>
    %add3A_320 = vector.broadcast %get3A_319 : vector<1x512xf32> to vector<2000x512xf32>
    %add3A_321 = arith.addf %dot_general3A_316, %add3A_320 : vector<2000x512xf32>
    %get3A_322 = arith.constant 1 : index
    %get3A_323 = arith.constant 0 : index
    %get3A_324 = vector.load %arg2[%get3A_322, %get3A_323] : memref<4x10xf32, #tpu.memory_space<vmem>>, vector<1x10xf32>
    %get3A_325 = arith.constant 0 : index
    %get3A_326 = arith.constant 0 : index
    %get3A_327 = vector.load %arg7[%get3A_325, %get3A_326] : memref<10x512xf32, #tpu.memory_space<vmem>>, vector<10x512xf32>
    %dot_general3A_328 = arith.constant dense<0.000000e+00> : vector<1x512xf32>
    %dot_general3A_329 = tpu.matmul %get3A_324, %get3A_327, %dot_general3A_328 {dimension_numbers = #tpu.dot_dimension_numbers<[1], [0], [0], [1], [0, 0, 1, 1], [], []>, transpose_lhs_hint = false} : vector<1x10xf32>, vector<10x512xf32>, vector<1x512xf32> -> vector<1x512xf32>
    %get3A_330 = arith.constant 0 : index
    %get3A_331 = arith.constant 0 : index
    %get3A_332 = vector.load %arg8[%get3A_330, %get3A_331] : memref<1x512xf32, #tpu.memory_space<vmem>>, vector<1x512xf32>
    %add3A_333 = arith.addf %dot_general3A_329, %get3A_332 : vector<1x512xf32>
    %add3A_334 = vector.broadcast %add3A_333 : vector<1x512xf32> to vector<2000x512xf32>
    %add3A_335 = arith.addf %add3A_321, %add3A_334 : vector<2000x512xf32>
    %gt3A_336 = arith.constant 0.000000e+00 : f32
    %gt3A_337 = vector.broadcast %gt3A_336 : f32 to vector<2000x512xf32>
    %gt3A_338 = arith.cmpf ogt, %add3A_335, %gt3A_337 : vector<2000x512xf32>
    %mul3A_339 = arith.constant 2.000000e-01 : f32
    %mul3A_340 = vector.broadcast %mul3A_339 : f32 to vector<2000x512xf32>
    %mul3A_341 = arith.mulf %mul3A_340, %add3A_335 : vector<2000x512xf32>
    %select_n3A_342 = arith.select %gt3A_338, %add3A_335, %mul3A_341 : vector<2000x512xi1>, vector<2000x512xf32>
    %get3A_343 = arith.constant 0 : index
    %get3A_344 = arith.constant 0 : index
    %get3A_345 = vector.load %arg9[%get3A_343, %get3A_344] : memref<512x1xf32, #tpu.memory_space<vmem>>, vector<512x1xf32>
    %dot_general3A_346 = arith.constant dense<0.000000e+00> : vector<2000x1xf32>
    %dot_general3A_347 = tpu.matmul %select_n3A_342, %get3A_345, %dot_general3A_346 {dimension_numbers = #tpu.dot_dimension_numbers<[1], [0], [0], [1], [0, 0, 1, 1], [], []>, transpose_lhs_hint = false} : vector<2000x512xf32>, vector<512x1xf32>, vector<2000x1xf32> -> vector<2000x1xf32>
    %slice3A_348 = vector.extract_strided_slice %dot_general3A_347 {offsets = [0, 0], sizes = [1, 1], strides = [1, 1]} : vector<2000x1xf32> to vector<1x1xf32>
    %sub3A_349 = vector.broadcast %slice3A_348 : vector<1x1xf32> to vector<2000x1xf32>
    %sub3A_350 = arith.subf %dot_general3A_347, %sub3A_349 : vector<2000x1xf32>
    %min3A_351 = arith.constant 7.000000e+01 : f32
    %min3A_352 = vector.broadcast %min3A_351 : f32 to vector<2000x1xf32>
    %min3A_353 = arith.minimumf %sub3A_350, %min3A_352 : vector<2000x1xf32>
    %exp3A_354 = math.exp %min3A_353 : vector<2000x1xf32>
    %get3A_355 = arith.constant 1 : index
    %get3A_356 = arith.constant 0 : index
    %get3A_357 = vector.load %arg1[%get3A_355, %get3A_356] : memref<4x2000xi32, #tpu.memory_space<vmem>>, vector<1x2000xi32>
    %get3A_358 = vector.shape_cast %get3A_357 : vector<1x2000xi32> to vector<2000xi32>
    %reshape3A_359 = vector.shape_cast %get3A_358 : vector<2000xi32> to vector<2000x1xi32>
    %iota3A_360 = tpu.iota {dimensions = array<i32: 1>} : vector<1x128xi32>
    %add3A_361 = arith.constant 0 : i32
    %add3A_362 = vector.broadcast %add3A_361 : i32 to vector<1x128xi32>
    %add3A_363 = arith.addi %iota3A_360, %add3A_362 : vector<1x128xi32>
    %eq3A_364 = vector.broadcast %reshape3A_359 : vector<2000x1xi32> to vector<2000x128xi32>
    %eq3A_365 = vector.broadcast %add3A_363 : vector<1x128xi32> to vector<2000x128xi32>
    %eq3A_366 = arith.cmpi eq, %eq3A_364, %eq3A_365 : vector<2000x128xi32>
    %convert_element_type3A_367 = arith.extui %eq3A_366 : vector<2000x128xi1> to vector<2000x128xi32>
    %convert_element_type3A_368 = arith.sitofp %convert_element_type3A_367 : vector<2000x128xi32> to vector<2000x128xf32>
    %reduce_sum3A_369 = arith.constant dense<0.000000e+00> : vector<128xf32>
    %reduce_sum3A_370 = vector.multi_reduction <add>, %convert_element_type3A_368, %reduce_sum3A_369 [0] : vector<2000x128xf32> to vector<128xf32>
    %broadcast_in_dim3A_371 = vector.shape_cast %reduce_sum3A_370 : vector<128xf32> to vector<1x128xf32>
    %iota3A_372 = tpu.iota {dimensions = array<i32: 1>} : vector<1x128xi32>
    %add3A_373 = arith.constant 128 : i32
    %add3A_374 = vector.broadcast %add3A_373 : i32 to vector<1x128xi32>
    %add3A_375 = arith.addi %iota3A_372, %add3A_374 : vector<1x128xi32>
    %eq3A_376 = vector.broadcast %reshape3A_359 : vector<2000x1xi32> to vector<2000x128xi32>
    %eq3A_377 = vector.broadcast %add3A_375 : vector<1x128xi32> to vector<2000x128xi32>
    %eq3A_378 = arith.cmpi eq, %eq3A_376, %eq3A_377 : vector<2000x128xi32>
    %convert_element_type3A_379 = arith.extui %eq3A_378 : vector<2000x128xi1> to vector<2000x128xi32>
    %convert_element_type3A_380 = arith.sitofp %convert_element_type3A_379 : vector<2000x128xi32> to vector<2000x128xf32>
    %reduce_sum3A_381 = arith.constant dense<0.000000e+00> : vector<128xf32>
    %reduce_sum3A_382 = vector.multi_reduction <add>, %convert_element_type3A_380, %reduce_sum3A_381 [0] : vector<2000x128xf32> to vector<128xf32>
    %broadcast_in_dim3A_383 = vector.shape_cast %reduce_sum3A_382 : vector<128xf32> to vector<1x128xf32>
    %iota3A_384 = tpu.iota {dimensions = array<i32: 1>} : vector<1x128xi32>
    %add3A_385 = arith.constant 256 : i32
    %add3A_386 = vector.broadcast %add3A_385 : i32 to vector<1x128xi32>
    %add3A_387 = arith.addi %iota3A_384, %add3A_386 : vector<1x128xi32>
    %eq3A_388 = vector.broadcast %reshape3A_359 : vector<2000x1xi32> to vector<2000x128xi32>
    %eq3A_389 = vector.broadcast %add3A_387 : vector<1x128xi32> to vector<2000x128xi32>
    %eq3A_390 = arith.cmpi eq, %eq3A_388, %eq3A_389 : vector<2000x128xi32>
    %convert_element_type3A_391 = arith.extui %eq3A_390 : vector<2000x128xi1> to vector<2000x128xi32>
    %convert_element_type3A_392 = arith.sitofp %convert_element_type3A_391 : vector<2000x128xi32> to vector<2000x128xf32>
    %reduce_sum3A_393 = arith.constant dense<0.000000e+00> : vector<128xf32>
    %reduce_sum3A_394 = vector.multi_reduction <add>, %convert_element_type3A_392, %reduce_sum3A_393 [0] : vector<2000x128xf32> to vector<128xf32>
    %broadcast_in_dim3A_395 = vector.shape_cast %reduce_sum3A_394 : vector<128xf32> to vector<1x128xf32>
    %iota3A_396 = tpu.iota {dimensions = array<i32: 1>} : vector<1x128xi32>
    %add3A_397 = arith.constant 384 : i32
    %add3A_398 = vector.broadcast %add3A_397 : i32 to vector<1x128xi32>
    %add3A_399 = arith.addi %iota3A_396, %add3A_398 : vector<1x128xi32>
    %eq3A_400 = vector.broadcast %reshape3A_359 : vector<2000x1xi32> to vector<2000x128xi32>
    %eq3A_401 = vector.broadcast %add3A_399 : vector<1x128xi32> to vector<2000x128xi32>
    %eq3A_402 = arith.cmpi eq, %eq3A_400, %eq3A_401 : vector<2000x128xi32>
    %convert_element_type3A_403 = arith.extui %eq3A_402 : vector<2000x128xi1> to vector<2000x128xi32>
    %convert_element_type3A_404 = arith.sitofp %convert_element_type3A_403 : vector<2000x128xi32> to vector<2000x128xf32>
    %reduce_sum3A_405 = arith.constant dense<0.000000e+00> : vector<128xf32>
    %reduce_sum3A_406 = vector.multi_reduction <add>, %convert_element_type3A_404, %reduce_sum3A_405 [0] : vector<2000x128xf32> to vector<128xf32>
    %broadcast_in_dim3A_407 = vector.shape_cast %reduce_sum3A_406 : vector<128xf32> to vector<1x128xf32>
    %iota3A_408 = tpu.iota {dimensions = array<i32: 1>} : vector<1x128xi32>
    %add3A_409 = arith.constant 512 : i32
    %add3A_410 = vector.broadcast %add3A_409 : i32 to vector<1x128xi32>
    %add3A_411 = arith.addi %iota3A_408, %add3A_410 : vector<1x128xi32>
    %eq3A_412 = vector.broadcast %reshape3A_359 : vector<2000x1xi32> to vector<2000x128xi32>
    %eq3A_413 = vector.broadcast %add3A_411 : vector<1x128xi32> to vector<2000x128xi32>
    %eq3A_414 = arith.cmpi eq, %eq3A_412, %eq3A_413 : vector<2000x128xi32>
    %convert_element_type3A_415 = arith.extui %eq3A_414 : vector<2000x128xi1> to vector<2000x128xi32>
    %convert_element_type3A_416 = arith.sitofp %convert_element_type3A_415 : vector<2000x128xi32> to vector<2000x128xf32>
    %reduce_sum3A_417 = arith.constant dense<0.000000e+00> : vector<128xf32>
    %reduce_sum3A_418 = vector.multi_reduction <add>, %convert_element_type3A_416, %reduce_sum3A_417 [0] : vector<2000x128xf32> to vector<128xf32>
    %broadcast_in_dim3A_419 = vector.shape_cast %reduce_sum3A_418 : vector<128xf32> to vector<1x128xf32>
    %iota3A_420 = tpu.iota {dimensions = array<i32: 1>} : vector<1x128xi32>
    %add3A_421 = arith.constant 640 : i32
    %add3A_422 = vector.broadcast %add3A_421 : i32 to vector<1x128xi32>
    %add3A_423 = arith.addi %iota3A_420, %add3A_422 : vector<1x128xi32>
    %eq3A_424 = vector.broadcast %reshape3A_359 : vector<2000x1xi32> to vector<2000x128xi32>
    %eq3A_425 = vector.broadcast %add3A_423 : vector<1x128xi32> to vector<2000x128xi32>
    %eq3A_426 = arith.cmpi eq, %eq3A_424, %eq3A_425 : vector<2000x128xi32>
    %convert_element_type3A_427 = arith.extui %eq3A_426 : vector<2000x128xi1> to vector<2000x128xi32>
    %convert_element_type3A_428 = arith.sitofp %convert_element_type3A_427 : vector<2000x128xi32> to vector<2000x128xf32>
    %reduce_sum3A_429 = arith.constant dense<0.000000e+00> : vector<128xf32>
    %reduce_sum3A_430 = vector.multi_reduction <add>, %convert_element_type3A_428, %reduce_sum3A_429 [0] : vector<2000x128xf32> to vector<128xf32>
    %broadcast_in_dim3A_431 = vector.shape_cast %reduce_sum3A_430 : vector<128xf32> to vector<1x128xf32>
    %iota3A_432 = tpu.iota {dimensions = array<i32: 1>} : vector<1x128xi32>
    %add3A_433 = arith.constant 768 : i32
    %add3A_434 = vector.broadcast %add3A_433 : i32 to vector<1x128xi32>
    %add3A_435 = arith.addi %iota3A_432, %add3A_434 : vector<1x128xi32>
    %eq3A_436 = vector.broadcast %reshape3A_359 : vector<2000x1xi32> to vector<2000x128xi32>
    %eq3A_437 = vector.broadcast %add3A_435 : vector<1x128xi32> to vector<2000x128xi32>
    %eq3A_438 = arith.cmpi eq, %eq3A_436, %eq3A_437 : vector<2000x128xi32>
    %convert_element_type3A_439 = arith.extui %eq3A_438 : vector<2000x128xi1> to vector<2000x128xi32>
    %convert_element_type3A_440 = arith.sitofp %convert_element_type3A_439 : vector<2000x128xi32> to vector<2000x128xf32>
    %reduce_sum3A_441 = arith.constant dense<0.000000e+00> : vector<128xf32>
    %reduce_sum3A_442 = vector.multi_reduction <add>, %convert_element_type3A_440, %reduce_sum3A_441 [0] : vector<2000x128xf32> to vector<128xf32>
    %broadcast_in_dim3A_443 = vector.shape_cast %reduce_sum3A_442 : vector<128xf32> to vector<1x128xf32>
    %iota3A_444 = tpu.iota {dimensions = array<i32: 1>} : vector<1x128xi32>
    %add3A_445 = arith.constant 896 : i32
    %add3A_446 = vector.broadcast %add3A_445 : i32 to vector<1x128xi32>
    %add3A_447 = arith.addi %iota3A_444, %add3A_446 : vector<1x128xi32>
    %eq3A_448 = vector.broadcast %reshape3A_359 : vector<2000x1xi32> to vector<2000x128xi32>
    %eq3A_449 = vector.broadcast %add3A_447 : vector<1x128xi32> to vector<2000x128xi32>
    %eq3A_450 = arith.cmpi eq, %eq3A_448, %eq3A_449 : vector<2000x128xi32>
    %convert_element_type3A_451 = arith.extui %eq3A_450 : vector<2000x128xi1> to vector<2000x128xi32>
    %convert_element_type3A_452 = arith.sitofp %convert_element_type3A_451 : vector<2000x128xi32> to vector<2000x128xf32>
    %reduce_sum3A_453 = arith.constant dense<0.000000e+00> : vector<128xf32>
    %reduce_sum3A_454 = vector.multi_reduction <add>, %convert_element_type3A_452, %reduce_sum3A_453 [0] : vector<2000x128xf32> to vector<128xf32>
    %broadcast_in_dim3A_455 = vector.shape_cast %reduce_sum3A_454 : vector<128xf32> to vector<1x128xf32>
    %iota3A_456 = tpu.iota {dimensions = array<i32: 1>} : vector<1x128xi32>
    %add3A_457 = arith.constant 1024 : i32
    %add3A_458 = vector.broadcast %add3A_457 : i32 to vector<1x128xi32>
    %add3A_459 = arith.addi %iota3A_456, %add3A_458 : vector<1x128xi32>
    %eq3A_460 = vector.broadcast %reshape3A_359 : vector<2000x1xi32> to vector<2000x128xi32>
    %eq3A_461 = vector.broadcast %add3A_459 : vector<1x128xi32> to vector<2000x128xi32>
    %eq3A_462 = arith.cmpi eq, %eq3A_460, %eq3A_461 : vector<2000x128xi32>
    %convert_element_type3A_463 = arith.extui %eq3A_462 : vector<2000x128xi1> to vector<2000x128xi32>
    %convert_element_type3A_464 = arith.sitofp %convert_element_type3A_463 : vector<2000x128xi32> to vector<2000x128xf32>
    %reduce_sum3A_465 = arith.constant dense<0.000000e+00> : vector<128xf32>
    %reduce_sum3A_466 = vector.multi_reduction <add>, %convert_element_type3A_464, %reduce_sum3A_465 [0] : vector<2000x128xf32> to vector<128xf32>
    %broadcast_in_dim3A_467 = vector.shape_cast %reduce_sum3A_466 : vector<128xf32> to vector<1x128xf32>
    %iota3A_468 = tpu.iota {dimensions = array<i32: 1>} : vector<1x128xi32>
    %add3A_469 = arith.constant 1152 : i32
    %add3A_470 = vector.broadcast %add3A_469 : i32 to vector<1x128xi32>
    %add3A_471 = arith.addi %iota3A_468, %add3A_470 : vector<1x128xi32>
    %eq3A_472 = vector.broadcast %reshape3A_359 : vector<2000x1xi32> to vector<2000x128xi32>
    %eq3A_473 = vector.broadcast %add3A_471 : vector<1x128xi32> to vector<2000x128xi32>
    %eq3A_474 = arith.cmpi eq, %eq3A_472, %eq3A_473 : vector<2000x128xi32>
    %convert_element_type3A_475 = arith.extui %eq3A_474 : vector<2000x128xi1> to vector<2000x128xi32>
    %convert_element_type3A_476 = arith.sitofp %convert_element_type3A_475 : vector<2000x128xi32> to vector<2000x128xf32>
    %reduce_sum3A_477 = arith.constant dense<0.000000e+00> : vector<128xf32>
    %reduce_sum3A_478 = vector.multi_reduction <add>, %convert_element_type3A_476, %reduce_sum3A_477 [0] : vector<2000x128xf32> to vector<128xf32>
    %broadcast_in_dim3A_479 = vector.shape_cast %reduce_sum3A_478 : vector<128xf32> to vector<1x128xf32>
    %iota3A_480 = tpu.iota {dimensions = array<i32: 1>} : vector<1x128xi32>
    %add3A_481 = arith.constant 1280 : i32
    %add3A_482 = vector.broadcast %add3A_481 : i32 to vector<1x128xi32>
    %add3A_483 = arith.addi %iota3A_480, %add3A_482 : vector<1x128xi32>
    %eq3A_484 = vector.broadcast %reshape3A_359 : vector<2000x1xi32> to vector<2000x128xi32>
    %eq3A_485 = vector.broadcast %add3A_483 : vector<1x128xi32> to vector<2000x128xi32>
    %eq3A_486 = arith.cmpi eq, %eq3A_484, %eq3A_485 : vector<2000x128xi32>
    %convert_element_type3A_487 = arith.extui %eq3A_486 : vector<2000x128xi1> to vector<2000x128xi32>
    %convert_element_type3A_488 = arith.sitofp %convert_element_type3A_487 : vector<2000x128xi32> to vector<2000x128xf32>
    %reduce_sum3A_489 = arith.constant dense<0.000000e+00> : vector<128xf32>
    %reduce_sum3A_490 = vector.multi_reduction <add>, %convert_element_type3A_488, %reduce_sum3A_489 [0] : vector<2000x128xf32> to vector<128xf32>
    %broadcast_in_dim3A_491 = vector.shape_cast %reduce_sum3A_490 : vector<128xf32> to vector<1x128xf32>
    %iota3A_492 = tpu.iota {dimensions = array<i32: 1>} : vector<1x128xi32>
    %add3A_493 = arith.constant 1408 : i32
    %add3A_494 = vector.broadcast %add3A_493 : i32 to vector<1x128xi32>
    %add3A_495 = arith.addi %iota3A_492, %add3A_494 : vector<1x128xi32>
    %eq3A_496 = vector.broadcast %reshape3A_359 : vector<2000x1xi32> to vector<2000x128xi32>
    %eq3A_497 = vector.broadcast %add3A_495 : vector<1x128xi32> to vector<2000x128xi32>
    %eq3A_498 = arith.cmpi eq, %eq3A_496, %eq3A_497 : vector<2000x128xi32>
    %convert_element_type3A_499 = arith.extui %eq3A_498 : vector<2000x128xi1> to vector<2000x128xi32>
    %convert_element_type3A_500 = arith.sitofp %convert_element_type3A_499 : vector<2000x128xi32> to vector<2000x128xf32>
    %reduce_sum3A_501 = arith.constant dense<0.000000e+00> : vector<128xf32>
    %reduce_sum3A_502 = vector.multi_reduction <add>, %convert_element_type3A_500, %reduce_sum3A_501 [0] : vector<2000x128xf32> to vector<128xf32>
    %broadcast_in_dim3A_503 = vector.shape_cast %reduce_sum3A_502 : vector<128xf32> to vector<1x128xf32>
    %iota3A_504 = tpu.iota {dimensions = array<i32: 1>} : vector<1x128xi32>
    %add3A_505 = arith.constant 1536 : i32
    %add3A_506 = vector.broadcast %add3A_505 : i32 to vector<1x128xi32>
    %add3A_507 = arith.addi %iota3A_504, %add3A_506 : vector<1x128xi32>
    %eq3A_508 = vector.broadcast %reshape3A_359 : vector<2000x1xi32> to vector<2000x128xi32>
    %eq3A_509 = vector.broadcast %add3A_507 : vector<1x128xi32> to vector<2000x128xi32>
    %eq3A_510 = arith.cmpi eq, %eq3A_508, %eq3A_509 : vector<2000x128xi32>
    %convert_element_type3A_511 = arith.extui %eq3A_510 : vector<2000x128xi1> to vector<2000x128xi32>
    %convert_element_type3A_512 = arith.sitofp %convert_element_type3A_511 : vector<2000x128xi32> to vector<2000x128xf32>
    %reduce_sum3A_513 = arith.constant dense<0.000000e+00> : vector<128xf32>
    %reduce_sum3A_514 = vector.multi_reduction <add>, %convert_element_type3A_512, %reduce_sum3A_513 [0] : vector<2000x128xf32> to vector<128xf32>
    %broadcast_in_dim3A_515 = vector.shape_cast %reduce_sum3A_514 : vector<128xf32> to vector<1x128xf32>
    %iota3A_516 = tpu.iota {dimensions = array<i32: 1>} : vector<1x128xi32>
    %add3A_517 = arith.constant 1664 : i32
    %add3A_518 = vector.broadcast %add3A_517 : i32 to vector<1x128xi32>
    %add3A_519 = arith.addi %iota3A_516, %add3A_518 : vector<1x128xi32>
    %eq3A_520 = vector.broadcast %reshape3A_359 : vector<2000x1xi32> to vector<2000x128xi32>
    %eq3A_521 = vector.broadcast %add3A_519 : vector<1x128xi32> to vector<2000x128xi32>
    %eq3A_522 = arith.cmpi eq, %eq3A_520, %eq3A_521 : vector<2000x128xi32>
    %convert_element_type3A_523 = arith.extui %eq3A_522 : vector<2000x128xi1> to vector<2000x128xi32>
    %convert_element_type3A_524 = arith.sitofp %convert_element_type3A_523 : vector<2000x128xi32> to vector<2000x128xf32>
    %reduce_sum3A_525 = arith.constant dense<0.000000e+00> : vector<128xf32>
    %reduce_sum3A_526 = vector.multi_reduction <add>, %convert_element_type3A_524, %reduce_sum3A_525 [0] : vector<2000x128xf32> to vector<128xf32>
    %broadcast_in_dim3A_527 = vector.shape_cast %reduce_sum3A_526 : vector<128xf32> to vector<1x128xf32>
    %iota3A_528 = tpu.iota {dimensions = array<i32: 1>} : vector<1x128xi32>
    %add3A_529 = arith.constant 1792 : i32
    %add3A_530 = vector.broadcast %add3A_529 : i32 to vector<1x128xi32>
    %add3A_531 = arith.addi %iota3A_528, %add3A_530 : vector<1x128xi32>
    %eq3A_532 = vector.broadcast %reshape3A_359 : vector<2000x1xi32> to vector<2000x128xi32>
    %eq3A_533 = vector.broadcast %add3A_531 : vector<1x128xi32> to vector<2000x128xi32>
    %eq3A_534 = arith.cmpi eq, %eq3A_532, %eq3A_533 : vector<2000x128xi32>
    %convert_element_type3A_535 = arith.extui %eq3A_534 : vector<2000x128xi1> to vector<2000x128xi32>
    %convert_element_type3A_536 = arith.sitofp %convert_element_type3A_535 : vector<2000x128xi32> to vector<2000x128xf32>
    %reduce_sum3A_537 = arith.constant dense<0.000000e+00> : vector<128xf32>
    %reduce_sum3A_538 = vector.multi_reduction <add>, %convert_element_type3A_536, %reduce_sum3A_537 [0] : vector<2000x128xf32> to vector<128xf32>
    %broadcast_in_dim3A_539 = vector.shape_cast %reduce_sum3A_538 : vector<128xf32> to vector<1x128xf32>
    %iota3A_540 = tpu.iota {dimensions = array<i32: 1>} : vector<1x128xi32>
    %add3A_541 = arith.constant 1920 : i32
    %add3A_542 = vector.broadcast %add3A_541 : i32 to vector<1x128xi32>
    %add3A_543 = arith.addi %iota3A_540, %add3A_542 : vector<1x128xi32>
    %eq3A_544 = vector.broadcast %reshape3A_359 : vector<2000x1xi32> to vector<2000x128xi32>
    %eq3A_545 = vector.broadcast %add3A_543 : vector<1x128xi32> to vector<2000x128xi32>
    %eq3A_546 = arith.cmpi eq, %eq3A_544, %eq3A_545 : vector<2000x128xi32>
    %convert_element_type3A_547 = arith.extui %eq3A_546 : vector<2000x128xi1> to vector<2000x128xi32>
    %convert_element_type3A_548 = arith.sitofp %convert_element_type3A_547 : vector<2000x128xi32> to vector<2000x128xf32>
    %reduce_sum3A_549 = arith.constant dense<0.000000e+00> : vector<128xf32>
    %reduce_sum3A_550 = vector.multi_reduction <add>, %convert_element_type3A_548, %reduce_sum3A_549 [0] : vector<2000x128xf32> to vector<128xf32>
    %broadcast_in_dim3A_551 = vector.shape_cast %reduce_sum3A_550 : vector<128xf32> to vector<1x128xf32>
    %concatenate3A_552 = tpu.concatenate %broadcast_in_dim3A_371, %broadcast_in_dim3A_383, %broadcast_in_dim3A_395, %broadcast_in_dim3A_407, %broadcast_in_dim3A_419, %broadcast_in_dim3A_431, %broadcast_in_dim3A_443, %broadcast_in_dim3A_455, %broadcast_in_dim3A_467, %broadcast_in_dim3A_479, %broadcast_in_dim3A_491, %broadcast_in_dim3A_503, %broadcast_in_dim3A_515, %broadcast_in_dim3A_527, %broadcast_in_dim3A_539, %broadcast_in_dim3A_551 in 1 : vector<1x128xf32>, vector<1x128xf32>, vector<1x128xf32>, vector<1x128xf32>, vector<1x128xf32>, vector<1x128xf32>, vector<1x128xf32>, vector<1x128xf32>, vector<1x128xf32>, vector<1x128xf32>, vector<1x128xf32>, vector<1x128xf32>, vector<1x128xf32>, vector<1x128xf32>, vector<1x128xf32>, vector<1x128xf32> -> vector<1x2048xf32>
    %slice3A_553 = vector.extract_strided_slice %concatenate3A_552 {offsets = [0, 0], sizes = [1, 2000], strides = [1, 1]} : vector<1x2048xf32> to vector<1x2000xf32>
    %transpose3A_554 = tpu.transpose %slice3A_553, [1, 0] : vector<1x2000xf32> -> vector<2000x1xf32>
    %iota3A_555 = tpu.iota {dimensions = array<i32: 0>} : vector<2000x1xi32>
    %eq3A_556 = arith.constant 0 : i32
    %eq3A_557 = vector.broadcast %eq3A_556 : i32 to vector<2000x1xi32>
    %eq3A_558 = arith.cmpi eq, %iota3A_555, %eq3A_557 : vector<2000x1xi32>
    %mul3A_559 = arith.mulf %transpose3A_554, %exp3A_354 : vector<2000x1xf32>
    %jit3A_560 = arith.constant 1.000000e+00 : f32
    %broadcast_in_dim3A_561 = vector.broadcast %jit3A_560 : f32 to vector<2000x1xf32>
    %select_n3A_562 = arith.select %eq3A_558, %broadcast_in_dim3A_561, %mul3A_559 : vector<2000x1xi1>, vector<2000x1xf32>
    %reduce_sum3A_563 = vector.shape_cast %select_n3A_562 : vector<2000x1xf32> to vector<1x2000x1xf32>
    %reduce_sum3A_564 = arith.constant dense<0.000000e+00> : vector<1xf32>
    %reduce_sum3A_565 = vector.multi_reduction <add>, %reduce_sum3A_563, %reduce_sum3A_564 [1, 2] : vector<1x2000x1xf32> to vector<1xf32>
    %reduce_sum3A_566 = vector.shape_cast %reduce_sum3A_565 : vector<1xf32> to vector<1x1x1xf32>
    %reduce_sum3A_567 = vector.extract %reduce_sum3A_566[0, 0, 0] : f32 from vector<1x1x1xf32>
    %div3A_568 = vector.broadcast %reduce_sum3A_567 : f32 to vector<2000x1xf32>
    %div3A_569 = arith.divf %select_n3A_562, %div3A_568 : vector<2000x1xf32>
    %transpose3A_570 = tpu.transpose %div3A_569, [1, 0] : vector<2000x1xf32> -> vector<1x2000xf32>
    %dot_general3A_571 = arith.constant dense<0.000000e+00> : vector<1x512xf32>
    %dot_general3A_572 = tpu.matmul %transpose3A_570, %add3A_321, %dot_general3A_571 {dimension_numbers = #tpu.dot_dimension_numbers<[1], [0], [0], [1], [0, 0, 1, 1], [], []>, transpose_lhs_hint = false} : vector<1x2000xf32>, vector<2000x512xf32>, vector<1x512xf32> -> vector<1x512xf32>
    %get3A_573 = arith.constant 0 : index
    %get3A_574 = arith.constant 0 : index
    %get3A_575 = vector.load %arg10[%get3A_573, %get3A_574] : memref<1x512xf32, #tpu.memory_space<vmem>>, vector<1x512xf32>
    %add3A_576 = arith.addf %dot_general3A_572, %get3A_575 : vector<1x512xf32>
    %max3A_577 = arith.constant 0.000000e+00 : f32
    %max3A_578 = vector.broadcast %max3A_577 : f32 to vector<1x512xf32>
    %max3A_579 = arith.maximumf %add3A_576, %max3A_578 : vector<1x512xf32>
    %get3A_580 = arith.constant 0 : index
    %get3A_581 = arith.constant 0 : index
    %get3A_582 = vector.load %arg11[%get3A_580, %get3A_581] : memref<512x1xf32, #tpu.memory_space<vmem>>, vector<512x1xf32>
    %dot_general3A_583 = arith.constant dense<0.000000e+00> : vector<1x1xf32>
    %dot_general3A_584 = tpu.matmul %max3A_579, %get3A_582, %dot_general3A_583 {dimension_numbers = #tpu.dot_dimension_numbers<[1], [0], [0], [1], [0, 0, 1, 1], [], []>, transpose_lhs_hint = false} : vector<1x512xf32>, vector<512x1xf32>, vector<1x1xf32> -> vector<1x1xf32>
    %get3A_585 = arith.constant 0 : index
    %get3A_586 = arith.constant 0 : index
    %get3A_587 = vector.load %arg12[%get3A_585, %get3A_586] : memref<1x1xf32, #tpu.memory_space<vmem>>, vector<1x1xf32>
    %add3A_588 = arith.addf %dot_general3A_584, %get3A_587 : vector<1x1xf32>
    %get3A_589 = arith.constant 0 : index
    %get3A_590 = arith.constant 4096 : index
    %get3A_591 = arith.constant 0 : index
    %get3A_592 = vector.load %arg0[%get3A_589, %get3A_590, %get3A_591] : memref<2x8192x8xf32, #tpu.memory_space<vmem>>, vector<1x2000x8xf32>
    %get3A_593 = vector.shape_cast %get3A_592 : vector<1x2000x8xf32> to vector<2000x8xf32>
    %get3A_594 = arith.constant 1 : index
    %get3A_595 = arith.constant 4096 : index
    %get3A_596 = arith.constant 0 : index
    %get3A_597 = vector.load %arg0[%get3A_594, %get3A_595, %get3A_596] : memref<2x8192x8xf32, #tpu.memory_space<vmem>>, vector<1x2000x8xf32>
    %get3A_598 = vector.shape_cast %get3A_597 : vector<1x2000x8xf32> to vector<2000x8xf32>
    %add3A_599 = arith.addf %get3A_593, %get3A_598 : vector<2000x8xf32>
    %slice3A_600 = vector.extract_strided_slice %add3A_599 {offsets = [0, 0], sizes = [2000, 1], strides = [1, 1]} : vector<2000x8xf32> to vector<2000x1xf32>
    %slice3A_601 = vector.extract_strided_slice %add3A_599 {offsets = [0, 1], sizes = [2000, 4], strides = [1, 1]} : vector<2000x8xf32> to vector<2000x4xf32>
    %div3A_602 = vector.broadcast %slice3A_600 : vector<2000x1xf32> to vector<2000x4xf32>
    %div3A_603 = arith.divf %slice3A_601, %div3A_602 : vector<2000x4xf32>
    %get3A_604 = arith.constant 0 : index
    %get3A_605 = arith.constant 0 : index
    %get3A_606 = vector.load %arg3[%get3A_604, %get3A_605] : memref<4x512xf32, #tpu.memory_space<vmem>>, vector<4x512xf32>
    %dot_general3A_607 = arith.constant dense<0.000000e+00> : vector<2000x512xf32>
    %dot_general3A_608 = tpu.matmul %div3A_603, %get3A_606, %dot_general3A_607 {dimension_numbers = #tpu.dot_dimension_numbers<[1], [0], [0], [1], [0, 0, 1, 1], [], []>, transpose_lhs_hint = false} : vector<2000x4xf32>, vector<4x512xf32>, vector<2000x512xf32> -> vector<2000x512xf32>
    %get3A_609 = arith.constant 0 : index
    %get3A_610 = arith.constant 0 : index
    %get3A_611 = vector.load %arg4[%get3A_609, %get3A_610] : memref<1x512xf32, #tpu.memory_space<vmem>>, vector<1x512xf32>
    %add3A_612 = vector.broadcast %get3A_611 : vector<1x512xf32> to vector<2000x512xf32>
    %add3A_613 = arith.addf %dot_general3A_608, %add3A_612 : vector<2000x512xf32>
    %max3A_614 = arith.constant 0.000000e+00 : f32
    %max3A_615 = vector.broadcast %max3A_614 : f32 to vector<2000x512xf32>
    %max3A_616 = arith.maximumf %add3A_613, %max3A_615 : vector<2000x512xf32>
    %get3A_617 = arith.constant 0 : index
    %get3A_618 = arith.constant 0 : index
    %get3A_619 = vector.load %arg5[%get3A_617, %get3A_618] : memref<512x512xf32, #tpu.memory_space<vmem>>, vector<512x512xf32>
    %dot_general3A_620 = arith.constant dense<0.000000e+00> : vector<2000x512xf32>
    %dot_general3A_621 = tpu.matmul %max3A_616, %get3A_619, %dot_general3A_620 {dimension_numbers = #tpu.dot_dimension_numbers<[1], [0], [0], [1], [0, 0, 1, 1], [], []>, transpose_lhs_hint = false} : vector<2000x512xf32>, vector<512x512xf32>, vector<2000x512xf32> -> vector<2000x512xf32>
    %get3A_622 = arith.constant 0 : index
    %get3A_623 = arith.constant 0 : index
    %get3A_624 = vector.load %arg6[%get3A_622, %get3A_623] : memref<1x512xf32, #tpu.memory_space<vmem>>, vector<1x512xf32>
    %add3A_625 = vector.broadcast %get3A_624 : vector<1x512xf32> to vector<2000x512xf32>
    %add3A_626 = arith.addf %dot_general3A_621, %add3A_625 : vector<2000x512xf32>
    %get3A_627 = arith.constant 2 : index
    %get3A_628 = arith.constant 0 : index
    %get3A_629 = vector.load %arg2[%get3A_627, %get3A_628] : memref<4x10xf32, #tpu.memory_space<vmem>>, vector<1x10xf32>
    %get3A_630 = arith.constant 0 : index
    %get3A_631 = arith.constant 0 : index
    %get3A_632 = vector.load %arg7[%get3A_630, %get3A_631] : memref<10x512xf32, #tpu.memory_space<vmem>>, vector<10x512xf32>
    %dot_general3A_633 = arith.constant dense<0.000000e+00> : vector<1x512xf32>
    %dot_general3A_634 = tpu.matmul %get3A_629, %get3A_632, %dot_general3A_633 {dimension_numbers = #tpu.dot_dimension_numbers<[1], [0], [0], [1], [0, 0, 1, 1], [], []>, transpose_lhs_hint = false} : vector<1x10xf32>, vector<10x512xf32>, vector<1x512xf32> -> vector<1x512xf32>
    %get3A_635 = arith.constant 0 : index
    %get3A_636 = arith.constant 0 : index
    %get3A_637 = vector.load %arg8[%get3A_635, %get3A_636] : memref<1x512xf32, #tpu.memory_space<vmem>>, vector<1x512xf32>
    %add3A_638 = arith.addf %dot_general3A_634, %get3A_637 : vector<1x512xf32>
    %add3A_639 = vector.broadcast %add3A_638 : vector<1x512xf32> to vector<2000x512xf32>
    %add3A_640 = arith.addf %add3A_626, %add3A_639 : vector<2000x512xf32>
    %gt3A_641 = arith.constant 0.000000e+00 : f32
    %gt3A_642 = vector.broadcast %gt3A_641 : f32 to vector<2000x512xf32>
    %gt3A_643 = arith.cmpf ogt, %add3A_640, %gt3A_642 : vector<2000x512xf32>
    %mul3A_644 = arith.constant 2.000000e-01 : f32
    %mul3A_645 = vector.broadcast %mul3A_644 : f32 to vector<2000x512xf32>
    %mul3A_646 = arith.mulf %mul3A_645, %add3A_640 : vector<2000x512xf32>
    %select_n3A_647 = arith.select %gt3A_643, %add3A_640, %mul3A_646 : vector<2000x512xi1>, vector<2000x512xf32>
    %get3A_648 = arith.constant 0 : index
    %get3A_649 = arith.constant 0 : index
    %get3A_650 = vector.load %arg9[%get3A_648, %get3A_649] : memref<512x1xf32, #tpu.memory_space<vmem>>, vector<512x1xf32>
    %dot_general3A_651 = arith.constant dense<0.000000e+00> : vector<2000x1xf32>
    %dot_general3A_652 = tpu.matmul %select_n3A_647, %get3A_650, %dot_general3A_651 {dimension_numbers = #tpu.dot_dimension_numbers<[1], [0], [0], [1], [0, 0, 1, 1], [], []>, transpose_lhs_hint = false} : vector<2000x512xf32>, vector<512x1xf32>, vector<2000x1xf32> -> vector<2000x1xf32>
    %slice3A_653 = vector.extract_strided_slice %dot_general3A_652 {offsets = [0, 0], sizes = [1, 1], strides = [1, 1]} : vector<2000x1xf32> to vector<1x1xf32>
    %sub3A_654 = vector.broadcast %slice3A_653 : vector<1x1xf32> to vector<2000x1xf32>
    %sub3A_655 = arith.subf %dot_general3A_652, %sub3A_654 : vector<2000x1xf32>
    %min3A_656 = arith.constant 7.000000e+01 : f32
    %min3A_657 = vector.broadcast %min3A_656 : f32 to vector<2000x1xf32>
    %min3A_658 = arith.minimumf %sub3A_655, %min3A_657 : vector<2000x1xf32>
    %exp3A_659 = math.exp %min3A_658 : vector<2000x1xf32>
    %get3A_660 = arith.constant 2 : index
    %get3A_661 = arith.constant 0 : index
    %get3A_662 = vector.load %arg1[%get3A_660, %get3A_661] : memref<4x2000xi32, #tpu.memory_space<vmem>>, vector<1x2000xi32>
    %get3A_663 = vector.shape_cast %get3A_662 : vector<1x2000xi32> to vector<2000xi32>
    %reshape3A_664 = vector.shape_cast %get3A_663 : vector<2000xi32> to vector<2000x1xi32>
    %iota3A_665 = tpu.iota {dimensions = array<i32: 1>} : vector<1x128xi32>
    %add3A_666 = arith.constant 0 : i32
    %add3A_667 = vector.broadcast %add3A_666 : i32 to vector<1x128xi32>
    %add3A_668 = arith.addi %iota3A_665, %add3A_667 : vector<1x128xi32>
    %eq3A_669 = vector.broadcast %reshape3A_664 : vector<2000x1xi32> to vector<2000x128xi32>
    %eq3A_670 = vector.broadcast %add3A_668 : vector<1x128xi32> to vector<2000x128xi32>
    %eq3A_671 = arith.cmpi eq, %eq3A_669, %eq3A_670 : vector<2000x128xi32>
    %convert_element_type3A_672 = arith.extui %eq3A_671 : vector<2000x128xi1> to vector<2000x128xi32>
    %convert_element_type3A_673 = arith.sitofp %convert_element_type3A_672 : vector<2000x128xi32> to vector<2000x128xf32>
    %reduce_sum3A_674 = arith.constant dense<0.000000e+00> : vector<128xf32>
    %reduce_sum3A_675 = vector.multi_reduction <add>, %convert_element_type3A_673, %reduce_sum3A_674 [0] : vector<2000x128xf32> to vector<128xf32>
    %broadcast_in_dim3A_676 = vector.shape_cast %reduce_sum3A_675 : vector<128xf32> to vector<1x128xf32>
    %iota3A_677 = tpu.iota {dimensions = array<i32: 1>} : vector<1x128xi32>
    %add3A_678 = arith.constant 128 : i32
    %add3A_679 = vector.broadcast %add3A_678 : i32 to vector<1x128xi32>
    %add3A_680 = arith.addi %iota3A_677, %add3A_679 : vector<1x128xi32>
    %eq3A_681 = vector.broadcast %reshape3A_664 : vector<2000x1xi32> to vector<2000x128xi32>
    %eq3A_682 = vector.broadcast %add3A_680 : vector<1x128xi32> to vector<2000x128xi32>
    %eq3A_683 = arith.cmpi eq, %eq3A_681, %eq3A_682 : vector<2000x128xi32>
    %convert_element_type3A_684 = arith.extui %eq3A_683 : vector<2000x128xi1> to vector<2000x128xi32>
    %convert_element_type3A_685 = arith.sitofp %convert_element_type3A_684 : vector<2000x128xi32> to vector<2000x128xf32>
    %reduce_sum3A_686 = arith.constant dense<0.000000e+00> : vector<128xf32>
    %reduce_sum3A_687 = vector.multi_reduction <add>, %convert_element_type3A_685, %reduce_sum3A_686 [0] : vector<2000x128xf32> to vector<128xf32>
    %broadcast_in_dim3A_688 = vector.shape_cast %reduce_sum3A_687 : vector<128xf32> to vector<1x128xf32>
    %iota3A_689 = tpu.iota {dimensions = array<i32: 1>} : vector<1x128xi32>
    %add3A_690 = arith.constant 256 : i32
    %add3A_691 = vector.broadcast %add3A_690 : i32 to vector<1x128xi32>
    %add3A_692 = arith.addi %iota3A_689, %add3A_691 : vector<1x128xi32>
    %eq3A_693 = vector.broadcast %reshape3A_664 : vector<2000x1xi32> to vector<2000x128xi32>
    %eq3A_694 = vector.broadcast %add3A_692 : vector<1x128xi32> to vector<2000x128xi32>
    %eq3A_695 = arith.cmpi eq, %eq3A_693, %eq3A_694 : vector<2000x128xi32>
    %convert_element_type3A_696 = arith.extui %eq3A_695 : vector<2000x128xi1> to vector<2000x128xi32>
    %convert_element_type3A_697 = arith.sitofp %convert_element_type3A_696 : vector<2000x128xi32> to vector<2000x128xf32>
    %reduce_sum3A_698 = arith.constant dense<0.000000e+00> : vector<128xf32>
    %reduce_sum3A_699 = vector.multi_reduction <add>, %convert_element_type3A_697, %reduce_sum3A_698 [0] : vector<2000x128xf32> to vector<128xf32>
    %broadcast_in_dim3A_700 = vector.shape_cast %reduce_sum3A_699 : vector<128xf32> to vector<1x128xf32>
    %iota3A_701 = tpu.iota {dimensions = array<i32: 1>} : vector<1x128xi32>
    %add3A_702 = arith.constant 384 : i32
    %add3A_703 = vector.broadcast %add3A_702 : i32 to vector<1x128xi32>
    %add3A_704 = arith.addi %iota3A_701, %add3A_703 : vector<1x128xi32>
    %eq3A_705 = vector.broadcast %reshape3A_664 : vector<2000x1xi32> to vector<2000x128xi32>
    %eq3A_706 = vector.broadcast %add3A_704 : vector<1x128xi32> to vector<2000x128xi32>
    %eq3A_707 = arith.cmpi eq, %eq3A_705, %eq3A_706 : vector<2000x128xi32>
    %convert_element_type3A_708 = arith.extui %eq3A_707 : vector<2000x128xi1> to vector<2000x128xi32>
    %convert_element_type3A_709 = arith.sitofp %convert_element_type3A_708 : vector<2000x128xi32> to vector<2000x128xf32>
    %reduce_sum3A_710 = arith.constant dense<0.000000e+00> : vector<128xf32>
    %reduce_sum3A_711 = vector.multi_reduction <add>, %convert_element_type3A_709, %reduce_sum3A_710 [0] : vector<2000x128xf32> to vector<128xf32>
    %broadcast_in_dim3A_712 = vector.shape_cast %reduce_sum3A_711 : vector<128xf32> to vector<1x128xf32>
    %iota3A_713 = tpu.iota {dimensions = array<i32: 1>} : vector<1x128xi32>
    %add3A_714 = arith.constant 512 : i32
    %add3A_715 = vector.broadcast %add3A_714 : i32 to vector<1x128xi32>
    %add3A_716 = arith.addi %iota3A_713, %add3A_715 : vector<1x128xi32>
    %eq3A_717 = vector.broadcast %reshape3A_664 : vector<2000x1xi32> to vector<2000x128xi32>
    %eq3A_718 = vector.broadcast %add3A_716 : vector<1x128xi32> to vector<2000x128xi32>
    %eq3A_719 = arith.cmpi eq, %eq3A_717, %eq3A_718 : vector<2000x128xi32>
    %convert_element_type3A_720 = arith.extui %eq3A_719 : vector<2000x128xi1> to vector<2000x128xi32>
    %convert_element_type3A_721 = arith.sitofp %convert_element_type3A_720 : vector<2000x128xi32> to vector<2000x128xf32>
    %reduce_sum3A_722 = arith.constant dense<0.000000e+00> : vector<128xf32>
    %reduce_sum3A_723 = vector.multi_reduction <add>, %convert_element_type3A_721, %reduce_sum3A_722 [0] : vector<2000x128xf32> to vector<128xf32>
    %broadcast_in_dim3A_724 = vector.shape_cast %reduce_sum3A_723 : vector<128xf32> to vector<1x128xf32>
    %iota3A_725 = tpu.iota {dimensions = array<i32: 1>} : vector<1x128xi32>
    %add3A_726 = arith.constant 640 : i32
    %add3A_727 = vector.broadcast %add3A_726 : i32 to vector<1x128xi32>
    %add3A_728 = arith.addi %iota3A_725, %add3A_727 : vector<1x128xi32>
    %eq3A_729 = vector.broadcast %reshape3A_664 : vector<2000x1xi32> to vector<2000x128xi32>
    %eq3A_730 = vector.broadcast %add3A_728 : vector<1x128xi32> to vector<2000x128xi32>
    %eq3A_731 = arith.cmpi eq, %eq3A_729, %eq3A_730 : vector<2000x128xi32>
    %convert_element_type3A_732 = arith.extui %eq3A_731 : vector<2000x128xi1> to vector<2000x128xi32>
    %convert_element_type3A_733 = arith.sitofp %convert_element_type3A_732 : vector<2000x128xi32> to vector<2000x128xf32>
    %reduce_sum3A_734 = arith.constant dense<0.000000e+00> : vector<128xf32>
    %reduce_sum3A_735 = vector.multi_reduction <add>, %convert_element_type3A_733, %reduce_sum3A_734 [0] : vector<2000x128xf32> to vector<128xf32>
    %broadcast_in_dim3A_736 = vector.shape_cast %reduce_sum3A_735 : vector<128xf32> to vector<1x128xf32>
    %iota3A_737 = tpu.iota {dimensions = array<i32: 1>} : vector<1x128xi32>
    %add3A_738 = arith.constant 768 : i32
    %add3A_739 = vector.broadcast %add3A_738 : i32 to vector<1x128xi32>
    %add3A_740 = arith.addi %iota3A_737, %add3A_739 : vector<1x128xi32>
    %eq3A_741 = vector.broadcast %reshape3A_664 : vector<2000x1xi32> to vector<2000x128xi32>
    %eq3A_742 = vector.broadcast %add3A_740 : vector<1x128xi32> to vector<2000x128xi32>
    %eq3A_743 = arith.cmpi eq, %eq3A_741, %eq3A_742 : vector<2000x128xi32>
    %convert_element_type3A_744 = arith.extui %eq3A_743 : vector<2000x128xi1> to vector<2000x128xi32>
    %convert_element_type3A_745 = arith.sitofp %convert_element_type3A_744 : vector<2000x128xi32> to vector<2000x128xf32>
    %reduce_sum3A_746 = arith.constant dense<0.000000e+00> : vector<128xf32>
    %reduce_sum3A_747 = vector.multi_reduction <add>, %convert_element_type3A_745, %reduce_sum3A_746 [0] : vector<2000x128xf32> to vector<128xf32>
    %broadcast_in_dim3A_748 = vector.shape_cast %reduce_sum3A_747 : vector<128xf32> to vector<1x128xf32>
    %iota3A_749 = tpu.iota {dimensions = array<i32: 1>} : vector<1x128xi32>
    %add3A_750 = arith.constant 896 : i32
    %add3A_751 = vector.broadcast %add3A_750 : i32 to vector<1x128xi32>
    %add3A_752 = arith.addi %iota3A_749, %add3A_751 : vector<1x128xi32>
    %eq3A_753 = vector.broadcast %reshape3A_664 : vector<2000x1xi32> to vector<2000x128xi32>
    %eq3A_754 = vector.broadcast %add3A_752 : vector<1x128xi32> to vector<2000x128xi32>
    %eq3A_755 = arith.cmpi eq, %eq3A_753, %eq3A_754 : vector<2000x128xi32>
    %convert_element_type3A_756 = arith.extui %eq3A_755 : vector<2000x128xi1> to vector<2000x128xi32>
    %convert_element_type3A_757 = arith.sitofp %convert_element_type3A_756 : vector<2000x128xi32> to vector<2000x128xf32>
    %reduce_sum3A_758 = arith.constant dense<0.000000e+00> : vector<128xf32>
    %reduce_sum3A_759 = vector.multi_reduction <add>, %convert_element_type3A_757, %reduce_sum3A_758 [0] : vector<2000x128xf32> to vector<128xf32>
    %broadcast_in_dim3A_760 = vector.shape_cast %reduce_sum3A_759 : vector<128xf32> to vector<1x128xf32>
    %iota3A_761 = tpu.iota {dimensions = array<i32: 1>} : vector<1x128xi32>
    %add3A_762 = arith.constant 1024 : i32
    %add3A_763 = vector.broadcast %add3A_762 : i32 to vector<1x128xi32>
    %add3A_764 = arith.addi %iota3A_761, %add3A_763 : vector<1x128xi32>
    %eq3A_765 = vector.broadcast %reshape3A_664 : vector<2000x1xi32> to vector<2000x128xi32>
    %eq3A_766 = vector.broadcast %add3A_764 : vector<1x128xi32> to vector<2000x128xi32>
    %eq3A_767 = arith.cmpi eq, %eq3A_765, %eq3A_766 : vector<2000x128xi32>
    %convert_element_type3A_768 = arith.extui %eq3A_767 : vector<2000x128xi1> to vector<2000x128xi32>
    %convert_element_type3A_769 = arith.sitofp %convert_element_type3A_768 : vector<2000x128xi32> to vector<2000x128xf32>
    %reduce_sum3A_770 = arith.constant dense<0.000000e+00> : vector<128xf32>
    %reduce_sum3A_771 = vector.multi_reduction <add>, %convert_element_type3A_769, %reduce_sum3A_770 [0] : vector<2000x128xf32> to vector<128xf32>
    %broadcast_in_dim3A_772 = vector.shape_cast %reduce_sum3A_771 : vector<128xf32> to vector<1x128xf32>
    %iota3A_773 = tpu.iota {dimensions = array<i32: 1>} : vector<1x128xi32>
    %add3A_774 = arith.constant 1152 : i32
    %add3A_775 = vector.broadcast %add3A_774 : i32 to vector<1x128xi32>
    %add3A_776 = arith.addi %iota3A_773, %add3A_775 : vector<1x128xi32>
    %eq3A_777 = vector.broadcast %reshape3A_664 : vector<2000x1xi32> to vector<2000x128xi32>
    %eq3A_778 = vector.broadcast %add3A_776 : vector<1x128xi32> to vector<2000x128xi32>
    %eq3A_779 = arith.cmpi eq, %eq3A_777, %eq3A_778 : vector<2000x128xi32>
    %convert_element_type3A_780 = arith.extui %eq3A_779 : vector<2000x128xi1> to vector<2000x128xi32>
    %convert_element_type3A_781 = arith.sitofp %convert_element_type3A_780 : vector<2000x128xi32> to vector<2000x128xf32>
    %reduce_sum3A_782 = arith.constant dense<0.000000e+00> : vector<128xf32>
    %reduce_sum3A_783 = vector.multi_reduction <add>, %convert_element_type3A_781, %reduce_sum3A_782 [0] : vector<2000x128xf32> to vector<128xf32>
    %broadcast_in_dim3A_784 = vector.shape_cast %reduce_sum3A_783 : vector<128xf32> to vector<1x128xf32>
    %iota3A_785 = tpu.iota {dimensions = array<i32: 1>} : vector<1x128xi32>
    %add3A_786 = arith.constant 1280 : i32
    %add3A_787 = vector.broadcast %add3A_786 : i32 to vector<1x128xi32>
    %add3A_788 = arith.addi %iota3A_785, %add3A_787 : vector<1x128xi32>
    %eq3A_789 = vector.broadcast %reshape3A_664 : vector<2000x1xi32> to vector<2000x128xi32>
    %eq3A_790 = vector.broadcast %add3A_788 : vector<1x128xi32> to vector<2000x128xi32>
    %eq3A_791 = arith.cmpi eq, %eq3A_789, %eq3A_790 : vector<2000x128xi32>
    %convert_element_type3A_792 = arith.extui %eq3A_791 : vector<2000x128xi1> to vector<2000x128xi32>
    %convert_element_type3A_793 = arith.sitofp %convert_element_type3A_792 : vector<2000x128xi32> to vector<2000x128xf32>
    %reduce_sum3A_794 = arith.constant dense<0.000000e+00> : vector<128xf32>
    %reduce_sum3A_795 = vector.multi_reduction <add>, %convert_element_type3A_793, %reduce_sum3A_794 [0] : vector<2000x128xf32> to vector<128xf32>
    %broadcast_in_dim3A_796 = vector.shape_cast %reduce_sum3A_795 : vector<128xf32> to vector<1x128xf32>
    %iota3A_797 = tpu.iota {dimensions = array<i32: 1>} : vector<1x128xi32>
    %add3A_798 = arith.constant 1408 : i32
    %add3A_799 = vector.broadcast %add3A_798 : i32 to vector<1x128xi32>
    %add3A_800 = arith.addi %iota3A_797, %add3A_799 : vector<1x128xi32>
    %eq3A_801 = vector.broadcast %reshape3A_664 : vector<2000x1xi32> to vector<2000x128xi32>
    %eq3A_802 = vector.broadcast %add3A_800 : vector<1x128xi32> to vector<2000x128xi32>
    %eq3A_803 = arith.cmpi eq, %eq3A_801, %eq3A_802 : vector<2000x128xi32>
    %convert_element_type3A_804 = arith.extui %eq3A_803 : vector<2000x128xi1> to vector<2000x128xi32>
    %convert_element_type3A_805 = arith.sitofp %convert_element_type3A_804 : vector<2000x128xi32> to vector<2000x128xf32>
    %reduce_sum3A_806 = arith.constant dense<0.000000e+00> : vector<128xf32>
    %reduce_sum3A_807 = vector.multi_reduction <add>, %convert_element_type3A_805, %reduce_sum3A_806 [0] : vector<2000x128xf32> to vector<128xf32>
    %broadcast_in_dim3A_808 = vector.shape_cast %reduce_sum3A_807 : vector<128xf32> to vector<1x128xf32>
    %iota3A_809 = tpu.iota {dimensions = array<i32: 1>} : vector<1x128xi32>
    %add3A_810 = arith.constant 1536 : i32
    %add3A_811 = vector.broadcast %add3A_810 : i32 to vector<1x128xi32>
    %add3A_812 = arith.addi %iota3A_809, %add3A_811 : vector<1x128xi32>
    %eq3A_813 = vector.broadcast %reshape3A_664 : vector<2000x1xi32> to vector<2000x128xi32>
    %eq3A_814 = vector.broadcast %add3A_812 : vector<1x128xi32> to vector<2000x128xi32>
    %eq3A_815 = arith.cmpi eq, %eq3A_813, %eq3A_814 : vector<2000x128xi32>
    %convert_element_type3A_816 = arith.extui %eq3A_815 : vector<2000x128xi1> to vector<2000x128xi32>
    %convert_element_type3A_817 = arith.sitofp %convert_element_type3A_816 : vector<2000x128xi32> to vector<2000x128xf32>
    %reduce_sum3A_818 = arith.constant dense<0.000000e+00> : vector<128xf32>
    %reduce_sum3A_819 = vector.multi_reduction <add>, %convert_element_type3A_817, %reduce_sum3A_818 [0] : vector<2000x128xf32> to vector<128xf32>
    %broadcast_in_dim3A_820 = vector.shape_cast %reduce_sum3A_819 : vector<128xf32> to vector<1x128xf32>
    %iota3A_821 = tpu.iota {dimensions = array<i32: 1>} : vector<1x128xi32>
    %add3A_822 = arith.constant 1664 : i32
    %add3A_823 = vector.broadcast %add3A_822 : i32 to vector<1x128xi32>
    %add3A_824 = arith.addi %iota3A_821, %add3A_823 : vector<1x128xi32>
    %eq3A_825 = vector.broadcast %reshape3A_664 : vector<2000x1xi32> to vector<2000x128xi32>
    %eq3A_826 = vector.broadcast %add3A_824 : vector<1x128xi32> to vector<2000x128xi32>
    %eq3A_827 = arith.cmpi eq, %eq3A_825, %eq3A_826 : vector<2000x128xi32>
    %convert_element_type3A_828 = arith.extui %eq3A_827 : vector<2000x128xi1> to vector<2000x128xi32>
    %convert_element_type3A_829 = arith.sitofp %convert_element_type3A_828 : vector<2000x128xi32> to vector<2000x128xf32>
    %reduce_sum3A_830 = arith.constant dense<0.000000e+00> : vector<128xf32>
    %reduce_sum3A_831 = vector.multi_reduction <add>, %convert_element_type3A_829, %reduce_sum3A_830 [0] : vector<2000x128xf32> to vector<128xf32>
    %broadcast_in_dim3A_832 = vector.shape_cast %reduce_sum3A_831 : vector<128xf32> to vector<1x128xf32>
    %iota3A_833 = tpu.iota {dimensions = array<i32: 1>} : vector<1x128xi32>
    %add3A_834 = arith.constant 1792 : i32
    %add3A_835 = vector.broadcast %add3A_834 : i32 to vector<1x128xi32>
    %add3A_836 = arith.addi %iota3A_833, %add3A_835 : vector<1x128xi32>
    %eq3A_837 = vector.broadcast %reshape3A_664 : vector<2000x1xi32> to vector<2000x128xi32>
    %eq3A_838 = vector.broadcast %add3A_836 : vector<1x128xi32> to vector<2000x128xi32>
    %eq3A_839 = arith.cmpi eq, %eq3A_837, %eq3A_838 : vector<2000x128xi32>
    %convert_element_type3A_840 = arith.extui %eq3A_839 : vector<2000x128xi1> to vector<2000x128xi32>
    %convert_element_type3A_841 = arith.sitofp %convert_element_type3A_840 : vector<2000x128xi32> to vector<2000x128xf32>
    %reduce_sum3A_842 = arith.constant dense<0.000000e+00> : vector<128xf32>
    %reduce_sum3A_843 = vector.multi_reduction <add>, %convert_element_type3A_841, %reduce_sum3A_842 [0] : vector<2000x128xf32> to vector<128xf32>
    %broadcast_in_dim3A_844 = vector.shape_cast %reduce_sum3A_843 : vector<128xf32> to vector<1x128xf32>
    %iota3A_845 = tpu.iota {dimensions = array<i32: 1>} : vector<1x128xi32>
    %add3A_846 = arith.constant 1920 : i32
    %add3A_847 = vector.broadcast %add3A_846 : i32 to vector<1x128xi32>
    %add3A_848 = arith.addi %iota3A_845, %add3A_847 : vector<1x128xi32>
    %eq3A_849 = vector.broadcast %reshape3A_664 : vector<2000x1xi32> to vector<2000x128xi32>
    %eq3A_850 = vector.broadcast %add3A_848 : vector<1x128xi32> to vector<2000x128xi32>
    %eq3A_851 = arith.cmpi eq, %eq3A_849, %eq3A_850 : vector<2000x128xi32>
    %convert_element_type3A_852 = arith.extui %eq3A_851 : vector<2000x128xi1> to vector<2000x128xi32>
    %convert_element_type3A_853 = arith.sitofp %convert_element_type3A_852 : vector<2000x128xi32> to vector<2000x128xf32>
    %reduce_sum3A_854 = arith.constant dense<0.000000e+00> : vector<128xf32>
    %reduce_sum3A_855 = vector.multi_reduction <add>, %convert_element_type3A_853, %reduce_sum3A_854 [0] : vector<2000x128xf32> to vector<128xf32>
    %broadcast_in_dim3A_856 = vector.shape_cast %reduce_sum3A_855 : vector<128xf32> to vector<1x128xf32>
    %concatenate3A_857 = tpu.concatenate %broadcast_in_dim3A_676, %broadcast_in_dim3A_688, %broadcast_in_dim3A_700, %broadcast_in_dim3A_712, %broadcast_in_dim3A_724, %broadcast_in_dim3A_736, %broadcast_in_dim3A_748, %broadcast_in_dim3A_760, %broadcast_in_dim3A_772, %broadcast_in_dim3A_784, %broadcast_in_dim3A_796, %broadcast_in_dim3A_808, %broadcast_in_dim3A_820, %broadcast_in_dim3A_832, %broadcast_in_dim3A_844, %broadcast_in_dim3A_856 in 1 : vector<1x128xf32>, vector<1x128xf32>, vector<1x128xf32>, vector<1x128xf32>, vector<1x128xf32>, vector<1x128xf32>, vector<1x128xf32>, vector<1x128xf32>, vector<1x128xf32>, vector<1x128xf32>, vector<1x128xf32>, vector<1x128xf32>, vector<1x128xf32>, vector<1x128xf32>, vector<1x128xf32>, vector<1x128xf32> -> vector<1x2048xf32>
    %slice3A_858 = vector.extract_strided_slice %concatenate3A_857 {offsets = [0, 0], sizes = [1, 2000], strides = [1, 1]} : vector<1x2048xf32> to vector<1x2000xf32>
    %transpose3A_859 = tpu.transpose %slice3A_858, [1, 0] : vector<1x2000xf32> -> vector<2000x1xf32>
    %iota3A_860 = tpu.iota {dimensions = array<i32: 0>} : vector<2000x1xi32>
    %eq3A_861 = arith.constant 0 : i32
    %eq3A_862 = vector.broadcast %eq3A_861 : i32 to vector<2000x1xi32>
    %eq3A_863 = arith.cmpi eq, %iota3A_860, %eq3A_862 : vector<2000x1xi32>
    %mul3A_864 = arith.mulf %transpose3A_859, %exp3A_659 : vector<2000x1xf32>
    %jit3A_865 = arith.constant 1.000000e+00 : f32
    %broadcast_in_dim3A_866 = vector.broadcast %jit3A_865 : f32 to vector<2000x1xf32>
    %select_n3A_867 = arith.select %eq3A_863, %broadcast_in_dim3A_866, %mul3A_864 : vector<2000x1xi1>, vector<2000x1xf32>
    %reduce_sum3A_868 = vector.shape_cast %select_n3A_867 : vector<2000x1xf32> to vector<1x2000x1xf32>
    %reduce_sum3A_869 = arith.constant dense<0.000000e+00> : vector<1xf32>
    %reduce_sum3A_870 = vector.multi_reduction <add>, %reduce_sum3A_868, %reduce_sum3A_869 [1, 2] : vector<1x2000x1xf32> to vector<1xf32>
    %reduce_sum3A_871 = vector.shape_cast %reduce_sum3A_870 : vector<1xf32> to vector<1x1x1xf32>
    %reduce_sum3A_872 = vector.extract %reduce_sum3A_871[0, 0, 0] : f32 from vector<1x1x1xf32>
    %div3A_873 = vector.broadcast %reduce_sum3A_872 : f32 to vector<2000x1xf32>
    %div3A_874 = arith.divf %select_n3A_867, %div3A_873 : vector<2000x1xf32>
    %transpose3A_875 = tpu.transpose %div3A_874, [1, 0] : vector<2000x1xf32> -> vector<1x2000xf32>
    %dot_general3A_876 = arith.constant dense<0.000000e+00> : vector<1x512xf32>
    %dot_general3A_877 = tpu.matmul %transpose3A_875, %add3A_626, %dot_general3A_876 {dimension_numbers = #tpu.dot_dimension_numbers<[1], [0], [0], [1], [0, 0, 1, 1], [], []>, transpose_lhs_hint = false} : vector<1x2000xf32>, vector<2000x512xf32>, vector<1x512xf32> -> vector<1x512xf32>
    %get3A_878 = arith.constant 0 : index
    %get3A_879 = arith.constant 0 : index
    %get3A_880 = vector.load %arg10[%get3A_878, %get3A_879] : memref<1x512xf32, #tpu.memory_space<vmem>>, vector<1x512xf32>
    %add3A_881 = arith.addf %dot_general3A_877, %get3A_880 : vector<1x512xf32>
    %max3A_882 = arith.constant 0.000000e+00 : f32
    %max3A_883 = vector.broadcast %max3A_882 : f32 to vector<1x512xf32>
    %max3A_884 = arith.maximumf %add3A_881, %max3A_883 : vector<1x512xf32>
    %get3A_885 = arith.constant 0 : index
    %get3A_886 = arith.constant 0 : index
    %get3A_887 = vector.load %arg11[%get3A_885, %get3A_886] : memref<512x1xf32, #tpu.memory_space<vmem>>, vector<512x1xf32>
    %dot_general3A_888 = arith.constant dense<0.000000e+00> : vector<1x1xf32>
    %dot_general3A_889 = tpu.matmul %max3A_884, %get3A_887, %dot_general3A_888 {dimension_numbers = #tpu.dot_dimension_numbers<[1], [0], [0], [1], [0, 0, 1, 1], [], []>, transpose_lhs_hint = false} : vector<1x512xf32>, vector<512x1xf32>, vector<1x1xf32> -> vector<1x1xf32>
    %get3A_890 = arith.constant 0 : index
    %get3A_891 = arith.constant 0 : index
    %get3A_892 = vector.load %arg12[%get3A_890, %get3A_891] : memref<1x1xf32, #tpu.memory_space<vmem>>, vector<1x1xf32>
    %add3A_893 = arith.addf %dot_general3A_889, %get3A_892 : vector<1x1xf32>
    %get3A_894 = arith.constant 0 : index
    %get3A_895 = arith.constant 6144 : index
    %get3A_896 = arith.constant 0 : index
    %get3A_897 = vector.load %arg0[%get3A_894, %get3A_895, %get3A_896] : memref<2x8192x8xf32, #tpu.memory_space<vmem>>, vector<1x2000x8xf32>
    %get3A_898 = vector.shape_cast %get3A_897 : vector<1x2000x8xf32> to vector<2000x8xf32>
    %get3A_899 = arith.constant 1 : index
    %get3A_900 = arith.constant 6144 : index
    %get3A_901 = arith.constant 0 : index
    %get3A_902 = vector.load %arg0[%get3A_899, %get3A_900, %get3A_901] : memref<2x8192x8xf32, #tpu.memory_space<vmem>>, vector<1x2000x8xf32>
    %get3A_903 = vector.shape_cast %get3A_902 : vector<1x2000x8xf32> to vector<2000x8xf32>
    %add3A_904 = arith.addf %get3A_898, %get3A_903 : vector<2000x8xf32>
    %slice3A_905 = vector.extract_strided_slice %add3A_904 {offsets = [0, 0], sizes = [2000, 1], strides = [1, 1]} : vector<2000x8xf32> to vector<2000x1xf32>
    %slice3A_906 = vector.extract_strided_slice %add3A_904 {offsets = [0, 1], sizes = [2000, 4], strides = [1, 1]} : vector<2000x8xf32> to vector<2000x4xf32>
    %div3A_907 = vector.broadcast %slice3A_905 : vector<2000x1xf32> to vector<2000x4xf32>
    %div3A_908 = arith.divf %slice3A_906, %div3A_907 : vector<2000x4xf32>
    %get3A_909 = arith.constant 0 : index
    %get3A_910 = arith.constant 0 : index
    %get3A_911 = vector.load %arg3[%get3A_909, %get3A_910] : memref<4x512xf32, #tpu.memory_space<vmem>>, vector<4x512xf32>
    %dot_general3A_912 = arith.constant dense<0.000000e+00> : vector<2000x512xf32>
    %dot_general3A_913 = tpu.matmul %div3A_908, %get3A_911, %dot_general3A_912 {dimension_numbers = #tpu.dot_dimension_numbers<[1], [0], [0], [1], [0, 0, 1, 1], [], []>, transpose_lhs_hint = false} : vector<2000x4xf32>, vector<4x512xf32>, vector<2000x512xf32> -> vector<2000x512xf32>
    %get3A_914 = arith.constant 0 : index
    %get3A_915 = arith.constant 0 : index
    %get3A_916 = vector.load %arg4[%get3A_914, %get3A_915] : memref<1x512xf32, #tpu.memory_space<vmem>>, vector<1x512xf32>
    %add3A_917 = vector.broadcast %get3A_916 : vector<1x512xf32> to vector<2000x512xf32>
    %add3A_918 = arith.addf %dot_general3A_913, %add3A_917 : vector<2000x512xf32>
    %max3A_919 = arith.constant 0.000000e+00 : f32
    %max3A_920 = vector.broadcast %max3A_919 : f32 to vector<2000x512xf32>
    %max3A_921 = arith.maximumf %add3A_918, %max3A_920 : vector<2000x512xf32>
    %get3A_922 = arith.constant 0 : index
    %get3A_923 = arith.constant 0 : index
    %get3A_924 = vector.load %arg5[%get3A_922, %get3A_923] : memref<512x512xf32, #tpu.memory_space<vmem>>, vector<512x512xf32>
    %dot_general3A_925 = arith.constant dense<0.000000e+00> : vector<2000x512xf32>
    %dot_general3A_926 = tpu.matmul %max3A_921, %get3A_924, %dot_general3A_925 {dimension_numbers = #tpu.dot_dimension_numbers<[1], [0], [0], [1], [0, 0, 1, 1], [], []>, transpose_lhs_hint = false} : vector<2000x512xf32>, vector<512x512xf32>, vector<2000x512xf32> -> vector<2000x512xf32>
    %get3A_927 = arith.constant 0 : index
    %get3A_928 = arith.constant 0 : index
    %get3A_929 = vector.load %arg6[%get3A_927, %get3A_928] : memref<1x512xf32, #tpu.memory_space<vmem>>, vector<1x512xf32>
    %add3A_930 = vector.broadcast %get3A_929 : vector<1x512xf32> to vector<2000x512xf32>
    %add3A_931 = arith.addf %dot_general3A_926, %add3A_930 : vector<2000x512xf32>
    %get3A_932 = arith.constant 3 : index
    %get3A_933 = arith.constant 0 : index
    %get3A_934 = vector.load %arg2[%get3A_932, %get3A_933] : memref<4x10xf32, #tpu.memory_space<vmem>>, vector<1x10xf32>
    %get3A_935 = arith.constant 0 : index
    %get3A_936 = arith.constant 0 : index
    %get3A_937 = vector.load %arg7[%get3A_935, %get3A_936] : memref<10x512xf32, #tpu.memory_space<vmem>>, vector<10x512xf32>
    %dot_general3A_938 = arith.constant dense<0.000000e+00> : vector<1x512xf32>
    %dot_general3A_939 = tpu.matmul %get3A_934, %get3A_937, %dot_general3A_938 {dimension_numbers = #tpu.dot_dimension_numbers<[1], [0], [0], [1], [0, 0, 1, 1], [], []>, transpose_lhs_hint = false} : vector<1x10xf32>, vector<10x512xf32>, vector<1x512xf32> -> vector<1x512xf32>
    %get3A_940 = arith.constant 0 : index
    %get3A_941 = arith.constant 0 : index
    %get3A_942 = vector.load %arg8[%get3A_940, %get3A_941] : memref<1x512xf32, #tpu.memory_space<vmem>>, vector<1x512xf32>
    %add3A_943 = arith.addf %dot_general3A_939, %get3A_942 : vector<1x512xf32>
    %add3A_944 = vector.broadcast %add3A_943 : vector<1x512xf32> to vector<2000x512xf32>
    %add3A_945 = arith.addf %add3A_931, %add3A_944 : vector<2000x512xf32>
    %gt3A_946 = arith.constant 0.000000e+00 : f32
    %gt3A_947 = vector.broadcast %gt3A_946 : f32 to vector<2000x512xf32>
    %gt3A_948 = arith.cmpf ogt, %add3A_945, %gt3A_947 : vector<2000x512xf32>
    %mul3A_949 = arith.constant 2.000000e-01 : f32
    %mul3A_950 = vector.broadcast %mul3A_949 : f32 to vector<2000x512xf32>
    %mul3A_951 = arith.mulf %mul3A_950, %add3A_945 : vector<2000x512xf32>
    %select_n3A_952 = arith.select %gt3A_948, %add3A_945, %mul3A_951 : vector<2000x512xi1>, vector<2000x512xf32>
    %get3A_953 = arith.constant 0 : index
    %get3A_954 = arith.constant 0 : index
    %get3A_955 = vector.load %arg9[%get3A_953, %get3A_954] : memref<512x1xf32, #tpu.memory_space<vmem>>, vector<512x1xf32>
    %dot_general3A_956 = arith.constant dense<0.000000e+00> : vector<2000x1xf32>
    %dot_general3A_957 = tpu.matmul %select_n3A_952, %get3A_955, %dot_general3A_956 {dimension_numbers = #tpu.dot_dimension_numbers<[1], [0], [0], [1], [0, 0, 1, 1], [], []>, transpose_lhs_hint = false} : vector<2000x512xf32>, vector<512x1xf32>, vector<2000x1xf32> -> vector<2000x1xf32>
    %slice3A_958 = vector.extract_strided_slice %dot_general3A_957 {offsets = [0, 0], sizes = [1, 1], strides = [1, 1]} : vector<2000x1xf32> to vector<1x1xf32>
    %sub3A_959 = vector.broadcast %slice3A_958 : vector<1x1xf32> to vector<2000x1xf32>
    %sub3A_960 = arith.subf %dot_general3A_957, %sub3A_959 : vector<2000x1xf32>
    %min3A_961 = arith.constant 7.000000e+01 : f32
    %min3A_962 = vector.broadcast %min3A_961 : f32 to vector<2000x1xf32>
    %min3A_963 = arith.minimumf %sub3A_960, %min3A_962 : vector<2000x1xf32>
    %exp3A_964 = math.exp %min3A_963 : vector<2000x1xf32>
    %get3A_965 = arith.constant 3 : index
    %get3A_966 = arith.constant 0 : index
    %get3A_967 = vector.load %arg1[%get3A_965, %get3A_966] : memref<4x2000xi32, #tpu.memory_space<vmem>>, vector<1x2000xi32>
    %get3A_968 = vector.shape_cast %get3A_967 : vector<1x2000xi32> to vector<2000xi32>
    %reshape3A_969 = vector.shape_cast %get3A_968 : vector<2000xi32> to vector<2000x1xi32>
    %iota3A_970 = tpu.iota {dimensions = array<i32: 1>} : vector<1x128xi32>
    %add3A_971 = arith.constant 0 : i32
    %add3A_972 = vector.broadcast %add3A_971 : i32 to vector<1x128xi32>
    %add3A_973 = arith.addi %iota3A_970, %add3A_972 : vector<1x128xi32>
    %eq3A_974 = vector.broadcast %reshape3A_969 : vector<2000x1xi32> to vector<2000x128xi32>
    %eq3A_975 = vector.broadcast %add3A_973 : vector<1x128xi32> to vector<2000x128xi32>
    %eq3A_976 = arith.cmpi eq, %eq3A_974, %eq3A_975 : vector<2000x128xi32>
    %convert_element_type3A_977 = arith.extui %eq3A_976 : vector<2000x128xi1> to vector<2000x128xi32>
    %convert_element_type3A_978 = arith.sitofp %convert_element_type3A_977 : vector<2000x128xi32> to vector<2000x128xf32>
    %reduce_sum3A_979 = arith.constant dense<0.000000e+00> : vector<128xf32>
    %reduce_sum3A_980 = vector.multi_reduction <add>, %convert_element_type3A_978, %reduce_sum3A_979 [0] : vector<2000x128xf32> to vector<128xf32>
    %broadcast_in_dim3A_981 = vector.shape_cast %reduce_sum3A_980 : vector<128xf32> to vector<1x128xf32>
    %iota3A_982 = tpu.iota {dimensions = array<i32: 1>} : vector<1x128xi32>
    %add3A_983 = arith.constant 128 : i32
    %add3A_984 = vector.broadcast %add3A_983 : i32 to vector<1x128xi32>
    %add3A_985 = arith.addi %iota3A_982, %add3A_984 : vector<1x128xi32>
    %eq3A_986 = vector.broadcast %reshape3A_969 : vector<2000x1xi32> to vector<2000x128xi32>
    %eq3A_987 = vector.broadcast %add3A_985 : vector<1x128xi32> to vector<2000x128xi32>
    %eq3A_988 = arith.cmpi eq, %eq3A_986, %eq3A_987 : vector<2000x128xi32>
    %convert_element_type3A_989 = arith.extui %eq3A_988 : vector<2000x128xi1> to vector<2000x128xi32>
    %convert_element_type3A_990 = arith.sitofp %convert_element_type3A_989 : vector<2000x128xi32> to vector<2000x128xf32>
    %reduce_sum3A_991 = arith.constant dense<0.000000e+00> : vector<128xf32>
    %reduce_sum3A_992 = vector.multi_reduction <add>, %convert_element_type3A_990, %reduce_sum3A_991 [0] : vector<2000x128xf32> to vector<128xf32>
    %broadcast_in_dim3A_993 = vector.shape_cast %reduce_sum3A_992 : vector<128xf32> to vector<1x128xf32>
    %iota3A_994 = tpu.iota {dimensions = array<i32: 1>} : vector<1x128xi32>
    %add3A_995 = arith.constant 256 : i32
    %add3A_996 = vector.broadcast %add3A_995 : i32 to vector<1x128xi32>
    %add3A_997 = arith.addi %iota3A_994, %add3A_996 : vector<1x128xi32>
    %eq3A_998 = vector.broadcast %reshape3A_969 : vector<2000x1xi32> to vector<2000x128xi32>
    %eq3A_999 = vector.broadcast %add3A_997 : vector<1x128xi32> to vector<2000x128xi32>
    %eq3A_1000 = arith.cmpi eq, %eq3A_998, %eq3A_999 : vector<2000x128xi32>
    %convert_element_type3A_1001 = arith.extui %eq3A_1000 : vector<2000x128xi1> to vector<2000x128xi32>
    %convert_element_type3A_1002 = arith.sitofp %convert_element_type3A_1001 : vector<2000x128xi32> to vector<2000x128xf32>
    %reduce_sum3A_1003 = arith.constant dense<0.000000e+00> : vector<128xf32>
    %reduce_sum3A_1004 = vector.multi_reduction <add>, %convert_element_type3A_1002, %reduce_sum3A_1003 [0] : vector<2000x128xf32> to vector<128xf32>
    %broadcast_in_dim3A_1005 = vector.shape_cast %reduce_sum3A_1004 : vector<128xf32> to vector<1x128xf32>
    %iota3A_1006 = tpu.iota {dimensions = array<i32: 1>} : vector<1x128xi32>
    %add3A_1007 = arith.constant 384 : i32
    %add3A_1008 = vector.broadcast %add3A_1007 : i32 to vector<1x128xi32>
    %add3A_1009 = arith.addi %iota3A_1006, %add3A_1008 : vector<1x128xi32>
    %eq3A_1010 = vector.broadcast %reshape3A_969 : vector<2000x1xi32> to vector<2000x128xi32>
    %eq3A_1011 = vector.broadcast %add3A_1009 : vector<1x128xi32> to vector<2000x128xi32>
    %eq3A_1012 = arith.cmpi eq, %eq3A_1010, %eq3A_1011 : vector<2000x128xi32>
    %convert_element_type3A_1013 = arith.extui %eq3A_1012 : vector<2000x128xi1> to vector<2000x128xi32>
    %convert_element_type3A_1014 = arith.sitofp %convert_element_type3A_1013 : vector<2000x128xi32> to vector<2000x128xf32>
    %reduce_sum3A_1015 = arith.constant dense<0.000000e+00> : vector<128xf32>
    %reduce_sum3A_1016 = vector.multi_reduction <add>, %convert_element_type3A_1014, %reduce_sum3A_1015 [0] : vector<2000x128xf32> to vector<128xf32>
    %broadcast_in_dim3A_1017 = vector.shape_cast %reduce_sum3A_1016 : vector<128xf32> to vector<1x128xf32>
    %iota3A_1018 = tpu.iota {dimensions = array<i32: 1>} : vector<1x128xi32>
    %add3A_1019 = arith.constant 512 : i32
    %add3A_1020 = vector.broadcast %add3A_1019 : i32 to vector<1x128xi32>
    %add3A_1021 = arith.addi %iota3A_1018, %add3A_1020 : vector<1x128xi32>
    %eq3A_1022 = vector.broadcast %reshape3A_969 : vector<2000x1xi32> to vector<2000x128xi32>
    %eq3A_1023 = vector.broadcast %add3A_1021 : vector<1x128xi32> to vector<2000x128xi32>
    %eq3A_1024 = arith.cmpi eq, %eq3A_1022, %eq3A_1023 : vector<2000x128xi32>
    %convert_element_type3A_1025 = arith.extui %eq3A_1024 : vector<2000x128xi1> to vector<2000x128xi32>
    %convert_element_type3A_1026 = arith.sitofp %convert_element_type3A_1025 : vector<2000x128xi32> to vector<2000x128xf32>
    %reduce_sum3A_1027 = arith.constant dense<0.000000e+00> : vector<128xf32>
    %reduce_sum3A_1028 = vector.multi_reduction <add>, %convert_element_type3A_1026, %reduce_sum3A_1027 [0] : vector<2000x128xf32> to vector<128xf32>
    %broadcast_in_dim3A_1029 = vector.shape_cast %reduce_sum3A_1028 : vector<128xf32> to vector<1x128xf32>
    %iota3A_1030 = tpu.iota {dimensions = array<i32: 1>} : vector<1x128xi32>
    %add3A_1031 = arith.constant 640 : i32
    %add3A_1032 = vector.broadcast %add3A_1031 : i32 to vector<1x128xi32>
    %add3A_1033 = arith.addi %iota3A_1030, %add3A_1032 : vector<1x128xi32>
    %eq3A_1034 = vector.broadcast %reshape3A_969 : vector<2000x1xi32> to vector<2000x128xi32>
    %eq3A_1035 = vector.broadcast %add3A_1033 : vector<1x128xi32> to vector<2000x128xi32>
    %eq3A_1036 = arith.cmpi eq, %eq3A_1034, %eq3A_1035 : vector<2000x128xi32>
    %convert_element_type3A_1037 = arith.extui %eq3A_1036 : vector<2000x128xi1> to vector<2000x128xi32>
    %convert_element_type3A_1038 = arith.sitofp %convert_element_type3A_1037 : vector<2000x128xi32> to vector<2000x128xf32>
    %reduce_sum3A_1039 = arith.constant dense<0.000000e+00> : vector<128xf32>
    %reduce_sum3A_1040 = vector.multi_reduction <add>, %convert_element_type3A_1038, %reduce_sum3A_1039 [0] : vector<2000x128xf32> to vector<128xf32>
    %broadcast_in_dim3A_1041 = vector.shape_cast %reduce_sum3A_1040 : vector<128xf32> to vector<1x128xf32>
    %iota3A_1042 = tpu.iota {dimensions = array<i32: 1>} : vector<1x128xi32>
    %add3A_1043 = arith.constant 768 : i32
    %add3A_1044 = vector.broadcast %add3A_1043 : i32 to vector<1x128xi32>
    %add3A_1045 = arith.addi %iota3A_1042, %add3A_1044 : vector<1x128xi32>
    %eq3A_1046 = vector.broadcast %reshape3A_969 : vector<2000x1xi32> to vector<2000x128xi32>
    %eq3A_1047 = vector.broadcast %add3A_1045 : vector<1x128xi32> to vector<2000x128xi32>
    %eq3A_1048 = arith.cmpi eq, %eq3A_1046, %eq3A_1047 : vector<2000x128xi32>
    %convert_element_type3A_1049 = arith.extui %eq3A_1048 : vector<2000x128xi1> to vector<2000x128xi32>
    %convert_element_type3A_1050 = arith.sitofp %convert_element_type3A_1049 : vector<2000x128xi32> to vector<2000x128xf32>
    %reduce_sum3A_1051 = arith.constant dense<0.000000e+00> : vector<128xf32>
    %reduce_sum3A_1052 = vector.multi_reduction <add>, %convert_element_type3A_1050, %reduce_sum3A_1051 [0] : vector<2000x128xf32> to vector<128xf32>
    %broadcast_in_dim3A_1053 = vector.shape_cast %reduce_sum3A_1052 : vector<128xf32> to vector<1x128xf32>
    %iota3A_1054 = tpu.iota {dimensions = array<i32: 1>} : vector<1x128xi32>
    %add3A_1055 = arith.constant 896 : i32
    %add3A_1056 = vector.broadcast %add3A_1055 : i32 to vector<1x128xi32>
    %add3A_1057 = arith.addi %iota3A_1054, %add3A_1056 : vector<1x128xi32>
    %eq3A_1058 = vector.broadcast %reshape3A_969 : vector<2000x1xi32> to vector<2000x128xi32>
    %eq3A_1059 = vector.broadcast %add3A_1057 : vector<1x128xi32> to vector<2000x128xi32>
    %eq3A_1060 = arith.cmpi eq, %eq3A_1058, %eq3A_1059 : vector<2000x128xi32>
    %convert_element_type3A_1061 = arith.extui %eq3A_1060 : vector<2000x128xi1> to vector<2000x128xi32>
    %convert_element_type3A_1062 = arith.sitofp %convert_element_type3A_1061 : vector<2000x128xi32> to vector<2000x128xf32>
    %reduce_sum3A_1063 = arith.constant dense<0.000000e+00> : vector<128xf32>
    %reduce_sum3A_1064 = vector.multi_reduction <add>, %convert_element_type3A_1062, %reduce_sum3A_1063 [0] : vector<2000x128xf32> to vector<128xf32>
    %broadcast_in_dim3A_1065 = vector.shape_cast %reduce_sum3A_1064 : vector<128xf32> to vector<1x128xf32>
    %iota3A_1066 = tpu.iota {dimensions = array<i32: 1>} : vector<1x128xi32>
    %add3A_1067 = arith.constant 1024 : i32
    %add3A_1068 = vector.broadcast %add3A_1067 : i32 to vector<1x128xi32>
    %add3A_1069 = arith.addi %iota3A_1066, %add3A_1068 : vector<1x128xi32>
    %eq3A_1070 = vector.broadcast %reshape3A_969 : vector<2000x1xi32> to vector<2000x128xi32>
    %eq3A_1071 = vector.broadcast %add3A_1069 : vector<1x128xi32> to vector<2000x128xi32>
    %eq3A_1072 = arith.cmpi eq, %eq3A_1070, %eq3A_1071 : vector<2000x128xi32>
    %convert_element_type3A_1073 = arith.extui %eq3A_1072 : vector<2000x128xi1> to vector<2000x128xi32>
    %convert_element_type3A_1074 = arith.sitofp %convert_element_type3A_1073 : vector<2000x128xi32> to vector<2000x128xf32>
    %reduce_sum3A_1075 = arith.constant dense<0.000000e+00> : vector<128xf32>
    %reduce_sum3A_1076 = vector.multi_reduction <add>, %convert_element_type3A_1074, %reduce_sum3A_1075 [0] : vector<2000x128xf32> to vector<128xf32>
    %broadcast_in_dim3A_1077 = vector.shape_cast %reduce_sum3A_1076 : vector<128xf32> to vector<1x128xf32>
    %iota3A_1078 = tpu.iota {dimensions = array<i32: 1>} : vector<1x128xi32>
    %add3A_1079 = arith.constant 1152 : i32
    %add3A_1080 = vector.broadcast %add3A_1079 : i32 to vector<1x128xi32>
    %add3A_1081 = arith.addi %iota3A_1078, %add3A_1080 : vector<1x128xi32>
    %eq3A_1082 = vector.broadcast %reshape3A_969 : vector<2000x1xi32> to vector<2000x128xi32>
    %eq3A_1083 = vector.broadcast %add3A_1081 : vector<1x128xi32> to vector<2000x128xi32>
    %eq3A_1084 = arith.cmpi eq, %eq3A_1082, %eq3A_1083 : vector<2000x128xi32>
    %convert_element_type3A_1085 = arith.extui %eq3A_1084 : vector<2000x128xi1> to vector<2000x128xi32>
    %convert_element_type3A_1086 = arith.sitofp %convert_element_type3A_1085 : vector<2000x128xi32> to vector<2000x128xf32>
    %reduce_sum3A_1087 = arith.constant dense<0.000000e+00> : vector<128xf32>
    %reduce_sum3A_1088 = vector.multi_reduction <add>, %convert_element_type3A_1086, %reduce_sum3A_1087 [0] : vector<2000x128xf32> to vector<128xf32>
    %broadcast_in_dim3A_1089 = vector.shape_cast %reduce_sum3A_1088 : vector<128xf32> to vector<1x128xf32>
    %iota3A_1090 = tpu.iota {dimensions = array<i32: 1>} : vector<1x128xi32>
    %add3A_1091 = arith.constant 1280 : i32
    %add3A_1092 = vector.broadcast %add3A_1091 : i32 to vector<1x128xi32>
    %add3A_1093 = arith.addi %iota3A_1090, %add3A_1092 : vector<1x128xi32>
    %eq3A_1094 = vector.broadcast %reshape3A_969 : vector<2000x1xi32> to vector<2000x128xi32>
    %eq3A_1095 = vector.broadcast %add3A_1093 : vector<1x128xi32> to vector<2000x128xi32>
    %eq3A_1096 = arith.cmpi eq, %eq3A_1094, %eq3A_1095 : vector<2000x128xi32>
    %convert_element_type3A_1097 = arith.extui %eq3A_1096 : vector<2000x128xi1> to vector<2000x128xi32>
    %convert_element_type3A_1098 = arith.sitofp %convert_element_type3A_1097 : vector<2000x128xi32> to vector<2000x128xf32>
    %reduce_sum3A_1099 = arith.constant dense<0.000000e+00> : vector<128xf32>
    %reduce_sum3A_1100 = vector.multi_reduction <add>, %convert_element_type3A_1098, %reduce_sum3A_1099 [0] : vector<2000x128xf32> to vector<128xf32>
    %broadcast_in_dim3A_1101 = vector.shape_cast %reduce_sum3A_1100 : vector<128xf32> to vector<1x128xf32>
    %iota3A_1102 = tpu.iota {dimensions = array<i32: 1>} : vector<1x128xi32>
    %add3A_1103 = arith.constant 1408 : i32
    %add3A_1104 = vector.broadcast %add3A_1103 : i32 to vector<1x128xi32>
    %add3A_1105 = arith.addi %iota3A_1102, %add3A_1104 : vector<1x128xi32>
    %eq3A_1106 = vector.broadcast %reshape3A_969 : vector<2000x1xi32> to vector<2000x128xi32>
    %eq3A_1107 = vector.broadcast %add3A_1105 : vector<1x128xi32> to vector<2000x128xi32>
    %eq3A_1108 = arith.cmpi eq, %eq3A_1106, %eq3A_1107 : vector<2000x128xi32>
    %convert_element_type3A_1109 = arith.extui %eq3A_1108 : vector<2000x128xi1> to vector<2000x128xi32>
    %convert_element_type3A_1110 = arith.sitofp %convert_element_type3A_1109 : vector<2000x128xi32> to vector<2000x128xf32>
    %reduce_sum3A_1111 = arith.constant dense<0.000000e+00> : vector<128xf32>
    %reduce_sum3A_1112 = vector.multi_reduction <add>, %convert_element_type3A_1110, %reduce_sum3A_1111 [0] : vector<2000x128xf32> to vector<128xf32>
    %broadcast_in_dim3A_1113 = vector.shape_cast %reduce_sum3A_1112 : vector<128xf32> to vector<1x128xf32>
    %iota3A_1114 = tpu.iota {dimensions = array<i32: 1>} : vector<1x128xi32>
    %add3A_1115 = arith.constant 1536 : i32
    %add3A_1116 = vector.broadcast %add3A_1115 : i32 to vector<1x128xi32>
    %add3A_1117 = arith.addi %iota3A_1114, %add3A_1116 : vector<1x128xi32>
    %eq3A_1118 = vector.broadcast %reshape3A_969 : vector<2000x1xi32> to vector<2000x128xi32>
    %eq3A_1119 = vector.broadcast %add3A_1117 : vector<1x128xi32> to vector<2000x128xi32>
    %eq3A_1120 = arith.cmpi eq, %eq3A_1118, %eq3A_1119 : vector<2000x128xi32>
    %convert_element_type3A_1121 = arith.extui %eq3A_1120 : vector<2000x128xi1> to vector<2000x128xi32>
    %convert_element_type3A_1122 = arith.sitofp %convert_element_type3A_1121 : vector<2000x128xi32> to vector<2000x128xf32>
    %reduce_sum3A_1123 = arith.constant dense<0.000000e+00> : vector<128xf32>
    %reduce_sum3A_1124 = vector.multi_reduction <add>, %convert_element_type3A_1122, %reduce_sum3A_1123 [0] : vector<2000x128xf32> to vector<128xf32>
    %broadcast_in_dim3A_1125 = vector.shape_cast %reduce_sum3A_1124 : vector<128xf32> to vector<1x128xf32>
    %iota3A_1126 = tpu.iota {dimensions = array<i32: 1>} : vector<1x128xi32>
    %add3A_1127 = arith.constant 1664 : i32
    %add3A_1128 = vector.broadcast %add3A_1127 : i32 to vector<1x128xi32>
    %add3A_1129 = arith.addi %iota3A_1126, %add3A_1128 : vector<1x128xi32>
    %eq3A_1130 = vector.broadcast %reshape3A_969 : vector<2000x1xi32> to vector<2000x128xi32>
    %eq3A_1131 = vector.broadcast %add3A_1129 : vector<1x128xi32> to vector<2000x128xi32>
    %eq3A_1132 = arith.cmpi eq, %eq3A_1130, %eq3A_1131 : vector<2000x128xi32>
    %convert_element_type3A_1133 = arith.extui %eq3A_1132 : vector<2000x128xi1> to vector<2000x128xi32>
    %convert_element_type3A_1134 = arith.sitofp %convert_element_type3A_1133 : vector<2000x128xi32> to vector<2000x128xf32>
    %reduce_sum3A_1135 = arith.constant dense<0.000000e+00> : vector<128xf32>
    %reduce_sum3A_1136 = vector.multi_reduction <add>, %convert_element_type3A_1134, %reduce_sum3A_1135 [0] : vector<2000x128xf32> to vector<128xf32>
    %broadcast_in_dim3A_1137 = vector.shape_cast %reduce_sum3A_1136 : vector<128xf32> to vector<1x128xf32>
    %iota3A_1138 = tpu.iota {dimensions = array<i32: 1>} : vector<1x128xi32>
    %add3A_1139 = arith.constant 1792 : i32
    %add3A_1140 = vector.broadcast %add3A_1139 : i32 to vector<1x128xi32>
    %add3A_1141 = arith.addi %iota3A_1138, %add3A_1140 : vector<1x128xi32>
    %eq3A_1142 = vector.broadcast %reshape3A_969 : vector<2000x1xi32> to vector<2000x128xi32>
    %eq3A_1143 = vector.broadcast %add3A_1141 : vector<1x128xi32> to vector<2000x128xi32>
    %eq3A_1144 = arith.cmpi eq, %eq3A_1142, %eq3A_1143 : vector<2000x128xi32>
    %convert_element_type3A_1145 = arith.extui %eq3A_1144 : vector<2000x128xi1> to vector<2000x128xi32>
    %convert_element_type3A_1146 = arith.sitofp %convert_element_type3A_1145 : vector<2000x128xi32> to vector<2000x128xf32>
    %reduce_sum3A_1147 = arith.constant dense<0.000000e+00> : vector<128xf32>
    %reduce_sum3A_1148 = vector.multi_reduction <add>, %convert_element_type3A_1146, %reduce_sum3A_1147 [0] : vector<2000x128xf32> to vector<128xf32>
    %broadcast_in_dim3A_1149 = vector.shape_cast %reduce_sum3A_1148 : vector<128xf32> to vector<1x128xf32>
    %iota3A_1150 = tpu.iota {dimensions = array<i32: 1>} : vector<1x128xi32>
    %add3A_1151 = arith.constant 1920 : i32
    %add3A_1152 = vector.broadcast %add3A_1151 : i32 to vector<1x128xi32>
    %add3A_1153 = arith.addi %iota3A_1150, %add3A_1152 : vector<1x128xi32>
    %eq3A_1154 = vector.broadcast %reshape3A_969 : vector<2000x1xi32> to vector<2000x128xi32>
    %eq3A_1155 = vector.broadcast %add3A_1153 : vector<1x128xi32> to vector<2000x128xi32>
    %eq3A_1156 = arith.cmpi eq, %eq3A_1154, %eq3A_1155 : vector<2000x128xi32>
    %convert_element_type3A_1157 = arith.extui %eq3A_1156 : vector<2000x128xi1> to vector<2000x128xi32>
    %convert_element_type3A_1158 = arith.sitofp %convert_element_type3A_1157 : vector<2000x128xi32> to vector<2000x128xf32>
    %reduce_sum3A_1159 = arith.constant dense<0.000000e+00> : vector<128xf32>
    %reduce_sum3A_1160 = vector.multi_reduction <add>, %convert_element_type3A_1158, %reduce_sum3A_1159 [0] : vector<2000x128xf32> to vector<128xf32>
    %broadcast_in_dim3A_1161 = vector.shape_cast %reduce_sum3A_1160 : vector<128xf32> to vector<1x128xf32>
    %concatenate3A_1162 = tpu.concatenate %broadcast_in_dim3A_981, %broadcast_in_dim3A_993, %broadcast_in_dim3A_1005, %broadcast_in_dim3A_1017, %broadcast_in_dim3A_1029, %broadcast_in_dim3A_1041, %broadcast_in_dim3A_1053, %broadcast_in_dim3A_1065, %broadcast_in_dim3A_1077, %broadcast_in_dim3A_1089, %broadcast_in_dim3A_1101, %broadcast_in_dim3A_1113, %broadcast_in_dim3A_1125, %broadcast_in_dim3A_1137, %broadcast_in_dim3A_1149, %broadcast_in_dim3A_1161 in 1 : vector<1x128xf32>, vector<1x128xf32>, vector<1x128xf32>, vector<1x128xf32>, vector<1x128xf32>, vector<1x128xf32>, vector<1x128xf32>, vector<1x128xf32>, vector<1x128xf32>, vector<1x128xf32>, vector<1x128xf32>, vector<1x128xf32>, vector<1x128xf32>, vector<1x128xf32>, vector<1x128xf32>, vector<1x128xf32> -> vector<1x2048xf32>
    %slice3A_1163 = vector.extract_strided_slice %concatenate3A_1162 {offsets = [0, 0], sizes = [1, 2000], strides = [1, 1]} : vector<1x2048xf32> to vector<1x2000xf32>
    %transpose3A_1164 = tpu.transpose %slice3A_1163, [1, 0] : vector<1x2000xf32> -> vector<2000x1xf32>
    %iota3A_1165 = tpu.iota {dimensions = array<i32: 0>} : vector<2000x1xi32>
    %eq3A_1166 = arith.constant 0 : i32
    %eq3A_1167 = vector.broadcast %eq3A_1166 : i32 to vector<2000x1xi32>
    %eq3A_1168 = arith.cmpi eq, %iota3A_1165, %eq3A_1167 : vector<2000x1xi32>
    %mul3A_1169 = arith.mulf %transpose3A_1164, %exp3A_964 : vector<2000x1xf32>
    %jit3A_1170 = arith.constant 1.000000e+00 : f32
    %broadcast_in_dim3A_1171 = vector.broadcast %jit3A_1170 : f32 to vector<2000x1xf32>
    %select_n3A_1172 = arith.select %eq3A_1168, %broadcast_in_dim3A_1171, %mul3A_1169 : vector<2000x1xi1>, vector<2000x1xf32>
    %reduce_sum3A_1173 = vector.shape_cast %select_n3A_1172 : vector<2000x1xf32> to vector<1x2000x1xf32>
    %reduce_sum3A_1174 = arith.constant dense<0.000000e+00> : vector<1xf32>
    %reduce_sum3A_1175 = vector.multi_reduction <add>, %reduce_sum3A_1173, %reduce_sum3A_1174 [1, 2] : vector<1x2000x1xf32> to vector<1xf32>
    %reduce_sum3A_1176 = vector.shape_cast %reduce_sum3A_1175 : vector<1xf32> to vector<1x1x1xf32>
    %reduce_sum3A_1177 = vector.extract %reduce_sum3A_1176[0, 0, 0] : f32 from vector<1x1x1xf32>
    %div3A_1178 = vector.broadcast %reduce_sum3A_1177 : f32 to vector<2000x1xf32>
    %div3A_1179 = arith.divf %select_n3A_1172, %div3A_1178 : vector<2000x1xf32>
    %transpose3A_1180 = tpu.transpose %div3A_1179, [1, 0] : vector<2000x1xf32> -> vector<1x2000xf32>
    %dot_general3A_1181 = arith.constant dense<0.000000e+00> : vector<1x512xf32>
    %dot_general3A_1182 = tpu.matmul %transpose3A_1180, %add3A_931, %dot_general3A_1181 {dimension_numbers = #tpu.dot_dimension_numbers<[1], [0], [0], [1], [0, 0, 1, 1], [], []>, transpose_lhs_hint = false} : vector<1x2000xf32>, vector<2000x512xf32>, vector<1x512xf32> -> vector<1x512xf32>
    %get3A_1183 = arith.constant 0 : index
    %get3A_1184 = arith.constant 0 : index
    %get3A_1185 = vector.load %arg10[%get3A_1183, %get3A_1184] : memref<1x512xf32, #tpu.memory_space<vmem>>, vector<1x512xf32>
    %add3A_1186 = arith.addf %dot_general3A_1182, %get3A_1185 : vector<1x512xf32>
    %max3A_1187 = arith.constant 0.000000e+00 : f32
    %max3A_1188 = vector.broadcast %max3A_1187 : f32 to vector<1x512xf32>
    %max3A_1189 = arith.maximumf %add3A_1186, %max3A_1188 : vector<1x512xf32>
    %get3A_1190 = arith.constant 0 : index
    %get3A_1191 = arith.constant 0 : index
    %get3A_1192 = vector.load %arg11[%get3A_1190, %get3A_1191] : memref<512x1xf32, #tpu.memory_space<vmem>>, vector<512x1xf32>
    %dot_general3A_1193 = arith.constant dense<0.000000e+00> : vector<1x1xf32>
    %dot_general3A_1194 = tpu.matmul %max3A_1189, %get3A_1192, %dot_general3A_1193 {dimension_numbers = #tpu.dot_dimension_numbers<[1], [0], [0], [1], [0, 0, 1, 1], [], []>, transpose_lhs_hint = false} : vector<1x512xf32>, vector<512x1xf32>, vector<1x1xf32> -> vector<1x1xf32>
    %get3A_1195 = arith.constant 0 : index
    %get3A_1196 = arith.constant 0 : index
    %get3A_1197 = vector.load %arg12[%get3A_1195, %get3A_1196] : memref<1x1xf32, #tpu.memory_space<vmem>>, vector<1x1xf32>
    %add3A_1198 = arith.addf %dot_general3A_1194, %get3A_1197 : vector<1x1xf32>
    %concatenate3A_1199 = tpu.concatenate %add3A_283, %add3A_588, %add3A_893, %add3A_1198 in 0 : vector<1x1xf32>, vector<1x1xf32>, vector<1x1xf32>, vector<1x1xf32> -> vector<4x1xf32>
    %swap3A = arith.constant 0 : index
    %swap3A_1200 = arith.constant 0 : index
    %swap3A_1201 = vector.load %arg13[%swap3A, %swap3A_1200] : memref<4x1xf32, #tpu.memory_space<vmem>>, vector<4x1xf32>
    tpu.vector_store %arg13[%swap3A, %swap3A_1200], %concatenate3A_1199 {strides = array<i32>} : memref<4x1xf32, #tpu.memory_space<vmem>>, vector<4x1xf32>,
    return
  }
}

</mosaic_0001>

<sc_bundles>
// kernel: kernel.10.cloned.1.call-start
scs
__scs_entry_jumppad:
0x0: {  	(pc) =	sbr.rel $0x88, $3  }
0x1: {  	(tag) =	ssettag $0x0;
	lr =	simm.s32 $0x1  }
0x2: {  	[smem:$0x3F8C] =	sst lr;
	_ =	strace $0xD0000000  }
0x3: {  	_ = 	snop  }
0x4: {  	_ = 	snop  }
0x5: {  	_ = 	snop  }
0x6: {  	_ = 	snop  }
0x7: {  	_ = 	snop  }
__scs_overlays_trampoline_lowered:
0x8: {  	[smem:$0x3F9B] =	sst s0  }
0x9: {  	[smem:$0x3F9C] =	sst s1  }
0xa: {  	[smem:$0x3F9D] =	sst s2  }
0xb: {  	[smem:$0x3F9E] =	sst s3  }
0xc: {  	[smem:$0x3F9F] =	sst s4  }
0xd: {  	[smem:$0x3FA0] =	sst s5  }
0xe: {  	[smem:$0x3FA1] =	sst s6  }
0xf: {  	[smem:$0x3FA2] =	sst s7  }
0x10: {  	[smem:$0x3FA3] =	sst s8  }
0x11: {  	[smem:$0x3FA4] =	sst s9;
	s0 =	simm.s32 @!p0 $0x0  }
0x12: {  	s1 =	sld [smem:$0x3F8A];
	s0 =	simm.s32 @p0 $0x1  }
0x13: {  	[smem:$0x3FA5] =	sst s0;
	s0 =	simm.s32 @!p1 $0x0  }
0x14: {  	s2 =	sld [smem:$0x3F89];
	s0 =	simm.s32 @p1 $0x1  }
0x15: {  	[smem:$0x3FA6] =	sst s0;
	s0 =	simm.s32 @!p2 $0x0  }
0x16: {  	s3 =	sld [smem:$0x3FDB];
	s0 =	simm.s32 @p2 $0x1  }
0x17: {  	s4 =	simm.s32 $0x1BF5;
	[smem:$0x3FA8] =	sst s0  }
0x18: {  	s0 =	sld [smem:$0x3F8B];
	_ =	swait.ge [sflag:s4], $0x0  }
0x19: {  	s7 =	sld [smem:$0x3F8C]  }
0x1a: {  	s8 =	sadd.s32 $0xFFFFE003, lr  }
0x1b: {  	s9 =	sadd.s32 $0xFFFFFEF7, lr;
	s5 =	simm.s32 $0xFFFFFFFF;
	p2 =	slt.u32 s8, $0xFFFFF086  }
0x1c: {  	p1 =	slt.u32 s9, $0xF7A;
	s5 =	simm.s32 @!p2 $0x0  }
0x1d: {  	s5 =	simm.s32 @p1 $0x1;
	p0 =	seq.s32 s7, s2  }
0x1e: {  	s7 =	smul.u32 @!p0 $0xF7A, s2;
	p2 =	seq.s32 @!p0 s5, $0x0  }
0x1f: {  	s9 =	smul.u32 $0xF7A, s1;
	s8 =	simm.s32 @!p0 $0x1BF5;
	p2 =	por !p2, p0  }
0x20: {  	[sflag:s8] =	ssyncset.s32 @!p0 $0xFFFFF086;
	s6 =	sadd.s32 @!p0 s3, s7;
	s7 =	simm.s32 @!p0 $0x108  }
0x21: {  	s3 =	sadd.s32 s3, s9;
	s6 =	sadd.s32 @!p0 $0x88, s6;
	s7 =	simm.s32 @p2 $0x1082  }
0x22: {  	[simem:s7], [sflag:s8] =	dma.local @!p0 [hbm:s6], $0xF7A  }
0x23: {  	s9 =	sor.u32 $0xD0000000, s2;
	s6 =	simm.s32 $0x108;
	_ =	swait.ge @!p0 [sflag:s8], $0x0  }
0x24: {  	s3 =	sadd.s32 $0x88, s3;
	s6 =	simm.s32 @!p1 $0x1082;
	[sflag:s4] =	ssyncset.s32 $0xFFFFF086  }
0x25: {  	[simem:s6], [sflag:s4] =	dma.local [hbm:s3], $0xF7A  }
0x26: {  	[smem:$0x3F8C] =	sst s1;
	(tag) =	ssettag s2;
	_ =	strace s9  }
0x27: {  	s1 =	sld [smem:$0x3F9C]  }
0x28: {  	s2 =	sld [smem:$0x3F9D]  }
0x29: {  	s4 =	sld [smem:$0x3F9F]  }
0x2a: {  	p0 =	seq.s32 s5, $0x0;
	s5 =	sld [smem:$0x3FA0]  }
0x2b: {  	s6 =	sld [smem:$0x3FA1]  }
0x2c: {  	s7 =	sld [smem:$0x3FA2]  }
0x2d: {  	s3 =	simm.s32 $0x108;
	s8 =	sld [smem:$0x3FA3]  }
0x2e: {  	s3 =	simm.s32 @!p0 $0x1082;
	s9 =	sld [smem:$0x3FA4]  }
0x2f: {  	lr =	sadd.s32 s0, s3;
	s0 =	sld [smem:$0x3F9B]  }
0x30: {  	s3 =	sld [smem:$0x3F9E]  }
0x31: {  	[smem:$0x3FA7] =	sst s10  }
0x32: {  	s10 =	sld [smem:$0x3FA5];
	_ =	sdelay $0x3  }
0x33: {  	p0 =	seq.s32 s10, $0x1;
	s10 =	sld [smem:$0x3FA7];
	_ =	sdelay $0x3  }
0x34: {  	[smem:$0x3FA7] =	sst s10  }
0x35: {  	s10 =	sld [smem:$0x3FA6];
	_ =	sdelay $0x3  }
0x36: {  	p1 =	seq.s32 s10, $0x1;
	s10 =	sld [smem:$0x3FA7];
	_ =	sdelay $0x3  }
0x37: {  	[smem:$0x3FA7] =	sst s10  }
0x38: {  	s10 =	sld [smem:$0x3FA8]  }
0x39: {  	_ = 	snop;
	(pc) =	sbr.ind lr, $3  }
0x3a: {  	_ = 	snop  }
0x3b: {  	_ = 	snop  }
0x3c: {  	p2 =	seq.s32 s10, $0x1;
	s10 =	sld [smem:$0x3FA7]  }
0x3d: {  	_ =	shalt  }
0x3e: {  	_ =	shalt  }
0x3f: {  	_ =	shalt  }
0x40: {  	_ =	shalt  }
0x41: {  	_ =	shalt  }
0x42: {  	_ =	shalt  }
0x43: {  	_ =	shalt  }
0x44: {  	_ =	shalt  }
0x45: {  	_ =	shalt  }
0x46: {  	_ =	shalt  }
0x47: {  	_ =	shalt  }
0x48: {  	_ =	shalt  }
0x49: {  	_ =	shalt  }
0x4a: {  	_ =	shalt  }
0x4b: {  	_ =	shalt  }
0x4c: {  	_ =	shalt  }
0x4d: {  	_ =	shalt  }
0x4e: {  	_ =	shalt  }
0x4f: {  	_ =	shalt  }
0x50: {  	_ =	shalt  }
0x51: {  	_ =	shalt  }
0x52: {  	_ =	shalt  }
0x53: {  	_ =	shalt  }
0x54: {  	_ =	shalt  }
0x55: {  	_ =	shalt  }
0x56: {  	_ =	shalt  }
0x57: {  	_ =	shalt  }
0x58: {  	_ =	shalt  }
0x59: {  	_ =	shalt  }
0x5a: {  	_ =	shalt  }
0x5b: {  	_ =	shalt  }
0x5c: {  	_ =	shalt  }
0x5d: {  	_ =	shalt  }
0x5e: {  	_ =	shalt  }
0x5f: {  	_ =	shalt  }
0x60: {  	_ =	shalt  }
0x61: {  	_ =	shalt  }
0x62: {  	_ =	shalt  }
0x63: {  	_ =	shalt  }
0x64: {  	_ =	shalt  }
0x65: {  	_ =	shalt  }
0x66: {  	_ =	shalt  }
0x67: {  	_ =	shalt  }
0x68: {  	_ =	shalt  }
0x69: {  	_ =	shalt  }
0x6a: {  	_ =	shalt  }
0x6b: {  	_ =	shalt  }
0x6c: {  	_ =	shalt  }
0x6d: {  	_ =	shalt  }
0x6e: {  	_ =	shalt  }
0x6f: {  	_ =	shalt  }
0x70: {  	_ =	shalt  }
0x71: {  	_ =	shalt  }
0x72: {  	_ =	shalt  }
0x73: {  	_ =	shalt  }
0x74: {  	_ =	shalt  }
0x75: {  	_ =	shalt  }
0x76: {  	_ =	shalt  }
0x77: {  	_ =	shalt  }
0x78: {  	_ =	shalt  }
0x79: {  	_ =	shalt  }
0x7a: {  	_ =	shalt  }
0x7b: {  	_ =	shalt  }
0x7c: {  	_ =	shalt  }
0x7d: {  	_ =	shalt  }
0x7e: {  	_ =	shalt  }
0x7f: {  	_ =	shalt  }
0x80: {  	_ =	shalt  }
0x81: {  	_ =	shalt  }
0x82: {  	_ =	shalt  }
0x83: {  	_ =	shalt  }
0x84: {  	_ =	shalt  }
0x85: {  	_ =	shalt  }
0x86: {  	_ =	shalt  }
0x87: {  	_ =	shalt  }
.Lfunc_end0:
.L_simem_size_0:
called_computation.1_lowered:
.L_overlay_start_0:
0x88: {  	s2 =	sld [smem:$0x3FD9]  }
0x89: {  	s3 =	sld [smem:$0x3FFE];
	_ =	sdelay $0x1  }
0x8a: {  	s1 =	srdreg.scid  }
0x8b: {  	s0 =	sand.u32 $0x1, s1  }
0x8c: {  	s16 =	sshll.u32 s0, $0xA;
	s2 =	sadd.s32 s3, s2  }
0x8d: {  	s2 =	sadd.s32 s2, s16  }
0x8e: {  	[smem:$0x3FB3] =	sst s2  }
0x8f: {  	_ = 	snop  }
0x90: {  	(tm) =	ssettm $0x1  }
0x91: {  	s17 =	sld [smem:$0x3FFB];
	_ =	sdelay $0x3  }
0x92: {  	_ =	strace s17  }
0x93: {  	s2 =	sld [smem:$0x3FFC];
	_ =	sdelay $0x3  }
0x94: {  	_ =	strace s2  }
0x95: {  	s2 =	sld [smem:$0x3FFD];
	_ =	sdelay $0x3  }
0x96: {  	_ =	strace s2  }
0x97: {  	_ =	strace $0x8FFFFFFF  }
0x98: {  	s18 =	sld [smem:$0x3FDB];
	_ =	sdelay $0x1  }
0x99: {  	s19 =	simm.s32 $_scs_section_size  }
0x9a: {  	s4 =	simm.s32 $_size__tile_overlayer_lowered;
	s5 =	simm.s32 $_tile_overlayer_lowered  }
0x9b: {  	s22 =	simm.s32 $0x1BFF;
	s21 =	sshll.u32 s5, $0x1;
	s2 =	sadd.s32 s19, s18  }
0x9c: {  	s6 =	simm.s32 $0x0;
	s20 =	sshll.u32 s4, $0x1;
	s4 =	sadd.s32 s21, s2  }
0x9d: {  	[timem:s6], [sflag:s22] =	dma.local [hbm:s4], s20  }
0x9e: {  	_ =	swait.ge [sflag:s22], s20  }
0x9f: {  	s3 =	ssub.s32 $0x0, s20;
	[sflag:s22] =	ssyncset.done $0x0  }
0xa0: {  	[sflag:s22] =	ssyncadd.s32 s3;
	_ =	sdelay $0x1  }
0xa1: {  	s23 =	simm.s32 $0x1B8B  }
0xa2: {  	_ =	swait.ge [sflag:s23], $0x1  }
0xa3: {  	[sflag:s23] =	ssyncset.done $0x0  }
0xa4: {  	s25 =	simm.s32 $0x1B8E;
	s24 =	sld [smem:$0x3FFE];
	[sflag:s23] =	ssyncadd.s32 $0xFFFFFFFF  }
0xa5: {  	s26 =	simm.s32 $execute0_lowered;
	[smem:$0x3FD2] =	sst s25  }
0xa6: {  	s4 =	sshll.u32 s26, $0x1;
	_ =	strace $0x80000049;
	[dreg:$0x1] =	wrdreg $0xFFFFFFFF  }
0xa7: {  	s28 =	simm.s32 $_size_execute0_lowered;
	s2 =	sadd.s32 s2, s4;
	[dreg:$0x0] =	wrdreg $0x0  }
0xa8: {  	s4 =	sshll.u32 s28, $0x1;
	[dreg:$0x2] =	wrdreg s2  }
0xa9: {  	[dreg:$0x3] =	wrdreg s4  }
0xaa: {  	[dreg:$0x4] =	wrdreg $0xC0  }
0xab: {  	_ =	task [dreg:s6], $0x5FFFF  }
0xac: {  	[dreg:$0x1] =	wrdreg $0xFFFFFFFF  }
0xad: {  	[dreg:$0x0] =	wrdreg $0x60  }
0xae: {  	[dreg:$0x2] =	wrdreg s24  }
0xaf: {  	[dreg:$0x3] =	wrdreg $0x1C2000  }
0xb0: {  	[dreg:$0x4] =	wrdreg $0x9  }
0xb1: {  	_ =	task.clear_ibuf [dreg:s6], $0x5FFFF;
	_ =	strace $0x90000049  }
0xb2: {  	s29 =	simm.s32 $0x9;
	_ =	strace $0x8000004B  }
0xb3: {  	_ =	swait.ge [sflag:s29], $0x1  }
0xb4: {  	[sflag:s29] =	ssyncadd.s32 $0xFFFFFFFF  }
0xb5: {  	_ =	strace $0x9000004B  }
0xb6: {  	_ =	sfence  }
0xb7: {  	s30 =	sld [smem:$0x0];
	_ =	sdelay $0x2  }
0xb8: {  	s31 =	sshll.u32 s1, $0xD;
	s1 =	sshrl.u32 s1, $0x2  }
0xb9: {  	s3 =	sand.u32 $0x4000, s31;
	s1 =	sadd.s32 s1, s30  }
0xba: {  	s0 =	sor.u32 s3, s0;
	s1 =	sshll.u32 s1, $0x11  }
0xbb: {  	s0 =	sor.u32 s1, s0  }
0xbc: {  	s0 =	sadd.s32 $0x8F2B, s0  }
0xbd: {  	[sflag:s0] =	ssyncadd.remote.s32 $0x1  }
0xbe: {  	_ =	sfence.sel $0xFFFF  }
0xbf: {  	[dreg:$0x0] =	wrdreg $0xFFFFFFFF;
	(pc) =	sbr.abs _section_cstart, $3  }
0xc0: {  	[dreg:$0x1] =	wrdreg $0xFFFFFFFF  }
0xc1: {  	_ =	task.clear_ibuf [dreg:s6], $0x2FFFF;
	_ =	strace $0x9FFFFFFF  }
0xc2: {  	(tm) =	ssettm $0x7FFFFFFF  }
0xc3: {  	_ =	shalt  }
tec
execute0_lowered:
.L_overlay_start_1:
0x0: {  	(tag) =	ssettag $0x1  }
0x1: {  	s4 =	rddreg [dreg:$0x0];
	s0 =	srdreg.scid  }
0x2: {  	s11 =	stileid.u32;
	s1 =	rddreg [dreg:$0x1]  }
0x3: {  	s2 =	simm.s32 $0x0;
	s3 =	sand.u32 $0x1, s0;
	s0 =	rddreg [dreg:$0x2]  }
0x4: {  	s13 =	simm.s32 $0x0;
	s5 =	sshll.u32 s11, $0x1;
	[smem:$0x7FF] =	sst s2  }
0x5: {  	s8 =	sshll.u32 s11, $0xC;
	p0 =	sne.s32 s11, $0x0;
	s11 =	sshll.u32 s11, $0x6  }
0x6: {  	s5 =	sor.u32 s3, s5;
	_ =	strace $0x8000004A;
	s7 =	sshll.u32 s3, $0x10  }
0x7: {  	s9 =	ssub.s32 $0x2, s3;
	s3 =	sadd.s32 $0x266A00, s4;
	s6 =	smul.u32 $0x3200, s5  }
0x8: {  	s12 =	sadd.s32 s8, s1;
	s11 =	sor.u32 $0x1C01, s11;
	s5 =	smul.u32 $0x640, s5  }
0x9: {  	s7 =	sor.u32 s8, s7;
	s10 =	sshrl.u32 s9, $0x1;
	s8 =	sshrl.u32 @!p0 s1, $0x3  }
0xa: {  	s12 =	sshrl.u32 s12, $0x3;
	s7 =	sshrl.u32 s7, $0x3;
	s9 =	ssub.s32 s9, s10  }
0xb: {  	s10 =	simm.s32 $0x80;
	s6 =	sadd.s32 s6, s4;
	s5 =	sadd.s32 s5, s4  }
0xc: {  	s7 =	sadd.s32 s7, s4;
	s4 =	sadd.s32 $0x1F6200, s5;
	s5 =	sadd.s32 $0x202A00, s6  }
0xd: {  	s6 =	sadd.s32 $0x268A00, s7;
	s7 =	smax.u32 s9, $0x1;
	s9 =	simm.s32 $0x1  }
.LBB2_1:
0xe: {  	s14 =	simm.s32 @!p0 $0x1C01  }
0xf: {  	[spmem:s8], [sflag:s14] =	dma.local @!p0 [hbm:s3], $0x2000  }
0x10: {  	s14 =	simm.s32 @!p0 $0x1  }
0x11: {  	_ =	swait.ge @!p0 [sflag:s14], $0x2000  }
0x12: {  	[sflag:s14] =	ssyncset.done @!p0 $0x0  }
0x13: {  	[sflag:s14] =	ssyncadd.s32 @!p0 $0xFFFFE000  }
0x14: {  	[bflag:$0x0] =	sbarrier.arrive $0xFFFF  }
0x15: {  	[tilespmem:s2], [sflag:$0x1] =	stream.linear.gather [hbm4b:s4+s2], $0x3200, $0x38;
	[tilespmem:$0x1D200] =	vst v63  }
0x16: {  	_ =	swait.ge [sflag:s9], $0x3200  }
0x17: {  	[sflag:s9] =	ssyncset.done $0x0  }
0x18: {  	s14 =	simm.s32 $0x3200;
	[sflag:s9] =	ssyncadd.s32 $0xFFFFCE00  }
0x19: {  	[tilespmem:s14], [sflag:$0x1] =	stream.linear.gather [hbm4b:s5+s2], $0x19000, $0x38;
	[tilespmem:$0x1D200] =	vst v63  }
0x1a: {  	_ =	swait.ge [sflag:s9], $0x19000  }
0x1b: {  	[sflag:s9] =	ssyncset.done $0x0  }
0x1c: {  	s15 =	simm.s32 $0x0;
	[sflag:s9] =	ssyncadd.s32 $0xFFFE7000  }
0x1d: {  	[spmem:s1] =	stream.indirect.scatter.add.f32 [tilespmem:s14], [sflag:$0x1], $0x8, s15, s10, $0xb8;
	[tilespmem:$0x1D200] =	vst v63  }
0x1e: {  	_ =	swait.ge [sflag:s9], $0x400  }
0x1f: {  	s15 =	simm.s32 $0x200;
	[sflag:s9] =	ssyncset.done $0x0  }
.LBB2_2:
0x20: {  	s16 =	sshra.s32 s15, $0x2  }
0x21: {  	[sflag:s9] =	ssyncadd.s32 $0xFFFFFC00;
	s14 =	sadd.s32 $0x400, s14;
	p1 =	sne.s32 s15, $0xC600  }
0x22: {  	[spmem:s1] =	stream.indirect.scatter.add.f32 [tilespmem:s14], [sflag:$0x1], $0x8, s16, s10, $0xb8;
	[tilespmem:$0x1D200] =	vst v63  }
.Ltmp0:
0x23: {  	_ = 	snop;
	(pc) =	sbr.rel @p1 .LBB2_2-.Ltmp0, $4  }
0x24: {  	_ = 	snop  }
0x25: {  	s15 =	sadd.s32 $0x200, s15  }
0x26: {  	_ =	swait.ge [sflag:s9], $0x400  }
0x27: {  	[sflag:s9] =	ssyncset.done $0x0  }
0x28: {  	s13 =	sadd.s32 $0x1, s13  }
0x29: {  	[sflag:s9] =	ssyncadd.s32 $0xFFFFFC00;
	p1 =	sne.s32 s13, s7  }
.Ltmp1:
0x2a: {  	[bflag:$0x0] =	sbarrier.arrive $0xFFFF;
	(pc) =	sbr.rel @p1 .LBB2_1-.Ltmp1, $4  }
0x2b: {  	[hbm:s6], [sflag:s11] =	dma.local [spmem:s12], $0x200  }
0x2c: {  	_ =	swait.ge [sflag:s9], $0x200  }
0x2d: {  	[sflag:s9] =	ssyncset.done $0x0  }
0x2e: {  	[sflag:s9] =	ssyncadd.s32 $0xFFFFFE00  }
0x2f: {  	_ =	sfence.sel $0x180000  }
0x30: {  	[bflag:$0x0] =	sbarrier.arrive $0xFFFF  }
0x31: {  	_ =	strace $0x9000004A  }
0x32: {  	s0 =	sadd.s32 @!p0 $0x100000, s0;
	[bflag:$0x2] =	sbarrier.arrive $0xFFFF  }
0x33: {  	[sflag:s0] =	ssyncadd.tile.s32 @!p0 $0x1;
	_ =	shalt  }
.Lfunc_end2:
_tile_overlayer_lowered:
.L_overlay_start_2:
0x34: {  	(tag) =	ssettag $0x2  }
0x35: {  	s0 =	rddreg [dreg:$0x0];
	s2 =	stileid.u32  }
0x36: {  	s1 =	rddreg [dreg:$0x1];
	p0 =	sne.s32 s2, $0x0  }
0x37: {  	s3 =	rddreg [dreg:$0x2];
	[bflag:$0x3] =	sbarrier.arrive $0xFFFF;
	s2 =	simm.s32 @!p0 $0x1C01  }
0x38: {  	[timem:s3], [sflag:s2] =	dma.local @!p0 [hbm:s0], s1  }
0x39: {  	s0 =	simm.s32 @!p0 $0x1  }
0x3a: {  	_ =	swait.ge @!p0 [sflag:s0], s1  }
0x3b: {  	s1 =	ssub.s32 @!p0 $0x0, s1;
	[sflag:s0] =	ssyncset.done @!p0 $0x0  }
0x3c: {  	[sflag:s0] =	ssyncadd.s32 @!p0 s1  }
0x3d: {  	[bflag:$0x3] =	sbarrier.arrive $0xFFFF  }
0x3e: {  	_ =	shalt  }

// kernel: kernel.7.cloned.1.call-start
scs
__scs_entry_jumppad:
0x0: {  	(pc) =	sbr.rel $0x88, $3  }
0x1: {  	(tag) =	ssettag $0x0;
	lr =	simm.s32 $0x1  }
0x2: {  	[smem:$0x3F8C] =	sst lr;
	_ =	strace $0xD0000000  }
0x3: {  	_ = 	snop  }
0x4: {  	_ = 	snop  }
0x5: {  	_ = 	snop  }
0x6: {  	_ = 	snop  }
0x7: {  	_ = 	snop  }
__scs_overlays_trampoline_lowered:
0x8: {  	[smem:$0x3F9B] =	sst s0  }
0x9: {  	[smem:$0x3F9C] =	sst s1  }
0xa: {  	[smem:$0x3F9D] =	sst s2  }
0xb: {  	[smem:$0x3F9E] =	sst s3  }
0xc: {  	[smem:$0x3F9F] =	sst s4  }
0xd: {  	[smem:$0x3FA0] =	sst s5  }
0xe: {  	[smem:$0x3FA1] =	sst s6  }
0xf: {  	[smem:$0x3FA2] =	sst s7  }
0x10: {  	[smem:$0x3FA3] =	sst s8  }
0x11: {  	[smem:$0x3FA4] =	sst s9;
	s0 =	simm.s32 @!p0 $0x0  }
0x12: {  	s1 =	sld [smem:$0x3F8A];
	s0 =	simm.s32 @p0 $0x1  }
0x13: {  	[smem:$0x3FA5] =	sst s0;
	s0 =	simm.s32 @!p1 $0x0  }
0x14: {  	s2 =	sld [smem:$0x3F89];
	s0 =	simm.s32 @p1 $0x1  }
0x15: {  	[smem:$0x3FA6] =	sst s0;
	s0 =	simm.s32 @!p2 $0x0  }
0x16: {  	s3 =	sld [smem:$0x3FDB];
	s0 =	simm.s32 @p2 $0x1  }
0x17: {  	s4 =	simm.s32 $0x1BF5;
	[smem:$0x3FA8] =	sst s0  }
0x18: {  	s0 =	sld [smem:$0x3F8B];
	_ =	swait.ge [sflag:s4], $0x0  }
0x19: {  	s7 =	sld [smem:$0x3F8C]  }
0x1a: {  	s8 =	sadd.s32 $0xFFFFE003, lr  }
0x1b: {  	s9 =	sadd.s32 $0xFFFFFEF7, lr;
	s5 =	simm.s32 $0xFFFFFFFF;
	p2 =	slt.u32 s8, $0xFFFFF086  }
0x1c: {  	p1 =	slt.u32 s9, $0xF7A;
	s5 =	simm.s32 @!p2 $0x0  }
0x1d: {  	s5 =	simm.s32 @p1 $0x1;
	p0 =	seq.s32 s7, s2  }
0x1e: {  	s7 =	smul.u32 @!p0 $0xF7A, s2;
	p2 =	seq.s32 @!p0 s5, $0x0  }
0x1f: {  	s9 =	smul.u32 $0xF7A, s1;
	s8 =	simm.s32 @!p0 $0x1BF5;
	p2 =	por !p2, p0  }
0x20: {  	[sflag:s8] =	ssyncset.s32 @!p0 $0xFFFFF086;
	s6 =	sadd.s32 @!p0 s3, s7;
	s7 =	simm.s32 @!p0 $0x108  }
0x21: {  	s3 =	sadd.s32 s3, s9;
	s6 =	sadd.s32 @!p0 $0x88, s6;
	s7 =	simm.s32 @p2 $0x1082  }
0x22: {  	[simem:s7], [sflag:s8] =	dma.local @!p0 [hbm:s6], $0xF7A  }
0x23: {  	s9 =	sor.u32 $0xD0000000, s2;
	s6 =	simm.s32 $0x108;
	_ =	swait.ge @!p0 [sflag:s8], $0x0  }
0x24: {  	s3 =	sadd.s32 $0x88, s3;
	s6 =	simm.s32 @!p1 $0x1082;
	[sflag:s4] =	ssyncset.s32 $0xFFFFF086  }
0x25: {  	[simem:s6], [sflag:s4] =	dma.local [hbm:s3], $0xF7A  }
0x26: {  	[smem:$0x3F8C] =	sst s1;
	(tag) =	ssettag s2;
	_ =	strace s9  }
0x27: {  	s1 =	sld [smem:$0x3F9C]  }
0x28: {  	s2 =	sld [smem:$0x3F9D]  }
0x29: {  	s4 =	sld [smem:$0x3F9F]  }
0x2a: {  	p0 =	seq.s32 s5, $0x0;
	s5 =	sld [smem:$0x3FA0]  }
0x2b: {  	s6 =	sld [smem:$0x3FA1]  }
0x2c: {  	s7 =	sld [smem:$0x3FA2]  }
0x2d: {  	s3 =	simm.s32 $0x108;
	s8 =	sld [smem:$0x3FA3]  }
0x2e: {  	s3 =	simm.s32 @!p0 $0x1082;
	s9 =	sld [smem:$0x3FA4]  }
0x2f: {  	lr =	sadd.s32 s0, s3;
	s0 =	sld [smem:$0x3F9B]  }
0x30: {  	s3 =	sld [smem:$0x3F9E]  }
0x31: {  	[smem:$0x3FA7] =	sst s10  }
0x32: {  	s10 =	sld [smem:$0x3FA5];
	_ =	sdelay $0x3  }
0x33: {  	p0 =	seq.s32 s10, $0x1;
	s10 =	sld [smem:$0x3FA7];
	_ =	sdelay $0x3  }
0x34: {  	[smem:$0x3FA7] =	sst s10  }
0x35: {  	s10 =	sld [smem:$0x3FA6];
	_ =	sdelay $0x3  }
0x36: {  	p1 =	seq.s32 s10, $0x1;
	s10 =	sld [smem:$0x3FA7];
	_ =	sdelay $0x3  }
0x37: {  	[smem:$0x3FA7] =	sst s10  }
0x38: {  	s10 =	sld [smem:$0x3FA8]  }
0x39: {  	_ = 	snop;
	(pc) =	sbr.ind lr, $3  }
0x3a: {  	_ = 	snop  }
0x3b: {  	_ = 	snop  }
0x3c: {  	p2 =	seq.s32 s10, $0x1;
	s10 =	sld [smem:$0x3FA7]  }
0x3d: {  	_ =	shalt  }
0x3e: {  	_ =	shalt  }
0x3f: {  	_ =	shalt  }
0x40: {  	_ =	shalt  }
0x41: {  	_ =	shalt  }
0x42: {  	_ =	shalt  }
0x43: {  	_ =	shalt  }
0x44: {  	_ =	shalt  }
0x45: {  	_ =	shalt  }
0x46: {  	_ =	shalt  }
0x47: {  	_ =	shalt  }
0x48: {  	_ =	shalt  }
0x49: {  	_ =	shalt  }
0x4a: {  	_ =	shalt  }
0x4b: {  	_ =	shalt  }
0x4c: {  	_ =	shalt  }
0x4d: {  	_ =	shalt  }
0x4e: {  	_ =	shalt  }
0x4f: {  	_ =	shalt  }
0x50: {  	_ =	shalt  }
0x51: {  	_ =	shalt  }
0x52: {  	_ =	shalt  }
0x53: {  	_ =	shalt  }
0x54: {  	_ =	shalt  }
0x55: {  	_ =	shalt  }
0x56: {  	_ =	shalt  }
0x57: {  	_ =	shalt  }
0x58: {  	_ =	shalt  }
0x59: {  	_ =	shalt  }
0x5a: {  	_ =	shalt  }
0x5b: {  	_ =	shalt  }
0x5c: {  	_ =	shalt  }
0x5d: {  	_ =	shalt  }
0x5e: {  	_ =	shalt  }
0x5f: {  	_ =	shalt  }
0x60: {  	_ =	shalt  }
0x61: {  	_ =	shalt  }
0x62: {  	_ =	shalt  }
0x63: {  	_ =	shalt  }
0x64: {  	_ =	shalt  }
0x65: {  	_ =	shalt  }
0x66: {  	_ =	shalt  }
0x67: {  	_ =	shalt  }
0x68: {  	_ =	shalt  }
0x69: {  	_ =	shalt  }
0x6a: {  	_ =	shalt  }
0x6b: {  	_ =	shalt  }
0x6c: {  	_ =	shalt  }
0x6d: {  	_ =	shalt  }
0x6e: {  	_ =	shalt  }
0x6f: {  	_ =	shalt  }
0x70: {  	_ =	shalt  }
0x71: {  	_ =	shalt  }
0x72: {  	_ =	shalt  }
0x73: {  	_ =	shalt  }
0x74: {  	_ =	shalt  }
0x75: {  	_ =	shalt  }
0x76: {  	_ =	shalt  }
0x77: {  	_ =	shalt  }
0x78: {  	_ =	shalt  }
0x79: {  	_ =	shalt  }
0x7a: {  	_ =	shalt  }
0x7b: {  	_ =	shalt  }
0x7c: {  	_ =	shalt  }
0x7d: {  	_ =	shalt  }
0x7e: {  	_ =	shalt  }
0x7f: {  	_ =	shalt  }
0x80: {  	_ =	shalt  }
0x81: {  	_ =	shalt  }
0x82: {  	_ =	shalt  }
0x83: {  	_ =	shalt  }
0x84: {  	_ =	shalt  }
0x85: {  	_ =	shalt  }
0x86: {  	_ =	shalt  }
0x87: {  	_ =	shalt  }
.Lfunc_end0:
.L_simem_size_0:
called_computation_lowered:
.L_overlay_start_0:
0x88: {  	s2 =	sld [smem:$0x3FD9]  }
0x89: {  	s3 =	sld [smem:$0x3FFE];
	_ =	sdelay $0x1  }
0x8a: {  	s1 =	srdreg.scid  }
0x8b: {  	s0 =	sand.u32 $0x1, s1  }
0x8c: {  	s16 =	sshll.u32 s0, $0xA;
	s2 =	sadd.s32 s3, s2  }
0x8d: {  	s2 =	sadd.s32 s2, s16  }
0x8e: {  	[smem:$0x3FB3] =	sst s2  }
0x8f: {  	_ = 	snop  }
0x90: {  	(tm) =	ssettm $0x1  }
0x91: {  	s17 =	sld [smem:$0x3FFB];
	_ =	sdelay $0x3  }
0x92: {  	_ =	strace s17  }
0x93: {  	s2 =	sld [smem:$0x3FFC];
	_ =	sdelay $0x3  }
0x94: {  	_ =	strace s2  }
0x95: {  	s2 =	sld [smem:$0x3FFD];
	_ =	sdelay $0x3  }
0x96: {  	_ =	strace s2  }
0x97: {  	_ =	strace $0x8FFFFFFF  }
0x98: {  	s18 =	sld [smem:$0x3FDB];
	_ =	sdelay $0x1  }
0x99: {  	s19 =	simm.s32 $_scs_section_size  }
0x9a: {  	s4 =	simm.s32 $_size__tile_overlayer_lowered;
	s5 =	simm.s32 $_tile_overlayer_lowered  }
0x9b: {  	s22 =	simm.s32 $0x1BFF;
	s21 =	sshll.u32 s5, $0x1;
	s2 =	sadd.s32 s19, s18  }
0x9c: {  	s6 =	simm.s32 $0x0;
	s20 =	sshll.u32 s4, $0x1;
	s4 =	sadd.s32 s21, s2  }
0x9d: {  	[timem:s6], [sflag:s22] =	dma.local [hbm:s4], s20  }
0x9e: {  	_ =	swait.ge [sflag:s22], s20  }
0x9f: {  	s3 =	ssub.s32 $0x0, s20;
	[sflag:s22] =	ssyncset.done $0x0  }
0xa0: {  	[sflag:s22] =	ssyncadd.s32 s3;
	_ =	sdelay $0x1  }
0xa1: {  	s23 =	simm.s32 $0x1B8B  }
0xa2: {  	_ =	swait.ge [sflag:s23], $0x1  }
0xa3: {  	[sflag:s23] =	ssyncset.done $0x0  }
0xa4: {  	s25 =	simm.s32 $0x1B8E;
	s24 =	sld [smem:$0x3FFE];
	[sflag:s23] =	ssyncadd.s32 $0xFFFFFFFF  }
0xa5: {  	s26 =	simm.s32 $execute0_lowered;
	[smem:$0x3FD2] =	sst s25  }
0xa6: {  	s4 =	sshll.u32 s26, $0x1;
	_ =	strace $0x80000046;
	[dreg:$0x1] =	wrdreg $0xFFFFFFFF  }
0xa7: {  	s28 =	simm.s32 $_size_execute0_lowered;
	s2 =	sadd.s32 s2, s4;
	[dreg:$0x0] =	wrdreg $0x0  }
0xa8: {  	s4 =	sshll.u32 s28, $0x1;
	[dreg:$0x2] =	wrdreg s2  }
0xa9: {  	[dreg:$0x3] =	wrdreg s4  }
0xaa: {  	[dreg:$0x4] =	wrdreg $0xC0  }
0xab: {  	_ =	task [dreg:s6], $0x5FFFF  }
0xac: {  	[dreg:$0x1] =	wrdreg $0xFFFFFFFF  }
0xad: {  	[dreg:$0x0] =	wrdreg $0x60  }
0xae: {  	[dreg:$0x2] =	wrdreg s24  }
0xaf: {  	[dreg:$0x3] =	wrdreg $0x9  }
0xb0: {  	_ =	task.clear_ibuf [dreg:s6], $0x4FFFF;
	_ =	strace $0x90000046  }
0xb1: {  	s29 =	simm.s32 $0x9;
	_ =	strace $0x80000048  }
0xb2: {  	_ =	swait.ge [sflag:s29], $0x1  }
0xb3: {  	[sflag:s29] =	ssyncadd.s32 $0xFFFFFFFF  }
0xb4: {  	_ =	strace $0x90000048  }
0xb5: {  	_ =	sfence  }
0xb6: {  	s30 =	sld [smem:$0x0];
	_ =	sdelay $0x2  }
0xb7: {  	s31 =	sshll.u32 s1, $0xD;
	s1 =	sshrl.u32 s1, $0x2  }
0xb8: {  	s3 =	sand.u32 $0x4000, s31;
	s1 =	sadd.s32 s1, s30  }
0xb9: {  	s0 =	sor.u32 s3, s0;
	s1 =	sshll.u32 s1, $0x11  }
0xba: {  	s0 =	sor.u32 s1, s0  }
0xbb: {  	s0 =	sadd.s32 $0x8F2B, s0  }
0xbc: {  	[sflag:s0] =	ssyncadd.remote.s32 $0x1  }
0xbd: {  	_ =	sfence.sel $0xFFFF  }
0xbe: {  	[dreg:$0x0] =	wrdreg $0xFFFFFFFF;
	(pc) =	sbr.abs _section_cstart, $3  }
0xbf: {  	[dreg:$0x1] =	wrdreg $0xFFFFFFFF  }
0xc0: {  	_ =	task.clear_ibuf [dreg:s6], $0x2FFFF;
	_ =	strace $0x9FFFFFFF  }
0xc1: {  	(tm) =	ssettm $0x7FFFFFFF  }
tec
execute0_lowered:
.L_overlay_start_1:
0x0: {  	(tag) =	ssettag $0x1  }
0x1: {  	s1 =	srdreg.scid;
	s0 =	stileid.u32  }
0x2: {  	s25 =	sand.u32 $0x1, s1;
	s30 =	sshll.u32 s0, $0x1  }
0x3: {  	s13 =	sor.u32 s25, s30  }
0x4: {  	s24 =	smul.u32 $0x3200, s13  }
0x5: {  	s14 =	rddreg [dreg:$0x0];
	s2 =	simm.s32 $0x0;
	s3 =	simm.s32 $0x3  }
0x6: {  	[smem:$0x7FF] =	sst s2;
	s23 =	sadd.s32 $0x325200, s14;
	s5 =	sshrl.u32 s24, $0x3  }
0x7: {  	s1 =	rddreg [dreg:$0x1];
	_ =	strace $0x80000047;
	s4 =	sadd.s32 s23, s5  }
0x8: {  	[tilespmem:s2], [sflag:$0x3] =	stream.linear.gather [hbm4b:s4+s2], $0xC80, $0x38;
	[tilespmem:$0x1A900] =	vst v63  }
0x9: {  	_ =	swait.ge [sflag:s3], $0xC80  }
0xa: {  	s26 =	sadd.s32 $0x318A00, s14;
	[sflag:s3] =	ssyncset.done $0x0  }
0xb: {  	s6 =	simm.s32 $0xC80;
	s5 =	sadd.s32 s26, s5;
	[sflag:s3] =	ssyncadd.s32 $0xFFFFF380  }
0xc: {  	[tilespmem:s6], [sflag:$0x3] =	stream.linear.gather [hbm4b:s5+s2], $0xC80, $0x38;
	[tilespmem:$0x1A900] =	vst v63  }
0xd: {  	_ =	swait.ge [sflag:s3], $0xC80  }
0xe: {  	[sflag:s3] =	ssyncset.done $0x0  }
0xf: {  	s8 =	simm.s32 $0x1900;
	s7 =	sadd.s32 $0x4600, s14;
	[sflag:s3] =	ssyncadd.s32 $0xFFFFF380  }
0x10: {  	[tilespmem:s8], [sflag:$0x1] =	stream.indirect.gather [hbm4b:s7+s6], $0x10, s2, s6, $0xb8;
	[tilespmem:$0x1A900] =	vst v63  }
0x11: {  	s10 =	simm.s32 $0xE100;
	s11 =	simm.s32 $0x1;
	s9 =	sadd.s32 $0x314A00, s14  }
0x12: {  	[tilespmem:s10], [sflag:$0x2] =	stream.indirect.gather [hbm4b:s9+s6], $0x10, s6, s6, $0xb8;
	[tilespmem:$0x1A900] =	vst v63  }
0x13: {  	_ =	swait.ge [sflag:s11], $0xC800  }
0x14: {  	[sflag:s11] =	ssyncset.done $0x0  }
0x15: {  	s12 =	simm.s32 $0x2;
	[sflag:s11] =	ssyncadd.s32 $0xFFFF3800  }
0x16: {  	s15 =	smul.u32 $0x6400, s13;
	_ =	swait.ge [sflag:s12], $0xC800  }
0x17: {  	s29 =	sadd.s32 $0x12E200, s14;
	[sflag:s12] =	ssyncset.done $0x0  }
0x18: {  	s13 =	sadd.s32 s29, s15;
	[sflag:s12] =	ssyncadd.s32 $0xFFFF3800  }
0x19: {  	[hbm4b:s13+s2] =	stream.linear.scatter [tilespmem:s8], [sflag:$0x3], $0xC800, $0x38;
	[tilespmem:$0x1A900] =	vst v63  }
0x1a: {  	_ =	swait.ge [sflag:s3], $0xC800  }
0x1b: {  	s28 =	sadd.s32 $0x66200, s14;
	[sflag:s3] =	ssyncset.done $0x0  }
0x1c: {  	s14 =	sadd.s32 s28, s15;
	[sflag:s3] =	ssyncadd.s32 $0xFFFF3800  }
0x1d: {  	[hbm4b:s14+s2] =	stream.linear.scatter [tilespmem:s10], [sflag:$0x3], $0xC800, $0x38;
	[tilespmem:$0x1A900] =	vst v63  }
0x1e: {  	s17 =	sadd.s32 $0xC80, s24;
	_ =	swait.ge [sflag:s3], $0xC800  }
0x1f: {  	s16 =	sshrl.u32 s17, $0x3;
	[sflag:s3] =	ssyncset.done $0x0  }
0x20: {  	s15 =	sadd.s32 s23, s16;
	[sflag:s3] =	ssyncadd.s32 $0xFFFF3800  }
0x21: {  	[tilespmem:s2], [sflag:$0x3] =	stream.linear.gather [hbm4b:s15+s2], $0xC80, $0x38;
	[tilespmem:$0x1A900] =	vst v63  }
0x22: {  	_ =	swait.ge [sflag:s3], $0xC80  }
0x23: {  	[sflag:s3] =	ssyncset.done $0x0  }
0x24: {  	s16 =	sadd.s32 s26, s16;
	[sflag:s3] =	ssyncadd.s32 $0xFFFFF380  }
0x25: {  	[tilespmem:s6], [sflag:$0x3] =	stream.linear.gather [hbm4b:s16+s2], $0xC80, $0x38;
	[tilespmem:$0x1A900] =	vst v63  }
0x26: {  	_ =	swait.ge [sflag:s3], $0xC80  }
0x27: {  	[sflag:s3] =	ssyncset.done $0x0  }
0x28: {  	[sflag:s3] =	ssyncadd.s32 $0xFFFFF380  }
0x29: {  	[tilespmem:s8], [sflag:$0x1] =	stream.indirect.gather [hbm4b:s7+s6], $0x10, s2, s6, $0xb8;
	[tilespmem:$0x1A900] =	vst v63  }
0x2a: {  	_ = 	snop  }
0x2b: {  	[tilespmem:s10], [sflag:$0x2] =	stream.indirect.gather [hbm4b:s9+s6], $0x10, s6, s6, $0xb8;
	[tilespmem:$0x1A900] =	vst v63  }
0x2c: {  	_ =	swait.ge [sflag:s11], $0xC800  }
0x2d: {  	[sflag:s11] =	ssyncset.done $0x0  }
0x2e: {  	[sflag:s11] =	ssyncadd.s32 $0xFFFF3800  }
0x2f: {  	_ =	swait.ge [sflag:s12], $0xC800  }
0x30: {  	s18 =	sshll.u32 s17, $0x1;
	[sflag:s12] =	ssyncset.done $0x0  }
0x31: {  	s17 =	sadd.s32 s29, s18;
	[sflag:s12] =	ssyncadd.s32 $0xFFFF3800  }
0x32: {  	[hbm4b:s17+s2] =	stream.linear.scatter [tilespmem:s8], [sflag:$0x3], $0xC800, $0x38;
	[tilespmem:$0x1A900] =	vst v63  }
0x33: {  	_ =	swait.ge [sflag:s3], $0xC800  }
0x34: {  	[sflag:s3] =	ssyncset.done $0x0  }
0x35: {  	s18 =	sadd.s32 s28, s18;
	[sflag:s3] =	ssyncadd.s32 $0xFFFF3800  }
0x36: {  	[hbm4b:s18+s2] =	stream.linear.scatter [tilespmem:s10], [sflag:$0x3], $0xC800, $0x38;
	[tilespmem:$0x1A900] =	vst v63  }
0x37: {  	s21 =	sadd.s32 $0x1900, s24;
	_ =	swait.ge [sflag:s3], $0xC800  }
0x38: {  	s20 =	sshrl.u32 s21, $0x3;
	[sflag:s3] =	ssyncset.done $0x0  }
0x39: {  	s19 =	sadd.s32 s23, s20;
	[sflag:s3] =	ssyncadd.s32 $0xFFFF3800  }
0x3a: {  	[tilespmem:s2], [sflag:$0x3] =	stream.linear.gather [hbm4b:s19+s2], $0xC80, $0x38;
	[tilespmem:$0x1A900] =	vst v63  }
0x3b: {  	_ =	swait.ge [sflag:s3], $0xC80  }
0x3c: {  	[sflag:s3] =	ssyncset.done $0x0  }
0x3d: {  	s20 =	sadd.s32 s26, s20;
	[sflag:s3] =	ssyncadd.s32 $0xFFFFF380  }
0x3e: {  	[tilespmem:s6], [sflag:$0x3] =	stream.linear.gather [hbm4b:s20+s2], $0xC80, $0x38;
	[tilespmem:$0x1A900] =	vst v63  }
0x3f: {  	_ =	swait.ge [sflag:s3], $0xC80  }
0x40: {  	[sflag:s3] =	ssyncset.done $0x0  }
0x41: {  	[sflag:s3] =	ssyncadd.s32 $0xFFFFF380  }
0x42: {  	[tilespmem:s8], [sflag:$0x1] =	stream.indirect.gather [hbm4b:s7+s6], $0x10, s2, s6, $0xb8;
	[tilespmem:$0x1A900] =	vst v63  }
0x43: {  	_ = 	snop  }
0x44: {  	[tilespmem:s10], [sflag:$0x2] =	stream.indirect.gather [hbm4b:s9+s6], $0x10, s6, s6, $0xb8;
	[tilespmem:$0x1A900] =	vst v63  }
0x45: {  	_ =	swait.ge [sflag:s11], $0xC800  }
0x46: {  	[sflag:s11] =	ssyncset.done $0x0  }
0x47: {  	[sflag:s11] =	ssyncadd.s32 $0xFFFF3800  }
0x48: {  	_ =	swait.ge [sflag:s12], $0xC800  }
0x49: {  	s22 =	sshll.u32 s21, $0x1;
	[sflag:s12] =	ssyncset.done $0x0  }
0x4a: {  	s21 =	sadd.s32 s29, s22;
	[sflag:s12] =	ssyncadd.s32 $0xFFFF3800  }
0x4b: {  	[hbm4b:s21+s2] =	stream.linear.scatter [tilespmem:s8], [sflag:$0x3], $0xC800, $0x38;
	[tilespmem:$0x1A900] =	vst v63  }
0x4c: {  	_ =	swait.ge [sflag:s3], $0xC800  }
0x4d: {  	[sflag:s3] =	ssyncset.done $0x0  }
0x4e: {  	s22 =	sadd.s32 s28, s22;
	[sflag:s3] =	ssyncadd.s32 $0xFFFF3800  }
0x4f: {  	[hbm4b:s22+s2] =	stream.linear.scatter [tilespmem:s10], [sflag:$0x3], $0xC800, $0x38;
	[tilespmem:$0x1A900] =	vst v63  }
0x50: {  	s30 =	sadd.s32 $0x2580, s24;
	_ =	swait.ge [sflag:s3], $0xC800  }
0x51: {  	s24 =	sshrl.u32 s30, $0x3;
	[sflag:s3] =	ssyncset.done $0x0  }
0x52: {  	s23 =	sadd.s32 s23, s24;
	[sflag:s3] =	ssyncadd.s32 $0xFFFF3800  }
0x53: {  	[tilespmem:s2], [sflag:$0x3] =	stream.linear.gather [hbm4b:s23+s2], $0xC80, $0x38;
	[tilespmem:$0x1A900] =	vst v63  }
0x54: {  	_ =	swait.ge [sflag:s3], $0xC80  }
0x55: {  	[sflag:s3] =	ssyncset.done $0x0  }
0x56: {  	s24 =	sadd.s32 s26, s24;
	[sflag:s3] =	ssyncadd.s32 $0xFFFFF380  }
0x57: {  	[tilespmem:s6], [sflag:$0x3] =	stream.linear.gather [hbm4b:s24+s2], $0xC80, $0x38;
	[tilespmem:$0x1A900] =	vst v63  }
0x58: {  	_ =	swait.ge [sflag:s3], $0xC80  }
0x59: {  	[sflag:s3] =	ssyncset.done $0x0  }
0x5a: {  	[sflag:s3] =	ssyncadd.s32 $0xFFFFF380  }
0x5b: {  	[tilespmem:s8], [sflag:$0x1] =	stream.indirect.gather [hbm4b:s7+s6], $0x10, s2, s6, $0xb8;
	[tilespmem:$0x1A900] =	vst v63  }
0x5c: {  	_ = 	snop  }
0x5d: {  	[tilespmem:s10], [sflag:$0x2] =	stream.indirect.gather [hbm4b:s9+s6], $0x10, s6, s6, $0xb8;
	[tilespmem:$0x1A900] =	vst v63  }
0x5e: {  	_ =	swait.ge [sflag:s11], $0xC800  }
0x5f: {  	[sflag:s11] =	ssyncset.done $0x0  }
0x60: {  	s26 =	sshll.u32 s30, $0x1;
	s30 =	ssub.s32 $0x2, s25;
	[sflag:s11] =	ssyncadd.s32 $0xFFFF3800  }
0x61: {  	s31 =	sshrl.u32 s30, $0x1;
	_ =	swait.ge [sflag:s12], $0xC800  }
0x62: {  	s25 =	sadd.s32 s29, s26;
	s29 =	ssub.s32 s30, s31;
	[sflag:s12] =	ssyncset.done $0x0  }
0x63: {  	s26 =	sadd.s32 s28, s26;
	s28 =	smax.u32 s29, $0x1;
	[sflag:s12] =	ssyncadd.s32 $0xFFFF3800  }
0x64: {  	[hbm4b:s25+s2] =	stream.linear.scatter [tilespmem:s8], [sflag:$0x3], $0xC800, $0x38;
	[tilespmem:$0x1A900] =	vst v63  }
0x65: {  	p0 =	sne.s32 s28, $0x1;
	_ =	swait.ge [sflag:s3], $0xC800  }
.Ltmp0:
0x66: {  	[sflag:s3] =	ssyncset.done $0x0;
	(pc) =	sbr.rel @!p0 .LBB2_2-.Ltmp0, $4  }
0x67: {  	[sflag:s3] =	ssyncadd.s32 $0xFFFF3800  }
0x68: {  	[hbm4b:s26+s2] =	stream.linear.scatter [tilespmem:s10], [sflag:$0x3], $0xC800, $0x38;
	[tilespmem:$0x1A900] =	vst v63  }
0x69: {  	_ =	swait.ge [sflag:s3], $0xC800  }
0x6a: {  	s28 =	sadd.s32 $0xFFFFFFFF, s28;
	[sflag:s3] =	ssyncset.done $0x0  }
.LBB2_1:
0x6b: {  	p0 =	sne.s32 s28, $0x1;
	s28 =	sadd.s32 $0xFFFFFFFF, s28;
	[sflag:s3] =	ssyncadd.s32 $0xFFFF3800  }
0x6c: {  	[tilespmem:s2], [sflag:$0x3] =	stream.linear.gather [hbm4b:s4+s2], $0xC80, $0x38;
	[tilespmem:$0x1A900] =	vst v63  }
0x6d: {  	_ =	swait.ge [sflag:s3], $0xC80  }
0x6e: {  	[sflag:s3] =	ssyncset.done $0x0  }
0x6f: {  	[sflag:s3] =	ssyncadd.s32 $0xFFFFF380  }
0x70: {  	[tilespmem:s6], [sflag:$0x3] =	stream.linear.gather [hbm4b:s5+s2], $0xC80, $0x38;
	[tilespmem:$0x1A900] =	vst v63  }
0x71: {  	_ =	swait.ge [sflag:s3], $0xC80  }
0x72: {  	[sflag:s3] =	ssyncset.done $0x0  }
0x73: {  	[sflag:s3] =	ssyncadd.s32 $0xFFFFF380  }
0x74: {  	[tilespmem:s8], [sflag:$0x1] =	stream.indirect.gather [hbm4b:s7+s6], $0x10, s2, s6, $0xb8;
	[tilespmem:$0x1A900] =	vst v63  }
0x75: {  	_ = 	snop  }
0x76: {  	[tilespmem:s10], [sflag:$0x2] =	stream.indirect.gather [hbm4b:s9+s6], $0x10, s6, s6, $0xb8;
	[tilespmem:$0x1A900] =	vst v63  }
0x77: {  	_ =	swait.ge [sflag:s11], $0xC800  }
0x78: {  	[sflag:s11] =	ssyncset.done $0x0  }
0x79: {  	[sflag:s11] =	ssyncadd.s32 $0xFFFF3800  }
0x7a: {  	_ =	swait.ge [sflag:s12], $0xC800  }
0x7b: {  	[sflag:s12] =	ssyncset.done $0x0  }
0x7c: {  	[sflag:s12] =	ssyncadd.s32 $0xFFFF3800  }
0x7d: {  	[hbm4b:s13+s2] =	stream.linear.scatter [tilespmem:s8], [sflag:$0x3], $0xC800, $0x38;
	[tilespmem:$0x1A900] =	vst v63  }
0x7e: {  	_ =	swait.ge [sflag:s3], $0xC800  }
0x7f: {  	[sflag:s3] =	ssyncset.done $0x0  }
0x80: {  	[sflag:s3] =	ssyncadd.s32 $0xFFFF3800  }
0x81: {  	[hbm4b:s14+s2] =	stream.linear.scatter [tilespmem:s10], [sflag:$0x3], $0xC800, $0x38;
	[tilespmem:$0x1A900] =	vst v63  }
0x82: {  	_ =	swait.ge [sflag:s3], $0xC800  }
0x83: {  	[sflag:s3] =	ssyncset.done $0x0  }
0x84: {  	[sflag:s3] =	ssyncadd.s32 $0xFFFF3800  }
0x85: {  	[tilespmem:s2], [sflag:$0x3] =	stream.linear.gather [hbm4b:s15+s2], $0xC80, $0x38;
	[tilespmem:$0x1A900] =	vst v63  }
0x86: {  	_ =	swait.ge [sflag:s3], $0xC80  }
0x87: {  	[sflag:s3] =	ssyncset.done $0x0  }
0x88: {  	[sflag:s3] =	ssyncadd.s32 $0xFFFFF380  }
0x89: {  	[tilespmem:s6], [sflag:$0x3] =	stream.linear.gather [hbm4b:s16+s2], $0xC80, $0x38;
	[tilespmem:$0x1A900] =	vst v63  }
0x8a: {  	_ =	swait.ge [sflag:s3], $0xC80  }
0x8b: {  	[sflag:s3] =	ssyncset.done $0x0  }
0x8c: {  	[sflag:s3] =	ssyncadd.s32 $0xFFFFF380  }
0x8d: {  	[tilespmem:s8], [sflag:$0x1] =	stream.indirect.gather [hbm4b:s7+s6], $0x10, s2, s6, $0xb8;
	[tilespmem:$0x1A900] =	vst v63  }
0x8e: {  	_ = 	snop  }
0x8f: {  	[tilespmem:s10], [sflag:$0x2] =	stream.indirect.gather [hbm4b:s9+s6], $0x10, s6, s6, $0xb8;
	[tilespmem:$0x1A900] =	vst v63  }
0x90: {  	_ =	swait.ge [sflag:s11], $0xC800  }
0x91: {  	[sflag:s11] =	ssyncset.done $0x0  }
0x92: {  	[sflag:s11] =	ssyncadd.s32 $0xFFFF3800  }
0x93: {  	_ =	swait.ge [sflag:s12], $0xC800  }
0x94: {  	[sflag:s12] =	ssyncset.done $0x0  }
0x95: {  	[sflag:s12] =	ssyncadd.s32 $0xFFFF3800  }
0x96: {  	[hbm4b:s17+s2] =	stream.linear.scatter [tilespmem:s8], [sflag:$0x3], $0xC800, $0x38;
	[tilespmem:$0x1A900] =	vst v63  }
0x97: {  	_ =	swait.ge [sflag:s3], $0xC800  }
0x98: {  	[sflag:s3] =	ssyncset.done $0x0  }
0x99: {  	[sflag:s3] =	ssyncadd.s32 $0xFFFF3800  }
0x9a: {  	[hbm4b:s18+s2] =	stream.linear.scatter [tilespmem:s10], [sflag:$0x3], $0xC800, $0x38;
	[tilespmem:$0x1A900] =	vst v63  }
0x9b: {  	_ =	swait.ge [sflag:s3], $0xC800  }
0x9c: {  	[sflag:s3] =	ssyncset.done $0x0  }
0x9d: {  	[sflag:s3] =	ssyncadd.s32 $0xFFFF3800  }
0x9e: {  	[tilespmem:s2], [sflag:$0x3] =	stream.linear.gather [hbm4b:s19+s2], $0xC80, $0x38;
	[tilespmem:$0x1A900] =	vst v63  }
0x9f: {  	_ =	swait.ge [sflag:s3], $0xC80  }
0xa0: {  	[sflag:s3] =	ssyncset.done $0x0  }
0xa1: {  	[sflag:s3] =	ssyncadd.s32 $0xFFFFF380  }
0xa2: {  	[tilespmem:s6], [sflag:$0x3] =	stream.linear.gather [hbm4b:s20+s2], $0xC80, $0x38;
	[tilespmem:$0x1A900] =	vst v63  }
0xa3: {  	_ =	swait.ge [sflag:s3], $0xC80  }
0xa4: {  	[sflag:s3] =	ssyncset.done $0x0  }
0xa5: {  	[sflag:s3] =	ssyncadd.s32 $0xFFFFF380  }
0xa6: {  	[tilespmem:s8], [sflag:$0x1] =	stream.indirect.gather [hbm4b:s7+s6], $0x10, s2, s6, $0xb8;
	[tilespmem:$0x1A900] =	vst v63  }
0xa7: {  	_ = 	snop  }
0xa8: {  	[tilespmem:s10], [sflag:$0x2] =	stream.indirect.gather [hbm4b:s9+s6], $0x10, s6, s6, $0xb8;
	[tilespmem:$0x1A900] =	vst v63  }
0xa9: {  	_ =	swait.ge [sflag:s11], $0xC800  }
0xaa: {  	[sflag:s11] =	ssyncset.done $0x0  }
0xab: {  	[sflag:s11] =	ssyncadd.s32 $0xFFFF3800  }
0xac: {  	_ =	swait.ge [sflag:s12], $0xC800  }
0xad: {  	[sflag:s12] =	ssyncset.done $0x0  }
0xae: {  	[sflag:s12] =	ssyncadd.s32 $0xFFFF3800  }
0xaf: {  	[hbm4b:s21+s2] =	stream.linear.scatter [tilespmem:s8], [sflag:$0x3], $0xC800, $0x38;
	[tilespmem:$0x1A900] =	vst v63  }
0xb0: {  	_ =	swait.ge [sflag:s3], $0xC800  }
0xb1: {  	[sflag:s3] =	ssyncset.done $0x0  }
0xb2: {  	[sflag:s3] =	ssyncadd.s32 $0xFFFF3800  }
0xb3: {  	[hbm4b:s22+s2] =	stream.linear.scatter [tilespmem:s10], [sflag:$0x3], $0xC800, $0x38;
	[tilespmem:$0x1A900] =	vst v63  }
0xb4: {  	_ =	swait.ge [sflag:s3], $0xC800  }
0xb5: {  	[sflag:s3] =	ssyncset.done $0x0  }
0xb6: {  	[sflag:s3] =	ssyncadd.s32 $0xFFFF3800  }
0xb7: {  	[tilespmem:s2], [sflag:$0x3] =	stream.linear.gather [hbm4b:s23+s2], $0xC80, $0x38;
	[tilespmem:$0x1A900] =	vst v63  }
0xb8: {  	_ =	swait.ge [sflag:s3], $0xC80  }
0xb9: {  	[sflag:s3] =	ssyncset.done $0x0  }
0xba: {  	[sflag:s3] =	ssyncadd.s32 $0xFFFFF380  }
0xbb: {  	[tilespmem:s6], [sflag:$0x3] =	stream.linear.gather [hbm4b:s24+s2], $0xC80, $0x38;
	[tilespmem:$0x1A900] =	vst v63  }
0xbc: {  	_ =	swait.ge [sflag:s3], $0xC80  }
0xbd: {  	[sflag:s3] =	ssyncset.done $0x0  }
0xbe: {  	[sflag:s3] =	ssyncadd.s32 $0xFFFFF380  }
0xbf: {  	[tilespmem:s8], [sflag:$0x1] =	stream.indirect.gather [hbm4b:s7+s6], $0x10, s2, s6, $0xb8;
	[tilespmem:$0x1A900] =	vst v63  }
0xc0: {  	_ = 	snop  }
0xc1: {  	[tilespmem:s10], [sflag:$0x2] =	stream.indirect.gather [hbm4b:s9+s6], $0x10, s6, s6, $0xb8;
	[tilespmem:$0x1A900] =	vst v63  }
0xc2: {  	_ =	swait.ge [sflag:s11], $0xC800  }
0xc3: {  	[sflag:s11] =	ssyncset.done $0x0  }
0xc4: {  	[sflag:s11] =	ssyncadd.s32 $0xFFFF3800  }
0xc5: {  	_ =	swait.ge [sflag:s12], $0xC800  }
0xc6: {  	[sflag:s12] =	ssyncset.done $0x0  }
0xc7: {  	[sflag:s12] =	ssyncadd.s32 $0xFFFF3800  }
0xc8: {  	[hbm4b:s25+s2] =	stream.linear.scatter [tilespmem:s8], [sflag:$0x3], $0xC800, $0x38;
	[tilespmem:$0x1A900] =	vst v63  }
0xc9: {  	_ =	swait.ge [sflag:s3], $0xC800  }
.Ltmp1:
0xca: {  	[sflag:s3] =	ssyncset.done $0x0;
	(pc) =	sbr.rel @p0 .LBB2_1-.Ltmp1, $4  }
0xcb: {  	[sflag:s3] =	ssyncadd.s32 $0xFFFF3800  }
0xcc: {  	[hbm4b:s26+s2] =	stream.linear.scatter [tilespmem:s10], [sflag:$0x3], $0xC800, $0x38;
	[tilespmem:$0x1A900] =	vst v63  }
0xcd: {  	_ =	swait.ge [sflag:s3], $0xC800  }
0xce: {  	[sflag:s3] =	ssyncset.done $0x0  }
.LBB2_2:
0xcf: {  	[sflag:s3] =	ssyncadd.s32 $0xFFFF3800  }
0xd0: {  	_ =	sfence.sel $0x180000  }
0xd1: {  	[bflag:$0x0] =	sbarrier.arrive $0xFFFF  }
0xd2: {  	p0 =	sne.s32 s0, $0x0;
	_ =	strace $0x90000047  }
0xd3: {  	s0 =	sadd.s32 @!p0 $0x100000, s1;
	[bflag:$0x2] =	sbarrier.arrive $0xFFFF  }
0xd4: {  	[sflag:s0] =	ssyncadd.tile.s32 @!p0 $0x1;
	_ =	shalt  }
.Lfunc_end2:
_tile_overlayer_lowered:
.L_overlay_start_2:
0xd5: {  	(tag) =	ssettag $0x2  }
0xd6: {  	s0 =	rddreg [dreg:$0x0];
	s2 =	stileid.u32  }
0xd7: {  	s1 =	rddreg [dreg:$0x1];
	p0 =	sne.s32 s2, $0x0  }
0xd8: {  	s3 =	rddreg [dreg:$0x2];
	[bflag:$0x3] =	sbarrier.arrive $0xFFFF;
	s2 =	simm.s32 @!p0 $0x1C03  }
0xd9: {  	[timem:s3], [sflag:s2] =	dma.local @!p0 [hbm:s0], s1  }
0xda: {  	s0 =	simm.s32 @!p0 $0x3  }
0xdb: {  	_ =	swait.ge @!p0 [sflag:s0], s1  }
0xdc: {  	s1 =	ssub.s32 @!p0 $0x0, s1;
	[sflag:s0] =	ssyncset.done @!p0 $0x0  }
0xdd: {  	[sflag:s0] =	ssyncadd.s32 @!p0 s1  }
0xde: {  	[bflag:$0x3] =	sbarrier.arrive $0xFFFF  }
0xdf: {  	_ =	shalt  }

</sc_bundles>
